<compile_context>
chip_gen: v7x
topology: tpu7x:2x2x1
jax: 0.10.2.dev20260603
libtpu: 0.0.44.dev20260713+nightly
codegen_flags: <defaults>
</compile_context>

<pallas_src>
import functools

import jax
import jax.numpy as jnp
from jax import lax
from jax.experimental import pallas as pl
from jax.experimental.pallas import tpu as pltpu
from jax.experimental.pallas import tpu_sc as plsc

N = 10000
E = 320000
F = 128
G = 64

NC = 2
NS = 16
NW = NC * NS
NH = 1
CH = 80
NCH = 125
PER_W = NCH * CH
EH = NW * PER_W
EPAD = NH * EH
NBUF = 5
NPAD = 10240
SEG = NPAD // NS

BE = 5000
NBLK = EH // BE


def _pack_halves(m):
    lo = lax.bitcast_convert_type(
        m[:, :F].astype(jnp.bfloat16).astype(jnp.float32), jnp.uint32)
    hi = lax.bitcast_convert_type(
        m[:, F:].astype(jnp.bfloat16).astype(jnp.float32), jnp.uint32)
    word = (lo >> 16) | (hi & jnp.uint32(0xFFFF0000))
    return lax.bitcast_convert_type(word, jnp.int32)


def _unpack_halves(w):
    u = lax.bitcast_convert_type(w, jnp.uint32)
    lo = lax.bitcast_convert_type(u << 16, jnp.float32)
    hi = lax.bitcast_convert_type(u & jnp.uint32(0xFFFF0000), jnp.float32)
    return lo, hi


def _tc_pre_body(x_ref, w0_ref, b0_ref, gw_ref, batch_ref, a_ref, b_ref,
                 xgseg_ref, cnt_ref):
    x = x_ref[...]
    w0 = w0_ref[...]
    a = jnp.dot(x, w0[:F, :], preferred_element_type=jnp.float32)
    b = jnp.dot(x, w0[F:, :], preferred_element_type=jnp.float32) \
        + b0_ref[...][None, :]
    a_ref[...] = _pack_halves(a)
    b_ref[...] = _pack_halves(b)
    ids = lax.broadcasted_iota(jnp.int32, (G, N), 0)
    maskf = (ids == batch_ref[...][None, :]).astype(jnp.float32)
    cnt_ref[...] = jnp.sum(maskf, axis=1, keepdims=True)
    sumx = jnp.dot(maskf, x, preferred_element_type=jnp.float32)
    xgseg_ref[...] = jnp.dot(sumx, gw_ref[...][:F, :],
                             preferred_element_type=jnp.float32)


def _tc_pre(x, phi_W0, phi_b0, gamma_W, batch32):
    return pl.pallas_call(
        _tc_pre_body,
        out_shape=(
            jax.ShapeDtypeStruct((N, F), jnp.int32),
            jax.ShapeDtypeStruct((N, F), jnp.int32),
            jax.ShapeDtypeStruct((G, 1), jnp.float32),
            jax.ShapeDtypeStruct((G, 1), jnp.float32),
        ),
    )(x, phi_W0, phi_b0, gamma_W, batch32)


def _sc_gather_body(a_hbm, b_hbm, sd_hbm, pa_hbm, pb_hbm,
                    ipk, idxa, idxb, bufa, bufb, sems):
    wid = lax.axis_index("s") * NC + lax.axis_index("c")
    base0 = wid * PER_W
    pltpu.sync_copy(sd_hbm.at[wid], ipk)

    def unpack(c, b):
        for j in range(CH // 16):
            w = ipk[c, pl.ds(j * 16, 16)]
            idxa[b][pl.ds(j * 16, 16)] = w & 0xFFFF
            idxb[b][pl.ds(j * 16, 16)] = (w >> 16) & 0xFFFF

    def issue(c, b):
        pltpu.async_copy(a_hbm.at[idxa[b]], bufa[b], sems[b])
        pltpu.async_copy(b_hbm.at[idxb[b]], bufb[b], sems[b])

    for b in range(NBUF):
        unpack(b, b)
        issue(b, b)

    def outer(g, _):
        for b in range(NBUF):
            c = g * NBUF + b
            pltpu.make_async_copy(a_hbm.at[idxa[b]], bufa[b], sems[b]).wait()
            pltpu.make_async_copy(b_hbm.at[idxb[b]], bufb[b], sems[b]).wait()
            base = base0 + c * CH
            pltpu.sync_copy(bufa[b], pa_hbm.at[pl.ds(base, CH)])
            pltpu.sync_copy(bufb[b], pb_hbm.at[pl.ds(base, CH)])

            @pl.when(c + NBUF < NCH)
            def _():
                unpack(c + NBUF, b)
                issue(c + NBUF, b)
        return 0

    lax.fori_loop(0, NCH // NBUF, outer, 0)


def _sc_gather(A, B, sd3):
    mesh = plsc.VectorSubcoreMesh(core_axis_name="c", subcore_axis_name="s")
    f = pl.kernel(
        _sc_gather_body,
        out_type=(
            jax.ShapeDtypeStruct((EH, F), jnp.int32),
            jax.ShapeDtypeStruct((EH, F), jnp.int32),
        ),
        mesh=mesh,
        scratch_types=(
            pltpu.VMEM((NCH, CH), jnp.int32),
            [pltpu.VMEM((CH,), jnp.int32) for _ in range(NBUF)],
            [pltpu.VMEM((CH,), jnp.int32) for _ in range(NBUF)],
            [pltpu.VMEM((CH, F), jnp.int32) for _ in range(NBUF)],
            [pltpu.VMEM((CH, F), jnp.int32) for _ in range(NBUF)],
            [pltpu.SemaphoreType.DMA for _ in range(NBUF)],
        ),
    )
    return f(A, B, sd3)


def _tc_mlp_body(pa_ref, pb_ref, w1_ref, b1_ref, wout_ref, gwt_ref, t_ref):
    pa_lo, pa_hi = _unpack_halves(pa_ref[...])
    pb_lo, pb_hi = _unpack_halves(pb_ref[...])
    h_lo = jnp.tanh(pa_lo + pb_lo).astype(jnp.bfloat16)
    h_hi = jnp.tanh(pa_hi + pb_hi).astype(jnp.bfloat16)
    w1 = w1_ref[...]
    z = (jnp.dot(h_lo, w1[:F, :], preferred_element_type=jnp.float32)
         + jnp.dot(h_hi, w1[F:, :], preferred_element_type=jnp.float32)
         + b1_ref[...][None, :])
    h1 = jnp.tanh(z).astype(jnp.bfloat16)
    msg = jnp.tanh(jnp.dot(h1, wout_ref[...],
                           preferred_element_type=jnp.float32))
    gw2_row = gwt_ref[...][:, F:]
    t_row = lax.dot_general(gw2_row, msg, (((1,), (1,)), ((), ())),
                            preferred_element_type=jnp.float32)
    t_ref[...] = t_row.reshape(1, 1, BE)


def _tc_mlp(PA, PB, phi_W1, phi_b1, phi_Wout, gamma_W):
    return pl.pallas_call(
        _tc_mlp_body,
        grid=(NBLK,),
        in_specs=[
            pl.BlockSpec((BE, F), lambda i: (i, 0)),
            pl.BlockSpec((BE, F), lambda i: (i, 0)),
            pl.BlockSpec((2 * F, 2 * F), lambda i: (0, 0)),
            pl.BlockSpec((2 * F,), lambda i: (0,)),
            pl.BlockSpec((2 * F, F), lambda i: (0, 0)),
            pl.BlockSpec((1, 2 * F), lambda i: (0, 0)),
        ],
        out_specs=pl.BlockSpec((1, 1, BE), lambda i: (i, 0, 0)),
        out_shape=jax.ShapeDtypeStruct((NBLK, 1, BE), jnp.float32),
        name="tc_mlp",
        compiler_params=pltpu.CompilerParams(
            dimension_semantics=("arbitrary",)),
    )(PA, PB, phi_W1.astype(jnp.bfloat16), phi_b1,
      phi_Wout.astype(jnp.bfloat16), gamma_W.reshape(1, 2 * F))


def _sc_scatter_body(t_hbm, src_hbm, out_hbm, acc, tbuf, ibuf, zbuf, sem):
    cid = lax.axis_index("c")
    sid = lax.axis_index("s")
    wid = sid * NC + cid

    def zstep(j, _):
        zbuf[pl.ds(j * 16, 16)] = jnp.zeros((16,), jnp.float32)
        return 0

    lax.fori_loop(0, SEG // 16, zstep, 0)
    pltpu.sync_copy(zbuf, acc.at[pl.ds(sid * SEG, SEG)])
    pltpu.sync_copy(t_hbm.at[wid], tbuf)
    pltpu.sync_copy(src_hbm.at[wid], ibuf)
    plsc.subcore_barrier()

    def step(g, _):
        for j in range(NBUF):
            r = g * NBUF + j
            pltpu.async_copy(tbuf.at[r], acc.at[ibuf.at[r]], sem, add=True)
        for j in range(NBUF):
            r = g * NBUF + j
            pltpu.make_async_copy(tbuf.at[r], acc.at[ibuf.at[r]], sem).wait()
        return 0

    lax.fori_loop(0, NCH // NBUF, step, 0)
    plsc.subcore_barrier()
    pltpu.sync_copy(acc.at[pl.ds(sid * SEG, SEG)],
                    out_hbm.at[pl.ds(cid * NPAD + sid * SEG, SEG)])


def _sc_scatter(t2, src2):
    mesh = plsc.VectorSubcoreMesh(core_axis_name="c", subcore_axis_name="s")
    f = pl.kernel(
        _sc_scatter_body,
        out_type=jax.ShapeDtypeStruct((NC * NPAD,), jnp.float32),
        mesh=mesh,
        scratch_types=(
            pltpu.VMEM_SHARED((NPAD,), jnp.float32),
            pltpu.VMEM((NCH, CH), jnp.float32),
            pltpu.VMEM((NCH, CH), jnp.int32),
            pltpu.VMEM((SEG,), jnp.float32),
            pltpu.SemaphoreType.DMA,
        ),
    )
    return f(t2, src2)


def _tc_final_body(p_ref, xgseg_ref, cnt_ref, batch_ref, gb_ref, out_ref):
    aggr = jnp.sum(p_ref[:, :N], axis=0, keepdims=True)
    ids = lax.broadcasted_iota(jnp.int32, (G, N), 0)
    maskf = (ids == batch_ref[...][None, :]).astype(jnp.float32)
    aggrseg = jnp.sum(maskf * aggr, axis=1, keepdims=True)
    cnt = cnt_ref[...]
    num = xgseg_ref[...] + aggrseg + gb_ref[...][None, :] * cnt
    out_ref[...] = num / jnp.maximum(cnt, 1.0)


def _tc_final(partials, xgseg, counts, batch32, gamma_b):
    return pl.pallas_call(
        _tc_final_body,
        out_shape=jax.ShapeDtypeStruct((G, 1), jnp.float32),
    )(partials, xgseg, counts, batch32, gamma_b)


def kernel(x, edge_index, batch, phi_W0, phi_b0, phi_W1, phi_b1, phi_Wout,
           gamma_W, gamma_b):
    src = edge_index[0].astype(jnp.int32)
    dst = edge_index[1].astype(jnp.int32)
    batch32 = batch.astype(jnp.int32)
    pad = EPAD - E
    sd4 = jnp.concatenate(
        [src | (dst << 16), jnp.zeros((pad,), jnp.int32)]
    ).reshape(NH, NW, NCH, CH)
    src4 = jnp.concatenate(
        [src, jnp.full((pad,), N, jnp.int32)]
    ).reshape(NH, NW, NCH, CH)
    A, B, xgseg, counts = _tc_pre(x, phi_W0, phi_b0, gamma_W, batch32)
    parts = []
    for h in range(NH):
        PA, PB = _sc_gather(A, B, sd4[h])
        t = _tc_mlp(PA, PB, phi_W1, phi_b1, phi_Wout, gamma_W)
        parts.append(_sc_scatter(t.reshape(NW, NCH, CH), src4[h]))
    partials = jnp.concatenate(parts).reshape(NH * NC, NPAD)
    return _tc_final(partials, xgseg, counts, batch32, gamma_b)

# --- scband reference (transcript-rebuilt; emitter-appended) ---
"""Pipeline reference for scband-quantum-geo-gnn-52656299049059 (READ-ONLY COPY).

The authoritative reference and input builder live on the scoring server;
editing this copy changes nothing except your own understanding.
"""

import jax, jax.numpy as jnp
import numpy as np

N = 10000
E = 320000
F = 128
NUM_GRAPHS = 64


def setup_inputs(seed: int = 0) -> dict:
    key = jax.random.key(seed)
    ks = jax.random.split(key, 12)
    x = jax.random.normal(ks[0], (N, F), dtype=jnp.float32)
    edge_index = jax.random.randint(ks[1], (2, E), 0, N, dtype=jnp.int64)
    batch = jnp.sort(jax.random.randint(ks[2], (N,), 0, NUM_GRAPHS, dtype=jnp.int64))
    # phi: surrogate for QuantumMLP(num_qubits=2F, num_layers=2, num_reupload=1,
    # measurements = F Pauli-X expectations) -> bounded outputs via tanh layers
    s = 1.0 / np.sqrt(2 * F)
    phi_W0 = jax.random.normal(ks[3], (2 * F, 2 * F), dtype=jnp.float32) * s
    phi_b0 = jnp.zeros((2 * F,), dtype=jnp.float32)
    phi_W1 = jax.random.normal(ks[4], (2 * F, 2 * F), dtype=jnp.float32) * s
    phi_b1 = jnp.zeros((2 * F,), dtype=jnp.float32)
    phi_Wout = jax.random.normal(ks[5], (2 * F, F), dtype=jnp.float32) * s
    # gamma: ClassicalMLP(in=2F, out=1, hidden=0, num_layers=0) == single Linear(2F, 1)
    gamma_W = jax.random.normal(ks[6], (2 * F, 1), dtype=jnp.float32) * s
    gamma_b = jnp.zeros((1,), dtype=jnp.float32)
    return {
        "x": x, "edge_index": edge_index, "batch": batch,
        "phi_W0": phi_W0, "phi_b0": phi_b0,
        "phi_W1": phi_W1, "phi_b1": phi_b1,
        "phi_Wout": phi_Wout,
        "gamma_W": gamma_W, "gamma_b": gamma_b,
    }


def reference(x, edge_index, batch, phi_W0, phi_b0, phi_W1, phi_b1, phi_Wout, gamma_W, gamma_b):
    # flow='target_to_source' in PyG: i-index = edge_index[0], j-index = edge_index[1];
    # messages aggregated at edge_index[0]
    src = edge_index[0]
    dst = edge_index[1]
    x_i = jnp.take(x, src, axis=0)  # [E, F]
    x_j = jnp.take(x, dst, axis=0)  # [E, F]
    # message = phi(cat(x_i, x_j))
    m = jnp.concatenate([x_i, x_j], axis=-1)  # [E, 2F]
    h = jnp.tanh(m @ phi_W0 + phi_b0)
    h = jnp.tanh(h @ phi_W1 + phi_b1)
    msg = jnp.tanh(h @ phi_Wout)  # [E, F]; X-expectations bounded in [-1, 1]
    # aggr='sum' at i (src)
    aggr = jax.ops.segment_sum(msg, src, num_segments=N)  # [N, F]
    # update = gamma(cat(x, aggr))
    upd = jnp.concatenate([x, aggr], axis=-1) @ gamma_W + gamma_b  # [N, 1]
    # global_mean_pool over batch
    sums = jax.ops.segment_sum(upd, batch, num_segments=NUM_GRAPHS)  # [G, 1]
    counts = jax.ops.segment_sum(jnp.ones((N, 1), dtype=jnp.float32), batch, num_segments=NUM_GRAPHS)
    return sums / jnp.maximum(counts, 1.0)

if __name__ == "__main__":
    import jax
    _d = setup_inputs()
    print(jax.jit(kernel)(*tuple(_d.values())))

</pallas_src>

<mosaic_0001>
#map = affine_map<(d0, d1) -> (0, 0)>
#map1 = affine_map<(d0, d1) -> (0, 0, 0)>
module attributes {stable_mosaic.version = 14 : i64} {
  func.func @_sc_gather_body(%arg0: i32, %arg1: i32, %arg2: memref<10000x128xi32, #tpu.memory_space<hbm>>, %arg3: memref<10000x128xi32, #tpu.memory_space<hbm>>, %arg4: memref<32x125x80xi32, #tpu.memory_space<hbm>>, %arg5: memref<320000x128xi32, #tpu.memory_space<hbm>>, %arg6: memref<320000x128xi32, #tpu.memory_space<hbm>>, %arg7: memref<125x80xi32, #tpu.memory_space<vmem>>, %arg8: memref<80xi32, #tpu.memory_space<vmem>>, %arg9: memref<80xi32, #tpu.memory_space<vmem>>, %arg10: memref<80xi32, #tpu.memory_space<vmem>>, %arg11: memref<80xi32, #tpu.memory_space<vmem>>, %arg12: memref<80xi32, #tpu.memory_space<vmem>>, %arg13: memref<80xi32, #tpu.memory_space<vmem>>, %arg14: memref<80xi32, #tpu.memory_space<vmem>>, %arg15: memref<80xi32, #tpu.memory_space<vmem>>, %arg16: memref<80xi32, #tpu.memory_space<vmem>>, %arg17: memref<80xi32, #tpu.memory_space<vmem>>, %arg18: memref<80x128xi32, #tpu.memory_space<vmem>>, %arg19: memref<80x128xi32, #tpu.memory_space<vmem>>, %arg20: memref<80x128xi32, #tpu.memory_space<vmem>>, %arg21: memref<80x128xi32, #tpu.memory_space<vmem>>, %arg22: memref<80x128xi32, #tpu.memory_space<vmem>>, %arg23: memref<80x128xi32, #tpu.memory_space<vmem>>, %arg24: memref<80x128xi32, #tpu.memory_space<vmem>>, %arg25: memref<80x128xi32, #tpu.memory_space<vmem>>, %arg26: memref<80x128xi32, #tpu.memory_space<vmem>>, %arg27: memref<80x128xi32, #tpu.memory_space<vmem>>, %arg28: memref<!tpu.dma_semaphore, #tpu.memory_space<semaphore_mem>>, %arg29: memref<!tpu.dma_semaphore, #tpu.memory_space<semaphore_mem>>, %arg30: memref<!tpu.dma_semaphore, #tpu.memory_space<semaphore_mem>>, %arg31: memref<!tpu.dma_semaphore, #tpu.memory_space<semaphore_mem>>, %arg32: memref<!tpu.dma_semaphore, #tpu.memory_space<semaphore_mem>>) attributes {dimension_semantics = [#tpu.dimension_semantics<core_parallel>, #tpu.dimension_semantics<subcore_parallel>], iteration_bounds = array<i64: 2, 16>, scalar_prefetch = 0 : i64, scratch_operands = 26 : i64, tpu.core_type = #tpu.core_type<sc_vector_subcore>, window_params = [{transform_indices = #map}, {transform_indices = #map}, {transform_indices = #map1}, {transform_indices = #map}, {transform_indices = #map}]} {
    %mul3A = arith.constant 2 : i32
    %mul3A_0 = arith.muli %arg1, %mul3A : i32
    %add3A = arith.addi %mul3A_0, %arg0 : i32
    %mul3A_1 = arith.constant 10000 : i32
    %mul3A_2 = arith.muli %add3A, %mul3A_1 : i32
    "tpu.region"() ({
      %run_scoped3A = tpu.sem_alloc : memref<!tpu.dma_semaphore, #tpu.memory_space<semaphore_mem>>
      %dma_start3A_584 = arith.constant 0 : i32
      %dma_start3A_585 = arith.constant 0 : i32
      %dma_start3A_586 = tpu.memref_slice %arg4[%add3A, %dma_start3A_584, %dma_start3A_585] : memref<32x125x80xi32, #tpu.memory_space<hbm>> -> memref<1x125x80xi32, #tpu.memory_space<hbm>>
      %dma_start3A_587 = tpu.memref_squeeze %dma_start3A_586 : memref<1x125x80xi32, #tpu.memory_space<hbm>> -> memref<125x80xi32, #tpu.memory_space<hbm>>
      %dma_start3A_588 = arith.constant 0 : i32
      %dma_start3A_589 = arith.constant 0 : i32
      %dma_start3A_590 = tpu.memref_slice %arg4[%add3A, %dma_start3A_588, %dma_start3A_589] : memref<32x125x80xi32, #tpu.memory_space<hbm>> -> memref<1x125x80xi32, #tpu.memory_space<hbm>>
      %dma_start3A_591 = tpu.memref_squeeze %dma_start3A_590 : memref<1x125x80xi32, #tpu.memory_space<hbm>> -> memref<125x80xi32, #tpu.memory_space<hbm>>
      tpu.enqueue_dma source(%dma_start3A_591 : memref<125x80xi32, #tpu.memory_space<hbm>>) target(%arg7 : memref<125x80xi32, #tpu.memory_space<vmem>>) target_semaphore(%run_scoped3A : memref<!tpu.dma_semaphore, #tpu.memory_space<semaphore_mem>>)
      %dma_wait3A = arith.constant 0 : i32
      %dma_wait3A_592 = arith.constant 0 : i32
      %dma_wait3A_593 = tpu.memref_slice %arg4[%add3A, %dma_wait3A, %dma_wait3A_592] : memref<32x125x80xi32, #tpu.memory_space<hbm>> -> memref<1x125x80xi32, #tpu.memory_space<hbm>>
      %dma_wait3A_594 = tpu.memref_squeeze %dma_wait3A_593 : memref<1x125x80xi32, #tpu.memory_space<hbm>> -> memref<125x80xi32, #tpu.memory_space<hbm>>
      %dma_wait3A_595 = arith.constant 0 : i32
      %dma_wait3A_596 = arith.constant 0 : i32
      %dma_wait3A_597 = tpu.memref_slice %arg4[%add3A, %dma_wait3A_595, %dma_wait3A_596] : memref<32x125x80xi32, #tpu.memory_space<hbm>> -> memref<1x125x80xi32, #tpu.memory_space<hbm>>
      %dma_wait3A_598 = tpu.memref_squeeze %dma_wait3A_597 : memref<1x125x80xi32, #tpu.memory_space<hbm>> -> memref<125x80xi32, #tpu.memory_space<hbm>>
      tpu.wait_dma2 semaphore(%run_scoped3A : memref<!tpu.dma_semaphore, #tpu.memory_space<semaphore_mem>>) src(%dma_wait3A_598 : memref<125x80xi32, #tpu.memory_space<hbm>>) dst(%arg7 : memref<125x80xi32, #tpu.memory_space<vmem>>)
      tpu.yield
    }) : () -> ()
    %get3A = arith.constant 0 : i32
    %get3A_3 = arith.index_cast %get3A : i32 to index
    %get3A_4 = arith.constant 0 : index
    %get3A_5 = tpu.vector_load %arg7[%get3A_3, %get3A_4] {strides = array<i32>} : memref<125x80xi32, #tpu.memory_space<vmem>>, vector<1x16xi32>,
    %get3A_6 = vector.shape_cast %get3A_5 : vector<1x16xi32> to vector<16xi32>
    %and3A = arith.constant 65535 : i32
    %and3A_7 = vector.broadcast %and3A : i32 to vector<16xi32>
    %and3A_8 = arith.andi %get3A_6, %and3A_7 : vector<16xi32>
    %swap3A = arith.constant 0 : index
    %swap3A_9 = tpu.vector_load %arg8[%swap3A] {strides = array<i32>} : memref<80xi32, #tpu.memory_space<vmem>>, vector<16xi32>,
    %swap3A_10 = vector.shape_cast %swap3A_9 : vector<16xi32> to vector<16xi32>
    %swap3A_11 = vector.shape_cast %and3A_8 : vector<16xi32> to vector<16xi32>
    tpu.vector_store %arg8[%swap3A], %swap3A_11 {strides = array<i32>} : memref<80xi32, #tpu.memory_space<vmem>>, vector<16xi32>,
    %shift_right_arithmetic3A = arith.constant 16 : i32
    %shift_right_arithmetic3A_12 = vector.broadcast %shift_right_arithmetic3A : i32 to vector<16xi32>
    %shift_right_arithmetic3A_13 = arith.shrsi %get3A_6, %shift_right_arithmetic3A_12 : vector<16xi32>
    %and3A_14 = arith.constant 65535 : i32
    %and3A_15 = vector.broadcast %and3A_14 : i32 to vector<16xi32>
    %and3A_16 = arith.andi %shift_right_arithmetic3A_13, %and3A_15 : vector<16xi32>
    %swap3A_17 = arith.constant 0 : index
    %swap3A_18 = tpu.vector_load %arg13[%swap3A_17] {strides = array<i32>} : memref<80xi32, #tpu.memory_space<vmem>>, vector<16xi32>,
    %swap3A_19 = vector.shape_cast %swap3A_18 : vector<16xi32> to vector<16xi32>
    %swap3A_20 = vector.shape_cast %and3A_16 : vector<16xi32> to vector<16xi32>
    tpu.vector_store %arg13[%swap3A_17], %swap3A_20 {strides = array<i32>} : memref<80xi32, #tpu.memory_space<vmem>>, vector<16xi32>,
    %get3A_21 = arith.constant 0 : i32
    %get3A_22 = arith.index_cast %get3A_21 : i32 to index
    %get3A_23 = arith.constant 16 : index
    %get3A_24 = tpu.vector_load %arg7[%get3A_22, %get3A_23] {strides = array<i32>} : memref<125x80xi32, #tpu.memory_space<vmem>>, vector<1x16xi32>,
    %get3A_25 = vector.shape_cast %get3A_24 : vector<1x16xi32> to vector<16xi32>
    %and3A_26 = arith.constant 65535 : i32
    %and3A_27 = vector.broadcast %and3A_26 : i32 to vector<16xi32>
    %and3A_28 = arith.andi %get3A_25, %and3A_27 : vector<16xi32>
    %swap3A_29 = arith.constant 16 : index
    %swap3A_30 = tpu.vector_load %arg8[%swap3A_29] {strides = array<i32>} : memref<80xi32, #tpu.memory_space<vmem>>, vector<16xi32>,
    %swap3A_31 = vector.shape_cast %swap3A_30 : vector<16xi32> to vector<16xi32>
    %swap3A_32 = vector.shape_cast %and3A_28 : vector<16xi32> to vector<16xi32>
    tpu.vector_store %arg8[%swap3A_29], %swap3A_32 {strides = array<i32>} : memref<80xi32, #tpu.memory_space<vmem>>, vector<16xi32>,
    %shift_right_arithmetic3A_33 = arith.constant 16 : i32
    %shift_right_arithmetic3A_34 = vector.broadcast %shift_right_arithmetic3A_33 : i32 to vector<16xi32>
    %shift_right_arithmetic3A_35 = arith.shrsi %get3A_25, %shift_right_arithmetic3A_34 : vector<16xi32>
    %and3A_36 = arith.constant 65535 : i32
    %and3A_37 = vector.broadcast %and3A_36 : i32 to vector<16xi32>
    %and3A_38 = arith.andi %shift_right_arithmetic3A_35, %and3A_37 : vector<16xi32>
    %swap3A_39 = arith.constant 16 : index
    %swap3A_40 = tpu.vector_load %arg13[%swap3A_39] {strides = array<i32>} : memref<80xi32, #tpu.memory_space<vmem>>, vector<16xi32>,
    %swap3A_41 = vector.shape_cast %swap3A_40 : vector<16xi32> to vector<16xi32>
    %swap3A_42 = vector.shape_cast %and3A_38 : vector<16xi32> to vector<16xi32>
    tpu.vector_store %arg13[%swap3A_39], %swap3A_42 {strides = array<i32>} : memref<80xi32, #tpu.memory_space<vmem>>, vector<16xi32>,
    %get3A_43 = arith.constant 0 : i32
    %get3A_44 = arith.index_cast %get3A_43 : i32 to index
    %get3A_45 = arith.constant 32 : index
    %get3A_46 = tpu.vector_load %arg7[%get3A_44, %get3A_45] {strides = array<i32>} : memref<125x80xi32, #tpu.memory_space<vmem>>, vector<1x16xi32>,
    %get3A_47 = vector.shape_cast %get3A_46 : vector<1x16xi32> to vector<16xi32>
    %and3A_48 = arith.constant 65535 : i32
    %and3A_49 = vector.broadcast %and3A_48 : i32 to vector<16xi32>
    %and3A_50 = arith.andi %get3A_47, %and3A_49 : vector<16xi32>
    %swap3A_51 = arith.constant 32 : index
    %swap3A_52 = tpu.vector_load %arg8[%swap3A_51] {strides = array<i32>} : memref<80xi32, #tpu.memory_space<vmem>>, vector<16xi32>,
    %swap3A_53 = vector.shape_cast %swap3A_52 : vector<16xi32> to vector<16xi32>
    %swap3A_54 = vector.shape_cast %and3A_50 : vector<16xi32> to vector<16xi32>
    tpu.vector_store %arg8[%swap3A_51], %swap3A_54 {strides = array<i32>} : memref<80xi32, #tpu.memory_space<vmem>>, vector<16xi32>,
    %shift_right_arithmetic3A_55 = arith.constant 16 : i32
    %shift_right_arithmetic3A_56 = vector.broadcast %shift_right_arithmetic3A_55 : i32 to vector<16xi32>
    %shift_right_arithmetic3A_57 = arith.shrsi %get3A_47, %shift_right_arithmetic3A_56 : vector<16xi32>
    %and3A_58 = arith.constant 65535 : i32
    %and3A_59 = vector.broadcast %and3A_58 : i32 to vector<16xi32>
    %and3A_60 = arith.andi %shift_right_arithmetic3A_57, %and3A_59 : vector<16xi32>
    %swap3A_61 = arith.constant 32 : index
    %swap3A_62 = tpu.vector_load %arg13[%swap3A_61] {strides = array<i32>} : memref<80xi32, #tpu.memory_space<vmem>>, vector<16xi32>,
    %swap3A_63 = vector.shape_cast %swap3A_62 : vector<16xi32> to vector<16xi32>
    %swap3A_64 = vector.shape_cast %and3A_60 : vector<16xi32> to vector<16xi32>
    tpu.vector_store %arg13[%swap3A_61], %swap3A_64 {strides = array<i32>} : memref<80xi32, #tpu.memory_space<vmem>>, vector<16xi32>,
    %get3A_65 = arith.constant 0 : i32
    %get3A_66 = arith.index_cast %get3A_65 : i32 to index
    %get3A_67 = arith.constant 48 : index
    %get3A_68 = tpu.vector_load %arg7[%get3A_66, %get3A_67] {strides = array<i32>} : memref<125x80xi32, #tpu.memory_space<vmem>>, vector<1x16xi32>,
    %get3A_69 = vector.shape_cast %get3A_68 : vector<1x16xi32> to vector<16xi32>
    %and3A_70 = arith.constant 65535 : i32
    %and3A_71 = vector.broadcast %and3A_70 : i32 to vector<16xi32>
    %and3A_72 = arith.andi %get3A_69, %and3A_71 : vector<16xi32>
    %swap3A_73 = arith.constant 48 : index
    %swap3A_74 = tpu.vector_load %arg8[%swap3A_73] {strides = array<i32>} : memref<80xi32, #tpu.memory_space<vmem>>, vector<16xi32>,
    %swap3A_75 = vector.shape_cast %swap3A_74 : vector<16xi32> to vector<16xi32>
    %swap3A_76 = vector.shape_cast %and3A_72 : vector<16xi32> to vector<16xi32>
    tpu.vector_store %arg8[%swap3A_73], %swap3A_76 {strides = array<i32>} : memref<80xi32, #tpu.memory_space<vmem>>, vector<16xi32>,
    %shift_right_arithmetic3A_77 = arith.constant 16 : i32
    %shift_right_arithmetic3A_78 = vector.broadcast %shift_right_arithmetic3A_77 : i32 to vector<16xi32>
    %shift_right_arithmetic3A_79 = arith.shrsi %get3A_69, %shift_right_arithmetic3A_78 : vector<16xi32>
    %and3A_80 = arith.constant 65535 : i32
    %and3A_81 = vector.broadcast %and3A_80 : i32 to vector<16xi32>
    %and3A_82 = arith.andi %shift_right_arithmetic3A_79, %and3A_81 : vector<16xi32>
    %swap3A_83 = arith.constant 48 : index
    %swap3A_84 = tpu.vector_load %arg13[%swap3A_83] {strides = array<i32>} : memref<80xi32, #tpu.memory_space<vmem>>, vector<16xi32>,
    %swap3A_85 = vector.shape_cast %swap3A_84 : vector<16xi32> to vector<16xi32>
    %swap3A_86 = vector.shape_cast %and3A_82 : vector<16xi32> to vector<16xi32>
    tpu.vector_store %arg13[%swap3A_83], %swap3A_86 {strides = array<i32>} : memref<80xi32, #tpu.memory_space<vmem>>, vector<16xi32>,
    %get3A_87 = arith.constant 0 : i32
    %get3A_88 = arith.index_cast %get3A_87 : i32 to index
    %get3A_89 = arith.constant 64 : index
    %get3A_90 = tpu.vector_load %arg7[%get3A_88, %get3A_89] {strides = array<i32>} : memref<125x80xi32, #tpu.memory_space<vmem>>, vector<1x16xi32>,
    %get3A_91 = vector.shape_cast %get3A_90 : vector<1x16xi32> to vector<16xi32>
    %and3A_92 = arith.constant 65535 : i32
    %and3A_93 = vector.broadcast %and3A_92 : i32 to vector<16xi32>
    %and3A_94 = arith.andi %get3A_91, %and3A_93 : vector<16xi32>
    %swap3A_95 = arith.constant 64 : index
    %swap3A_96 = tpu.vector_load %arg8[%swap3A_95] {strides = array<i32>} : memref<80xi32, #tpu.memory_space<vmem>>, vector<16xi32>,
    %swap3A_97 = vector.shape_cast %swap3A_96 : vector<16xi32> to vector<16xi32>
    %swap3A_98 = vector.shape_cast %and3A_94 : vector<16xi32> to vector<16xi32>
    tpu.vector_store %arg8[%swap3A_95], %swap3A_98 {strides = array<i32>} : memref<80xi32, #tpu.memory_space<vmem>>, vector<16xi32>,
    %shift_right_arithmetic3A_99 = arith.constant 16 : i32
    %shift_right_arithmetic3A_100 = vector.broadcast %shift_right_arithmetic3A_99 : i32 to vector<16xi32>
    %shift_right_arithmetic3A_101 = arith.shrsi %get3A_91, %shift_right_arithmetic3A_100 : vector<16xi32>
    %and3A_102 = arith.constant 65535 : i32
    %and3A_103 = vector.broadcast %and3A_102 : i32 to vector<16xi32>
    %and3A_104 = arith.andi %shift_right_arithmetic3A_101, %and3A_103 : vector<16xi32>
    %swap3A_105 = arith.constant 64 : index
    %swap3A_106 = tpu.vector_load %arg13[%swap3A_105] {strides = array<i32>} : memref<80xi32, #tpu.memory_space<vmem>>, vector<16xi32>,
    %swap3A_107 = vector.shape_cast %swap3A_106 : vector<16xi32> to vector<16xi32>
    %swap3A_108 = vector.shape_cast %and3A_104 : vector<16xi32> to vector<16xi32>
    tpu.vector_store %arg13[%swap3A_105], %swap3A_108 {strides = array<i32>} : memref<80xi32, #tpu.memory_space<vmem>>, vector<16xi32>,
    %dma_start3A = arith.constant 0 : i32
    %dma_start3A_109 = arith.constant 0 : i32
    %dma_start3A_110 = tpu.memref_slice %arg2[%dma_start3A, %dma_start3A_109] : memref<10000x128xi32, #tpu.memory_space<hbm>> -> memref<10000x128xi32, #tpu.memory_space<hbm>>
    tpu.enqueue_indirect_dma source(%dma_start3A_110 : memref<10000x128xi32, #tpu.memory_space<hbm>>) target(%arg18 : memref<80x128xi32, #tpu.memory_space<vmem>>) offsets(%arg8 : memref<80xi32, #tpu.memory_space<vmem>>) semaphore(%arg28 : memref<!tpu.dma_semaphore, #tpu.memory_space<semaphore_mem>>)
    %dma_start3A_111 = arith.constant 0 : i32
    %dma_start3A_112 = arith.constant 0 : i32
    %dma_start3A_113 = tpu.memref_slice %arg3[%dma_start3A_111, %dma_start3A_112] : memref<10000x128xi32, #tpu.memory_space<hbm>> -> memref<10000x128xi32, #tpu.memory_space<hbm>>
    tpu.enqueue_indirect_dma source(%dma_start3A_113 : memref<10000x128xi32, #tpu.memory_space<hbm>>) target(%arg23 : memref<80x128xi32, #tpu.memory_space<vmem>>) offsets(%arg13 : memref<80xi32, #tpu.memory_space<vmem>>) semaphore(%arg28 : memref<!tpu.dma_semaphore, #tpu.memory_space<semaphore_mem>>)
    %get3A_114 = arith.constant 1 : i32
    %get3A_115 = arith.index_cast %get3A_114 : i32 to index
    %get3A_116 = arith.constant 0 : index
    %get3A_117 = tpu.vector_load %arg7[%get3A_115, %get3A_116] {strides = array<i32>} : memref<125x80xi32, #tpu.memory_space<vmem>>, vector<1x16xi32>,
    %get3A_118 = vector.shape_cast %get3A_117 : vector<1x16xi32> to vector<16xi32>
    %and3A_119 = arith.constant 65535 : i32
    %and3A_120 = vector.broadcast %and3A_119 : i32 to vector<16xi32>
    %and3A_121 = arith.andi %get3A_118, %and3A_120 : vector<16xi32>
    %swap3A_122 = arith.constant 0 : index
    %swap3A_123 = tpu.vector_load %arg9[%swap3A_122] {strides = array<i32>} : memref<80xi32, #tpu.memory_space<vmem>>, vector<16xi32>,
    %swap3A_124 = vector.shape_cast %swap3A_123 : vector<16xi32> to vector<16xi32>
    %swap3A_125 = vector.shape_cast %and3A_121 : vector<16xi32> to vector<16xi32>
    tpu.vector_store %arg9[%swap3A_122], %swap3A_125 {strides = array<i32>} : memref<80xi32, #tpu.memory_space<vmem>>, vector<16xi32>,
    %shift_right_arithmetic3A_126 = arith.constant 16 : i32
    %shift_right_arithmetic3A_127 = vector.broadcast %shift_right_arithmetic3A_126 : i32 to vector<16xi32>
    %shift_right_arithmetic3A_128 = arith.shrsi %get3A_118, %shift_right_arithmetic3A_127 : vector<16xi32>
    %and3A_129 = arith.constant 65535 : i32
    %and3A_130 = vector.broadcast %and3A_129 : i32 to vector<16xi32>
    %and3A_131 = arith.andi %shift_right_arithmetic3A_128, %and3A_130 : vector<16xi32>
    %swap3A_132 = arith.constant 0 : index
    %swap3A_133 = tpu.vector_load %arg14[%swap3A_132] {strides = array<i32>} : memref<80xi32, #tpu.memory_space<vmem>>, vector<16xi32>,
    %swap3A_134 = vector.shape_cast %swap3A_133 : vector<16xi32> to vector<16xi32>
    %swap3A_135 = vector.shape_cast %and3A_131 : vector<16xi32> to vector<16xi32>
    tpu.vector_store %arg14[%swap3A_132], %swap3A_135 {strides = array<i32>} : memref<80xi32, #tpu.memory_space<vmem>>, vector<16xi32>,
    %get3A_136 = arith.constant 1 : i32
    %get3A_137 = arith.index_cast %get3A_136 : i32 to index
    %get3A_138 = arith.constant 16 : index
    %get3A_139 = tpu.vector_load %arg7[%get3A_137, %get3A_138] {strides = array<i32>} : memref<125x80xi32, #tpu.memory_space<vmem>>, vector<1x16xi32>,
    %get3A_140 = vector.shape_cast %get3A_139 : vector<1x16xi32> to vector<16xi32>
    %and3A_141 = arith.constant 65535 : i32
    %and3A_142 = vector.broadcast %and3A_141 : i32 to vector<16xi32>
    %and3A_143 = arith.andi %get3A_140, %and3A_142 : vector<16xi32>
    %swap3A_144 = arith.constant 16 : index
    %swap3A_145 = tpu.vector_load %arg9[%swap3A_144] {strides = array<i32>} : memref<80xi32, #tpu.memory_space<vmem>>, vector<16xi32>,
    %swap3A_146 = vector.shape_cast %swap3A_145 : vector<16xi32> to vector<16xi32>
    %swap3A_147 = vector.shape_cast %and3A_143 : vector<16xi32> to vector<16xi32>
    tpu.vector_store %arg9[%swap3A_144], %swap3A_147 {strides = array<i32>} : memref<80xi32, #tpu.memory_space<vmem>>, vector<16xi32>,
    %shift_right_arithmetic3A_148 = arith.constant 16 : i32
    %shift_right_arithmetic3A_149 = vector.broadcast %shift_right_arithmetic3A_148 : i32 to vector<16xi32>
    %shift_right_arithmetic3A_150 = arith.shrsi %get3A_140, %shift_right_arithmetic3A_149 : vector<16xi32>
    %and3A_151 = arith.constant 65535 : i32
    %and3A_152 = vector.broadcast %and3A_151 : i32 to vector<16xi32>
    %and3A_153 = arith.andi %shift_right_arithmetic3A_150, %and3A_152 : vector<16xi32>
    %swap3A_154 = arith.constant 16 : index
    %swap3A_155 = tpu.vector_load %arg14[%swap3A_154] {strides = array<i32>} : memref<80xi32, #tpu.memory_space<vmem>>, vector<16xi32>,
    %swap3A_156 = vector.shape_cast %swap3A_155 : vector<16xi32> to vector<16xi32>
    %swap3A_157 = vector.shape_cast %and3A_153 : vector<16xi32> to vector<16xi32>
    tpu.vector_store %arg14[%swap3A_154], %swap3A_157 {strides = array<i32>} : memref<80xi32, #tpu.memory_space<vmem>>, vector<16xi32>,
    %get3A_158 = arith.constant 1 : i32
    %get3A_159 = arith.index_cast %get3A_158 : i32 to index
    %get3A_160 = arith.constant 32 : index
    %get3A_161 = tpu.vector_load %arg7[%get3A_159, %get3A_160] {strides = array<i32>} : memref<125x80xi32, #tpu.memory_space<vmem>>, vector<1x16xi32>,
    %get3A_162 = vector.shape_cast %get3A_161 : vector<1x16xi32> to vector<16xi32>
    %and3A_163 = arith.constant 65535 : i32
    %and3A_164 = vector.broadcast %and3A_163 : i32 to vector<16xi32>
    %and3A_165 = arith.andi %get3A_162, %and3A_164 : vector<16xi32>
    %swap3A_166 = arith.constant 32 : index
    %swap3A_167 = tpu.vector_load %arg9[%swap3A_166] {strides = array<i32>} : memref<80xi32, #tpu.memory_space<vmem>>, vector<16xi32>,
    %swap3A_168 = vector.shape_cast %swap3A_167 : vector<16xi32> to vector<16xi32>
    %swap3A_169 = vector.shape_cast %and3A_165 : vector<16xi32> to vector<16xi32>
    tpu.vector_store %arg9[%swap3A_166], %swap3A_169 {strides = array<i32>} : memref<80xi32, #tpu.memory_space<vmem>>, vector<16xi32>,
    %shift_right_arithmetic3A_170 = arith.constant 16 : i32
    %shift_right_arithmetic3A_171 = vector.broadcast %shift_right_arithmetic3A_170 : i32 to vector<16xi32>
    %shift_right_arithmetic3A_172 = arith.shrsi %get3A_162, %shift_right_arithmetic3A_171 : vector<16xi32>
    %and3A_173 = arith.constant 65535 : i32
    %and3A_174 = vector.broadcast %and3A_173 : i32 to vector<16xi32>
    %and3A_175 = arith.andi %shift_right_arithmetic3A_172, %and3A_174 : vector<16xi32>
    %swap3A_176 = arith.constant 32 : index
    %swap3A_177 = tpu.vector_load %arg14[%swap3A_176] {strides = array<i32>} : memref<80xi32, #tpu.memory_space<vmem>>, vector<16xi32>,
    %swap3A_178 = vector.shape_cast %swap3A_177 : vector<16xi32> to vector<16xi32>
    %swap3A_179 = vector.shape_cast %and3A_175 : vector<16xi32> to vector<16xi32>
    tpu.vector_store %arg14[%swap3A_176], %swap3A_179 {strides = array<i32>} : memref<80xi32, #tpu.memory_space<vmem>>, vector<16xi32>,
    %get3A_180 = arith.constant 1 : i32
    %get3A_181 = arith.index_cast %get3A_180 : i32 to index
    %get3A_182 = arith.constant 48 : index
    %get3A_183 = tpu.vector_load %arg7[%get3A_181, %get3A_182] {strides = array<i32>} : memref<125x80xi32, #tpu.memory_space<vmem>>, vector<1x16xi32>,
    %get3A_184 = vector.shape_cast %get3A_183 : vector<1x16xi32> to vector<16xi32>
    %and3A_185 = arith.constant 65535 : i32
    %and3A_186 = vector.broadcast %and3A_185 : i32 to vector<16xi32>
    %and3A_187 = arith.andi %get3A_184, %and3A_186 : vector<16xi32>
    %swap3A_188 = arith.constant 48 : index
    %swap3A_189 = tpu.vector_load %arg9[%swap3A_188] {strides = array<i32>} : memref<80xi32, #tpu.memory_space<vmem>>, vector<16xi32>,
    %swap3A_190 = vector.shape_cast %swap3A_189 : vector<16xi32> to vector<16xi32>
    %swap3A_191 = vector.shape_cast %and3A_187 : vector<16xi32> to vector<16xi32>
    tpu.vector_store %arg9[%swap3A_188], %swap3A_191 {strides = array<i32>} : memref<80xi32, #tpu.memory_space<vmem>>, vector<16xi32>,
    %shift_right_arithmetic3A_192 = arith.constant 16 : i32
    %shift_right_arithmetic3A_193 = vector.broadcast %shift_right_arithmetic3A_192 : i32 to vector<16xi32>
    %shift_right_arithmetic3A_194 = arith.shrsi %get3A_184, %shift_right_arithmetic3A_193 : vector<16xi32>
    %and3A_195 = arith.constant 65535 : i32
    %and3A_196 = vector.broadcast %and3A_195 : i32 to vector<16xi32>
    %and3A_197 = arith.andi %shift_right_arithmetic3A_194, %and3A_196 : vector<16xi32>
    %swap3A_198 = arith.constant 48 : index
    %swap3A_199 = tpu.vector_load %arg14[%swap3A_198] {strides = array<i32>} : memref<80xi32, #tpu.memory_space<vmem>>, vector<16xi32>,
    %swap3A_200 = vector.shape_cast %swap3A_199 : vector<16xi32> to vector<16xi32>
    %swap3A_201 = vector.shape_cast %and3A_197 : vector<16xi32> to vector<16xi32>
    tpu.vector_store %arg14[%swap3A_198], %swap3A_201 {strides = array<i32>} : memref<80xi32, #tpu.memory_space<vmem>>, vector<16xi32>,
    %get3A_202 = arith.constant 1 : i32
    %get3A_203 = arith.index_cast %get3A_202 : i32 to index
    %get3A_204 = arith.constant 64 : index
    %get3A_205 = tpu.vector_load %arg7[%get3A_203, %get3A_204] {strides = array<i32>} : memref<125x80xi32, #tpu.memory_space<vmem>>, vector<1x16xi32>,
    %get3A_206 = vector.shape_cast %get3A_205 : vector<1x16xi32> to vector<16xi32>
    %and3A_207 = arith.constant 65535 : i32
    %and3A_208 = vector.broadcast %and3A_207 : i32 to vector<16xi32>
    %and3A_209 = arith.andi %get3A_206, %and3A_208 : vector<16xi32>
    %swap3A_210 = arith.constant 64 : index
    %swap3A_211 = tpu.vector_load %arg9[%swap3A_210] {strides = array<i32>} : memref<80xi32, #tpu.memory_space<vmem>>, vector<16xi32>,
    %swap3A_212 = vector.shape_cast %swap3A_211 : vector<16xi32> to vector<16xi32>
    %swap3A_213 = vector.shape_cast %and3A_209 : vector<16xi32> to vector<16xi32>
    tpu.vector_store %arg9[%swap3A_210], %swap3A_213 {strides = array<i32>} : memref<80xi32, #tpu.memory_space<vmem>>, vector<16xi32>,
    %shift_right_arithmetic3A_214 = arith.constant 16 : i32
    %shift_right_arithmetic3A_215 = vector.broadcast %shift_right_arithmetic3A_214 : i32 to vector<16xi32>
    %shift_right_arithmetic3A_216 = arith.shrsi %get3A_206, %shift_right_arithmetic3A_215 : vector<16xi32>
    %and3A_217 = arith.constant 65535 : i32
    %and3A_218 = vector.broadcast %and3A_217 : i32 to vector<16xi32>
    %and3A_219 = arith.andi %shift_right_arithmetic3A_216, %and3A_218 : vector<16xi32>
    %swap3A_220 = arith.constant 64 : index
    %swap3A_221 = tpu.vector_load %arg14[%swap3A_220] {strides = array<i32>} : memref<80xi32, #tpu.memory_space<vmem>>, vector<16xi32>,
    %swap3A_222 = vector.shape_cast %swap3A_221 : vector<16xi32> to vector<16xi32>
    %swap3A_223 = vector.shape_cast %and3A_219 : vector<16xi32> to vector<16xi32>
    tpu.vector_store %arg14[%swap3A_220], %swap3A_223 {strides = array<i32>} : memref<80xi32, #tpu.memory_space<vmem>>, vector<16xi32>,
    %dma_start3A_224 = arith.constant 0 : i32
    %dma_start3A_225 = arith.constant 0 : i32
    %dma_start3A_226 = tpu.memref_slice %arg2[%dma_start3A_224, %dma_start3A_225] : memref<10000x128xi32, #tpu.memory_space<hbm>> -> memref<10000x128xi32, #tpu.memory_space<hbm>>
    tpu.enqueue_indirect_dma source(%dma_start3A_226 : memref<10000x128xi32, #tpu.memory_space<hbm>>) target(%arg19 : memref<80x128xi32, #tpu.memory_space<vmem>>) offsets(%arg9 : memref<80xi32, #tpu.memory_space<vmem>>) semaphore(%arg29 : memref<!tpu.dma_semaphore, #tpu.memory_space<semaphore_mem>>)
    %dma_start3A_227 = arith.constant 0 : i32
    %dma_start3A_228 = arith.constant 0 : i32
    %dma_start3A_229 = tpu.memref_slice %arg3[%dma_start3A_227, %dma_start3A_228] : memref<10000x128xi32, #tpu.memory_space<hbm>> -> memref<10000x128xi32, #tpu.memory_space<hbm>>
    tpu.enqueue_indirect_dma source(%dma_start3A_229 : memref<10000x128xi32, #tpu.memory_space<hbm>>) target(%arg24 : memref<80x128xi32, #tpu.memory_space<vmem>>) offsets(%arg14 : memref<80xi32, #tpu.memory_space<vmem>>) semaphore(%arg29 : memref<!tpu.dma_semaphore, #tpu.memory_space<semaphore_mem>>)
    %get3A_230 = arith.constant 2 : i32
    %get3A_231 = arith.index_cast %get3A_230 : i32 to index
    %get3A_232 = arith.constant 0 : index
    %get3A_233 = tpu.vector_load %arg7[%get3A_231, %get3A_232] {strides = array<i32>} : memref<125x80xi32, #tpu.memory_space<vmem>>, vector<1x16xi32>,
    %get3A_234 = vector.shape_cast %get3A_233 : vector<1x16xi32> to vector<16xi32>
    %and3A_235 = arith.constant 65535 : i32
    %and3A_236 = vector.broadcast %and3A_235 : i32 to vector<16xi32>
    %and3A_237 = arith.andi %get3A_234, %and3A_236 : vector<16xi32>
    %swap3A_238 = arith.constant 0 : index
    %swap3A_239 = tpu.vector_load %arg10[%swap3A_238] {strides = array<i32>} : memref<80xi32, #tpu.memory_space<vmem>>, vector<16xi32>,
    %swap3A_240 = vector.shape_cast %swap3A_239 : vector<16xi32> to vector<16xi32>
    %swap3A_241 = vector.shape_cast %and3A_237 : vector<16xi32> to vector<16xi32>
    tpu.vector_store %arg10[%swap3A_238], %swap3A_241 {strides = array<i32>} : memref<80xi32, #tpu.memory_space<vmem>>, vector<16xi32>,
    %shift_right_arithmetic3A_242 = arith.constant 16 : i32
    %shift_right_arithmetic3A_243 = vector.broadcast %shift_right_arithmetic3A_242 : i32 to vector<16xi32>
    %shift_right_arithmetic3A_244 = arith.shrsi %get3A_234, %shift_right_arithmetic3A_243 : vector<16xi32>
    %and3A_245 = arith.constant 65535 : i32
    %and3A_246 = vector.broadcast %and3A_245 : i32 to vector<16xi32>
    %and3A_247 = arith.andi %shift_right_arithmetic3A_244, %and3A_246 : vector<16xi32>
    %swap3A_248 = arith.constant 0 : index
    %swap3A_249 = tpu.vector_load %arg15[%swap3A_248] {strides = array<i32>} : memref<80xi32, #tpu.memory_space<vmem>>, vector<16xi32>,
    %swap3A_250 = vector.shape_cast %swap3A_249 : vector<16xi32> to vector<16xi32>
    %swap3A_251 = vector.shape_cast %and3A_247 : vector<16xi32> to vector<16xi32>
    tpu.vector_store %arg15[%swap3A_248], %swap3A_251 {strides = array<i32>} : memref<80xi32, #tpu.memory_space<vmem>>, vector<16xi32>,
    %get3A_252 = arith.constant 2 : i32
    %get3A_253 = arith.index_cast %get3A_252 : i32 to index
    %get3A_254 = arith.constant 16 : index
    %get3A_255 = tpu.vector_load %arg7[%get3A_253, %get3A_254] {strides = array<i32>} : memref<125x80xi32, #tpu.memory_space<vmem>>, vector<1x16xi32>,
    %get3A_256 = vector.shape_cast %get3A_255 : vector<1x16xi32> to vector<16xi32>
    %and3A_257 = arith.constant 65535 : i32
    %and3A_258 = vector.broadcast %and3A_257 : i32 to vector<16xi32>
    %and3A_259 = arith.andi %get3A_256, %and3A_258 : vector<16xi32>
    %swap3A_260 = arith.constant 16 : index
    %swap3A_261 = tpu.vector_load %arg10[%swap3A_260] {strides = array<i32>} : memref<80xi32, #tpu.memory_space<vmem>>, vector<16xi32>,
    %swap3A_262 = vector.shape_cast %swap3A_261 : vector<16xi32> to vector<16xi32>
    %swap3A_263 = vector.shape_cast %and3A_259 : vector<16xi32> to vector<16xi32>
    tpu.vector_store %arg10[%swap3A_260], %swap3A_263 {strides = array<i32>} : memref<80xi32, #tpu.memory_space<vmem>>, vector<16xi32>,
    %shift_right_arithmetic3A_264 = arith.constant 16 : i32
    %shift_right_arithmetic3A_265 = vector.broadcast %shift_right_arithmetic3A_264 : i32 to vector<16xi32>
    %shift_right_arithmetic3A_266 = arith.shrsi %get3A_256, %shift_right_arithmetic3A_265 : vector<16xi32>
    %and3A_267 = arith.constant 65535 : i32
    %and3A_268 = vector.broadcast %and3A_267 : i32 to vector<16xi32>
    %and3A_269 = arith.andi %shift_right_arithmetic3A_266, %and3A_268 : vector<16xi32>
    %swap3A_270 = arith.constant 16 : index
    %swap3A_271 = tpu.vector_load %arg15[%swap3A_270] {strides = array<i32>} : memref<80xi32, #tpu.memory_space<vmem>>, vector<16xi32>,
    %swap3A_272 = vector.shape_cast %swap3A_271 : vector<16xi32> to vector<16xi32>
    %swap3A_273 = vector.shape_cast %and3A_269 : vector<16xi32> to vector<16xi32>
    tpu.vector_store %arg15[%swap3A_270], %swap3A_273 {strides = array<i32>} : memref<80xi32, #tpu.memory_space<vmem>>, vector<16xi32>,
    %get3A_274 = arith.constant 2 : i32
    %get3A_275 = arith.index_cast %get3A_274 : i32 to index
    %get3A_276 = arith.constant 32 : index
    %get3A_277 = tpu.vector_load %arg7[%get3A_275, %get3A_276] {strides = array<i32>} : memref<125x80xi32, #tpu.memory_space<vmem>>, vector<1x16xi32>,
    %get3A_278 = vector.shape_cast %get3A_277 : vector<1x16xi32> to vector<16xi32>
    %and3A_279 = arith.constant 65535 : i32
    %and3A_280 = vector.broadcast %and3A_279 : i32 to vector<16xi32>
    %and3A_281 = arith.andi %get3A_278, %and3A_280 : vector<16xi32>
    %swap3A_282 = arith.constant 32 : index
    %swap3A_283 = tpu.vector_load %arg10[%swap3A_282] {strides = array<i32>} : memref<80xi32, #tpu.memory_space<vmem>>, vector<16xi32>,
    %swap3A_284 = vector.shape_cast %swap3A_283 : vector<16xi32> to vector<16xi32>
    %swap3A_285 = vector.shape_cast %and3A_281 : vector<16xi32> to vector<16xi32>
    tpu.vector_store %arg10[%swap3A_282], %swap3A_285 {strides = array<i32>} : memref<80xi32, #tpu.memory_space<vmem>>, vector<16xi32>,
    %shift_right_arithmetic3A_286 = arith.constant 16 : i32
    %shift_right_arithmetic3A_287 = vector.broadcast %shift_right_arithmetic3A_286 : i32 to vector<16xi32>
    %shift_right_arithmetic3A_288 = arith.shrsi %get3A_278, %shift_right_arithmetic3A_287 : vector<16xi32>
    %and3A_289 = arith.constant 65535 : i32
    %and3A_290 = vector.broadcast %and3A_289 : i32 to vector<16xi32>
    %and3A_291 = arith.andi %shift_right_arithmetic3A_288, %and3A_290 : vector<16xi32>
    %swap3A_292 = arith.constant 32 : index
    %swap3A_293 = tpu.vector_load %arg15[%swap3A_292] {strides = array<i32>} : memref<80xi32, #tpu.memory_space<vmem>>, vector<16xi32>,
    %swap3A_294 = vector.shape_cast %swap3A_293 : vector<16xi32> to vector<16xi32>
    %swap3A_295 = vector.shape_cast %and3A_291 : vector<16xi32> to vector<16xi32>
    tpu.vector_store %arg15[%swap3A_292], %swap3A_295 {strides = array<i32>} : memref<80xi32, #tpu.memory_space<vmem>>, vector<16xi32>,
    %get3A_296 = arith.constant 2 : i32
    %get3A_297 = arith.index_cast %get3A_296 : i32 to index
    %get3A_298 = arith.constant 48 : index
    %get3A_299 = tpu.vector_load %arg7[%get3A_297, %get3A_298] {strides = array<i32>} : memref<125x80xi32, #tpu.memory_space<vmem>>, vector<1x16xi32>,
    %get3A_300 = vector.shape_cast %get3A_299 : vector<1x16xi32> to vector<16xi32>
    %and3A_301 = arith.constant 65535 : i32
    %and3A_302 = vector.broadcast %and3A_301 : i32 to vector<16xi32>
    %and3A_303 = arith.andi %get3A_300, %and3A_302 : vector<16xi32>
    %swap3A_304 = arith.constant 48 : index
    %swap3A_305 = tpu.vector_load %arg10[%swap3A_304] {strides = array<i32>} : memref<80xi32, #tpu.memory_space<vmem>>, vector<16xi32>,
    %swap3A_306 = vector.shape_cast %swap3A_305 : vector<16xi32> to vector<16xi32>
    %swap3A_307 = vector.shape_cast %and3A_303 : vector<16xi32> to vector<16xi32>
    tpu.vector_store %arg10[%swap3A_304], %swap3A_307 {strides = array<i32>} : memref<80xi32, #tpu.memory_space<vmem>>, vector<16xi32>,
    %shift_right_arithmetic3A_308 = arith.constant 16 : i32
    %shift_right_arithmetic3A_309 = vector.broadcast %shift_right_arithmetic3A_308 : i32 to vector<16xi32>
    %shift_right_arithmetic3A_310 = arith.shrsi %get3A_300, %shift_right_arithmetic3A_309 : vector<16xi32>
    %and3A_311 = arith.constant 65535 : i32
    %and3A_312 = vector.broadcast %and3A_311 : i32 to vector<16xi32>
    %and3A_313 = arith.andi %shift_right_arithmetic3A_310, %and3A_312 : vector<16xi32>
    %swap3A_314 = arith.constant 48 : index
    %swap3A_315 = tpu.vector_load %arg15[%swap3A_314] {strides = array<i32>} : memref<80xi32, #tpu.memory_space<vmem>>, vector<16xi32>,
    %swap3A_316 = vector.shape_cast %swap3A_315 : vector<16xi32> to vector<16xi32>
    %swap3A_317 = vector.shape_cast %and3A_313 : vector<16xi32> to vector<16xi32>
    tpu.vector_store %arg15[%swap3A_314], %swap3A_317 {strides = array<i32>} : memref<80xi32, #tpu.memory_space<vmem>>, vector<16xi32>,
    %get3A_318 = arith.constant 2 : i32
    %get3A_319 = arith.index_cast %get3A_318 : i32 to index
    %get3A_320 = arith.constant 64 : index
    %get3A_321 = tpu.vector_load %arg7[%get3A_319, %get3A_320] {strides = array<i32>} : memref<125x80xi32, #tpu.memory_space<vmem>>, vector<1x16xi32>,
    %get3A_322 = vector.shape_cast %get3A_321 : vector<1x16xi32> to vector<16xi32>
    %and3A_323 = arith.constant 65535 : i32
    %and3A_324 = vector.broadcast %and3A_323 : i32 to vector<16xi32>
    %and3A_325 = arith.andi %get3A_322, %and3A_324 : vector<16xi32>
    %swap3A_326 = arith.constant 64 : index
    %swap3A_327 = tpu.vector_load %arg10[%swap3A_326] {strides = array<i32>} : memref<80xi32, #tpu.memory_space<vmem>>, vector<16xi32>,
    %swap3A_328 = vector.shape_cast %swap3A_327 : vector<16xi32> to vector<16xi32>
    %swap3A_329 = vector.shape_cast %and3A_325 : vector<16xi32> to vector<16xi32>
    tpu.vector_store %arg10[%swap3A_326], %swap3A_329 {strides = array<i32>} : memref<80xi32, #tpu.memory_space<vmem>>, vector<16xi32>,
    %shift_right_arithmetic3A_330 = arith.constant 16 : i32
    %shift_right_arithmetic3A_331 = vector.broadcast %shift_right_arithmetic3A_330 : i32 to vector<16xi32>
    %shift_right_arithmetic3A_332 = arith.shrsi %get3A_322, %shift_right_arithmetic3A_331 : vector<16xi32>
    %and3A_333 = arith.constant 65535 : i32
    %and3A_334 = vector.broadcast %and3A_333 : i32 to vector<16xi32>
    %and3A_335 = arith.andi %shift_right_arithmetic3A_332, %and3A_334 : vector<16xi32>
    %swap3A_336 = arith.constant 64 : index
    %swap3A_337 = tpu.vector_load %arg15[%swap3A_336] {strides = array<i32>} : memref<80xi32, #tpu.memory_space<vmem>>, vector<16xi32>,
    %swap3A_338 = vector.shape_cast %swap3A_337 : vector<16xi32> to vector<16xi32>
    %swap3A_339 = vector.shape_cast %and3A_335 : vector<16xi32> to vector<16xi32>
    tpu.vector_store %arg15[%swap3A_336], %swap3A_339 {strides = array<i32>} : memref<80xi32, #tpu.memory_space<vmem>>, vector<16xi32>,
    %dma_start3A_340 = arith.constant 0 : i32
    %dma_start3A_341 = arith.constant 0 : i32
    %dma_start3A_342 = tpu.memref_slice %arg2[%dma_start3A_340, %dma_start3A_341] : memref<10000x128xi32, #tpu.memory_space<hbm>> -> memref<10000x128xi32, #tpu.memory_space<hbm>>
    tpu.enqueue_indirect_dma source(%dma_start3A_342 : memref<10000x128xi32, #tpu.memory_space<hbm>>) target(%arg20 : memref<80x128xi32, #tpu.memory_space<vmem>>) offsets(%arg10 : memref<80xi32, #tpu.memory_space<vmem>>) semaphore(%arg30 : memref<!tpu.dma_semaphore, #tpu.memory_space<semaphore_mem>>)
    %dma_start3A_343 = arith.constant 0 : i32
    %dma_start3A_344 = arith.constant 0 : i32
    %dma_start3A_345 = tpu.memref_slice %arg3[%dma_start3A_343, %dma_start3A_344] : memref<10000x128xi32, #tpu.memory_space<hbm>> -> memref<10000x128xi32, #tpu.memory_space<hbm>>
    tpu.enqueue_indirect_dma source(%dma_start3A_345 : memref<10000x128xi32, #tpu.memory_space<hbm>>) target(%arg25 : memref<80x128xi32, #tpu.memory_space<vmem>>) offsets(%arg15 : memref<80xi32, #tpu.memory_space<vmem>>) semaphore(%arg30 : memref<!tpu.dma_semaphore, #tpu.memory_space<semaphore_mem>>)
    %get3A_346 = arith.constant 3 : i32
    %get3A_347 = arith.index_cast %get3A_346 : i32 to index
    %get3A_348 = arith.constant 0 : index
    %get3A_349 = tpu.vector_load %arg7[%get3A_347, %get3A_348] {strides = array<i32>} : memref<125x80xi32, #tpu.memory_space<vmem>>, vector<1x16xi32>,
    %get3A_350 = vector.shape_cast %get3A_349 : vector<1x16xi32> to vector<16xi32>
    %and3A_351 = arith.constant 65535 : i32
    %and3A_352 = vector.broadcast %and3A_351 : i32 to vector<16xi32>
    %and3A_353 = arith.andi %get3A_350, %and3A_352 : vector<16xi32>
    %swap3A_354 = arith.constant 0 : index
    %swap3A_355 = tpu.vector_load %arg11[%swap3A_354] {strides = array<i32>} : memref<80xi32, #tpu.memory_space<vmem>>, vector<16xi32>,
    %swap3A_356 = vector.shape_cast %swap3A_355 : vector<16xi32> to vector<16xi32>
    %swap3A_357 = vector.shape_cast %and3A_353 : vector<16xi32> to vector<16xi32>
    tpu.vector_store %arg11[%swap3A_354], %swap3A_357 {strides = array<i32>} : memref<80xi32, #tpu.memory_space<vmem>>, vector<16xi32>,
    %shift_right_arithmetic3A_358 = arith.constant 16 : i32
    %shift_right_arithmetic3A_359 = vector.broadcast %shift_right_arithmetic3A_358 : i32 to vector<16xi32>
    %shift_right_arithmetic3A_360 = arith.shrsi %get3A_350, %shift_right_arithmetic3A_359 : vector<16xi32>
    %and3A_361 = arith.constant 65535 : i32
    %and3A_362 = vector.broadcast %and3A_361 : i32 to vector<16xi32>
    %and3A_363 = arith.andi %shift_right_arithmetic3A_360, %and3A_362 : vector<16xi32>
    %swap3A_364 = arith.constant 0 : index
    %swap3A_365 = tpu.vector_load %arg16[%swap3A_364] {strides = array<i32>} : memref<80xi32, #tpu.memory_space<vmem>>, vector<16xi32>,
    %swap3A_366 = vector.shape_cast %swap3A_365 : vector<16xi32> to vector<16xi32>
    %swap3A_367 = vector.shape_cast %and3A_363 : vector<16xi32> to vector<16xi32>
    tpu.vector_store %arg16[%swap3A_364], %swap3A_367 {strides = array<i32>} : memref<80xi32, #tpu.memory_space<vmem>>, vector<16xi32>,
    %get3A_368 = arith.constant 3 : i32
    %get3A_369 = arith.index_cast %get3A_368 : i32 to index
    %get3A_370 = arith.constant 16 : index
    %get3A_371 = tpu.vector_load %arg7[%get3A_369, %get3A_370] {strides = array<i32>} : memref<125x80xi32, #tpu.memory_space<vmem>>, vector<1x16xi32>,
    %get3A_372 = vector.shape_cast %get3A_371 : vector<1x16xi32> to vector<16xi32>
    %and3A_373 = arith.constant 65535 : i32
    %and3A_374 = vector.broadcast %and3A_373 : i32 to vector<16xi32>
    %and3A_375 = arith.andi %get3A_372, %and3A_374 : vector<16xi32>
    %swap3A_376 = arith.constant 16 : index
    %swap3A_377 = tpu.vector_load %arg11[%swap3A_376] {strides = array<i32>} : memref<80xi32, #tpu.memory_space<vmem>>, vector<16xi32>,
    %swap3A_378 = vector.shape_cast %swap3A_377 : vector<16xi32> to vector<16xi32>
    %swap3A_379 = vector.shape_cast %and3A_375 : vector<16xi32> to vector<16xi32>
    tpu.vector_store %arg11[%swap3A_376], %swap3A_379 {strides = array<i32>} : memref<80xi32, #tpu.memory_space<vmem>>, vector<16xi32>,
    %shift_right_arithmetic3A_380 = arith.constant 16 : i32
    %shift_right_arithmetic3A_381 = vector.broadcast %shift_right_arithmetic3A_380 : i32 to vector<16xi32>
    %shift_right_arithmetic3A_382 = arith.shrsi %get3A_372, %shift_right_arithmetic3A_381 : vector<16xi32>
    %and3A_383 = arith.constant 65535 : i32
    %and3A_384 = vector.broadcast %and3A_383 : i32 to vector<16xi32>
    %and3A_385 = arith.andi %shift_right_arithmetic3A_382, %and3A_384 : vector<16xi32>
    %swap3A_386 = arith.constant 16 : index
    %swap3A_387 = tpu.vector_load %arg16[%swap3A_386] {strides = array<i32>} : memref<80xi32, #tpu.memory_space<vmem>>, vector<16xi32>,
    %swap3A_388 = vector.shape_cast %swap3A_387 : vector<16xi32> to vector<16xi32>
    %swap3A_389 = vector.shape_cast %and3A_385 : vector<16xi32> to vector<16xi32>
    tpu.vector_store %arg16[%swap3A_386], %swap3A_389 {strides = array<i32>} : memref<80xi32, #tpu.memory_space<vmem>>, vector<16xi32>,
    %get3A_390 = arith.constant 3 : i32
    %get3A_391 = arith.index_cast %get3A_390 : i32 to index
    %get3A_392 = arith.constant 32 : index
    %get3A_393 = tpu.vector_load %arg7[%get3A_391, %get3A_392] {strides = array<i32>} : memref<125x80xi32, #tpu.memory_space<vmem>>, vector<1x16xi32>,
    %get3A_394 = vector.shape_cast %get3A_393 : vector<1x16xi32> to vector<16xi32>
    %and3A_395 = arith.constant 65535 : i32
    %and3A_396 = vector.broadcast %and3A_395 : i32 to vector<16xi32>
    %and3A_397 = arith.andi %get3A_394, %and3A_396 : vector<16xi32>
    %swap3A_398 = arith.constant 32 : index
    %swap3A_399 = tpu.vector_load %arg11[%swap3A_398] {strides = array<i32>} : memref<80xi32, #tpu.memory_space<vmem>>, vector<16xi32>,
    %swap3A_400 = vector.shape_cast %swap3A_399 : vector<16xi32> to vector<16xi32>
    %swap3A_401 = vector.shape_cast %and3A_397 : vector<16xi32> to vector<16xi32>
    tpu.vector_store %arg11[%swap3A_398], %swap3A_401 {strides = array<i32>} : memref<80xi32, #tpu.memory_space<vmem>>, vector<16xi32>,
    %shift_right_arithmetic3A_402 = arith.constant 16 : i32
    %shift_right_arithmetic3A_403 = vector.broadcast %shift_right_arithmetic3A_402 : i32 to vector<16xi32>
    %shift_right_arithmetic3A_404 = arith.shrsi %get3A_394, %shift_right_arithmetic3A_403 : vector<16xi32>
    %and3A_405 = arith.constant 65535 : i32
    %and3A_406 = vector.broadcast %and3A_405 : i32 to vector<16xi32>
    %and3A_407 = arith.andi %shift_right_arithmetic3A_404, %and3A_406 : vector<16xi32>
    %swap3A_408 = arith.constant 32 : index
    %swap3A_409 = tpu.vector_load %arg16[%swap3A_408] {strides = array<i32>} : memref<80xi32, #tpu.memory_space<vmem>>, vector<16xi32>,
    %swap3A_410 = vector.shape_cast %swap3A_409 : vector<16xi32> to vector<16xi32>
    %swap3A_411 = vector.shape_cast %and3A_407 : vector<16xi32> to vector<16xi32>
    tpu.vector_store %arg16[%swap3A_408], %swap3A_411 {strides = array<i32>} : memref<80xi32, #tpu.memory_space<vmem>>, vector<16xi32>,
    %get3A_412 = arith.constant 3 : i32
    %get3A_413 = arith.index_cast %get3A_412 : i32 to index
    %get3A_414 = arith.constant 48 : index
    %get3A_415 = tpu.vector_load %arg7[%get3A_413, %get3A_414] {strides = array<i32>} : memref<125x80xi32, #tpu.memory_space<vmem>>, vector<1x16xi32>,
    %get3A_416 = vector.shape_cast %get3A_415 : vector<1x16xi32> to vector<16xi32>
    %and3A_417 = arith.constant 65535 : i32
    %and3A_418 = vector.broadcast %and3A_417 : i32 to vector<16xi32>
    %and3A_419 = arith.andi %get3A_416, %and3A_418 : vector<16xi32>
    %swap3A_420 = arith.constant 48 : index
    %swap3A_421 = tpu.vector_load %arg11[%swap3A_420] {strides = array<i32>} : memref<80xi32, #tpu.memory_space<vmem>>, vector<16xi32>,
    %swap3A_422 = vector.shape_cast %swap3A_421 : vector<16xi32> to vector<16xi32>
    %swap3A_423 = vector.shape_cast %and3A_419 : vector<16xi32> to vector<16xi32>
    tpu.vector_store %arg11[%swap3A_420], %swap3A_423 {strides = array<i32>} : memref<80xi32, #tpu.memory_space<vmem>>, vector<16xi32>,
    %shift_right_arithmetic3A_424 = arith.constant 16 : i32
    %shift_right_arithmetic3A_425 = vector.broadcast %shift_right_arithmetic3A_424 : i32 to vector<16xi32>
    %shift_right_arithmetic3A_426 = arith.shrsi %get3A_416, %shift_right_arithmetic3A_425 : vector<16xi32>
    %and3A_427 = arith.constant 65535 : i32
    %and3A_428 = vector.broadcast %and3A_427 : i32 to vector<16xi32>
    %and3A_429 = arith.andi %shift_right_arithmetic3A_426, %and3A_428 : vector<16xi32>
    %swap3A_430 = arith.constant 48 : index
    %swap3A_431 = tpu.vector_load %arg16[%swap3A_430] {strides = array<i32>} : memref<80xi32, #tpu.memory_space<vmem>>, vector<16xi32>,
    %swap3A_432 = vector.shape_cast %swap3A_431 : vector<16xi32> to vector<16xi32>
    %swap3A_433 = vector.shape_cast %and3A_429 : vector<16xi32> to vector<16xi32>
    tpu.vector_store %arg16[%swap3A_430], %swap3A_433 {strides = array<i32>} : memref<80xi32, #tpu.memory_space<vmem>>, vector<16xi32>,
    %get3A_434 = arith.constant 3 : i32
    %get3A_435 = arith.index_cast %get3A_434 : i32 to index
    %get3A_436 = arith.constant 64 : index
    %get3A_437 = tpu.vector_load %arg7[%get3A_435, %get3A_436] {strides = array<i32>} : memref<125x80xi32, #tpu.memory_space<vmem>>, vector<1x16xi32>,
    %get3A_438 = vector.shape_cast %get3A_437 : vector<1x16xi32> to vector<16xi32>
    %and3A_439 = arith.constant 65535 : i32
    %and3A_440 = vector.broadcast %and3A_439 : i32 to vector<16xi32>
    %and3A_441 = arith.andi %get3A_438, %and3A_440 : vector<16xi32>
    %swap3A_442 = arith.constant 64 : index
    %swap3A_443 = tpu.vector_load %arg11[%swap3A_442] {strides = array<i32>} : memref<80xi32, #tpu.memory_space<vmem>>, vector<16xi32>,
    %swap3A_444 = vector.shape_cast %swap3A_443 : vector<16xi32> to vector<16xi32>
    %swap3A_445 = vector.shape_cast %and3A_441 : vector<16xi32> to vector<16xi32>
    tpu.vector_store %arg11[%swap3A_442], %swap3A_445 {strides = array<i32>} : memref<80xi32, #tpu.memory_space<vmem>>, vector<16xi32>,
    %shift_right_arithmetic3A_446 = arith.constant 16 : i32
    %shift_right_arithmetic3A_447 = vector.broadcast %shift_right_arithmetic3A_446 : i32 to vector<16xi32>
    %shift_right_arithmetic3A_448 = arith.shrsi %get3A_438, %shift_right_arithmetic3A_447 : vector<16xi32>
    %and3A_449 = arith.constant 65535 : i32
    %and3A_450 = vector.broadcast %and3A_449 : i32 to vector<16xi32>
    %and3A_451 = arith.andi %shift_right_arithmetic3A_448, %and3A_450 : vector<16xi32>
    %swap3A_452 = arith.constant 64 : index
    %swap3A_453 = tpu.vector_load %arg16[%swap3A_452] {strides = array<i32>} : memref<80xi32, #tpu.memory_space<vmem>>, vector<16xi32>,
    %swap3A_454 = vector.shape_cast %swap3A_453 : vector<16xi32> to vector<16xi32>
    %swap3A_455 = vector.shape_cast %and3A_451 : vector<16xi32> to vector<16xi32>
    tpu.vector_store %arg16[%swap3A_452], %swap3A_455 {strides = array<i32>} : memref<80xi32, #tpu.memory_space<vmem>>, vector<16xi32>,
    %dma_start3A_456 = arith.constant 0 : i32
    %dma_start3A_457 = arith.constant 0 : i32
    %dma_start3A_458 = tpu.memref_slice %arg2[%dma_start3A_456, %dma_start3A_457] : memref<10000x128xi32, #tpu.memory_space<hbm>> -> memref<10000x128xi32, #tpu.memory_space<hbm>>
    tpu.enqueue_indirect_dma source(%dma_start3A_458 : memref<10000x128xi32, #tpu.memory_space<hbm>>) target(%arg21 : memref<80x128xi32, #tpu.memory_space<vmem>>) offsets(%arg11 : memref<80xi32, #tpu.memory_space<vmem>>) semaphore(%arg31 : memref<!tpu.dma_semaphore, #tpu.memory_space<semaphore_mem>>)
    %dma_start3A_459 = arith.constant 0 : i32
    %dma_start3A_460 = arith.constant 0 : i32
    %dma_start3A_461 = tpu.memref_slice %arg3[%dma_start3A_459, %dma_start3A_460] : memref<10000x128xi32, #tpu.memory_space<hbm>> -> memref<10000x128xi32, #tpu.memory_space<hbm>>
    tpu.enqueue_indirect_dma source(%dma_start3A_461 : memref<10000x128xi32, #tpu.memory_space<hbm>>) target(%arg26 : memref<80x128xi32, #tpu.memory_space<vmem>>) offsets(%arg16 : memref<80xi32, #tpu.memory_space<vmem>>) semaphore(%arg31 : memref<!tpu.dma_semaphore, #tpu.memory_space<semaphore_mem>>)
    %get3A_462 = arith.constant 4 : i32
    %get3A_463 = arith.index_cast %get3A_462 : i32 to index
    %get3A_464 = arith.constant 0 : index
    %get3A_465 = tpu.vector_load %arg7[%get3A_463, %get3A_464] {strides = array<i32>} : memref<125x80xi32, #tpu.memory_space<vmem>>, vector<1x16xi32>,
    %get3A_466 = vector.shape_cast %get3A_465 : vector<1x16xi32> to vector<16xi32>
    %and3A_467 = arith.constant 65535 : i32
    %and3A_468 = vector.broadcast %and3A_467 : i32 to vector<16xi32>
    %and3A_469 = arith.andi %get3A_466, %and3A_468 : vector<16xi32>
    %swap3A_470 = arith.constant 0 : index
    %swap3A_471 = tpu.vector_load %arg12[%swap3A_470] {strides = array<i32>} : memref<80xi32, #tpu.memory_space<vmem>>, vector<16xi32>,
    %swap3A_472 = vector.shape_cast %swap3A_471 : vector<16xi32> to vector<16xi32>
    %swap3A_473 = vector.shape_cast %and3A_469 : vector<16xi32> to vector<16xi32>
    tpu.vector_store %arg12[%swap3A_470], %swap3A_473 {strides = array<i32>} : memref<80xi32, #tpu.memory_space<vmem>>, vector<16xi32>,
    %shift_right_arithmetic3A_474 = arith.constant 16 : i32
    %shift_right_arithmetic3A_475 = vector.broadcast %shift_right_arithmetic3A_474 : i32 to vector<16xi32>
    %shift_right_arithmetic3A_476 = arith.shrsi %get3A_466, %shift_right_arithmetic3A_475 : vector<16xi32>
    %and3A_477 = arith.constant 65535 : i32
    %and3A_478 = vector.broadcast %and3A_477 : i32 to vector<16xi32>
    %and3A_479 = arith.andi %shift_right_arithmetic3A_476, %and3A_478 : vector<16xi32>
    %swap3A_480 = arith.constant 0 : index
    %swap3A_481 = tpu.vector_load %arg17[%swap3A_480] {strides = array<i32>} : memref<80xi32, #tpu.memory_space<vmem>>, vector<16xi32>,
    %swap3A_482 = vector.shape_cast %swap3A_481 : vector<16xi32> to vector<16xi32>
    %swap3A_483 = vector.shape_cast %and3A_479 : vector<16xi32> to vector<16xi32>
    tpu.vector_store %arg17[%swap3A_480], %swap3A_483 {strides = array<i32>} : memref<80xi32, #tpu.memory_space<vmem>>, vector<16xi32>,
    %get3A_484 = arith.constant 4 : i32
    %get3A_485 = arith.index_cast %get3A_484 : i32 to index
    %get3A_486 = arith.constant 16 : index
    %get3A_487 = tpu.vector_load %arg7[%get3A_485, %get3A_486] {strides = array<i32>} : memref<125x80xi32, #tpu.memory_space<vmem>>, vector<1x16xi32>,
    %get3A_488 = vector.shape_cast %get3A_487 : vector<1x16xi32> to vector<16xi32>
    %and3A_489 = arith.constant 65535 : i32
    %and3A_490 = vector.broadcast %and3A_489 : i32 to vector<16xi32>
    %and3A_491 = arith.andi %get3A_488, %and3A_490 : vector<16xi32>
    %swap3A_492 = arith.constant 16 : index
    %swap3A_493 = tpu.vector_load %arg12[%swap3A_492] {strides = array<i32>} : memref<80xi32, #tpu.memory_space<vmem>>, vector<16xi32>,
    %swap3A_494 = vector.shape_cast %swap3A_493 : vector<16xi32> to vector<16xi32>
    %swap3A_495 = vector.shape_cast %and3A_491 : vector<16xi32> to vector<16xi32>
    tpu.vector_store %arg12[%swap3A_492], %swap3A_495 {strides = array<i32>} : memref<80xi32, #tpu.memory_space<vmem>>, vector<16xi32>,
    %shift_right_arithmetic3A_496 = arith.constant 16 : i32
    %shift_right_arithmetic3A_497 = vector.broadcast %shift_right_arithmetic3A_496 : i32 to vector<16xi32>
    %shift_right_arithmetic3A_498 = arith.shrsi %get3A_488, %shift_right_arithmetic3A_497 : vector<16xi32>
    %and3A_499 = arith.constant 65535 : i32
    %and3A_500 = vector.broadcast %and3A_499 : i32 to vector<16xi32>
    %and3A_501 = arith.andi %shift_right_arithmetic3A_498, %and3A_500 : vector<16xi32>
    %swap3A_502 = arith.constant 16 : index
    %swap3A_503 = tpu.vector_load %arg17[%swap3A_502] {strides = array<i32>} : memref<80xi32, #tpu.memory_space<vmem>>, vector<16xi32>,
    %swap3A_504 = vector.shape_cast %swap3A_503 : vector<16xi32> to vector<16xi32>
    %swap3A_505 = vector.shape_cast %and3A_501 : vector<16xi32> to vector<16xi32>
    tpu.vector_store %arg17[%swap3A_502], %swap3A_505 {strides = array<i32>} : memref<80xi32, #tpu.memory_space<vmem>>, vector<16xi32>,
    %get3A_506 = arith.constant 4 : i32
    %get3A_507 = arith.index_cast %get3A_506 : i32 to index
    %get3A_508 = arith.constant 32 : index
    %get3A_509 = tpu.vector_load %arg7[%get3A_507, %get3A_508] {strides = array<i32>} : memref<125x80xi32, #tpu.memory_space<vmem>>, vector<1x16xi32>,
    %get3A_510 = vector.shape_cast %get3A_509 : vector<1x16xi32> to vector<16xi32>
    %and3A_511 = arith.constant 65535 : i32
    %and3A_512 = vector.broadcast %and3A_511 : i32 to vector<16xi32>
    %and3A_513 = arith.andi %get3A_510, %and3A_512 : vector<16xi32>
    %swap3A_514 = arith.constant 32 : index
    %swap3A_515 = tpu.vector_load %arg12[%swap3A_514] {strides = array<i32>} : memref<80xi32, #tpu.memory_space<vmem>>, vector<16xi32>,
    %swap3A_516 = vector.shape_cast %swap3A_515 : vector<16xi32> to vector<16xi32>
    %swap3A_517 = vector.shape_cast %and3A_513 : vector<16xi32> to vector<16xi32>
    tpu.vector_store %arg12[%swap3A_514], %swap3A_517 {strides = array<i32>} : memref<80xi32, #tpu.memory_space<vmem>>, vector<16xi32>,
    %shift_right_arithmetic3A_518 = arith.constant 16 : i32
    %shift_right_arithmetic3A_519 = vector.broadcast %shift_right_arithmetic3A_518 : i32 to vector<16xi32>
    %shift_right_arithmetic3A_520 = arith.shrsi %get3A_510, %shift_right_arithmetic3A_519 : vector<16xi32>
    %and3A_521 = arith.constant 65535 : i32
    %and3A_522 = vector.broadcast %and3A_521 : i32 to vector<16xi32>
    %and3A_523 = arith.andi %shift_right_arithmetic3A_520, %and3A_522 : vector<16xi32>
    %swap3A_524 = arith.constant 32 : index
    %swap3A_525 = tpu.vector_load %arg17[%swap3A_524] {strides = array<i32>} : memref<80xi32, #tpu.memory_space<vmem>>, vector<16xi32>,
    %swap3A_526 = vector.shape_cast %swap3A_525 : vector<16xi32> to vector<16xi32>
    %swap3A_527 = vector.shape_cast %and3A_523 : vector<16xi32> to vector<16xi32>
    tpu.vector_store %arg17[%swap3A_524], %swap3A_527 {strides = array<i32>} : memref<80xi32, #tpu.memory_space<vmem>>, vector<16xi32>,
    %get3A_528 = arith.constant 4 : i32
    %get3A_529 = arith.index_cast %get3A_528 : i32 to index
    %get3A_530 = arith.constant 48 : index
    %get3A_531 = tpu.vector_load %arg7[%get3A_529, %get3A_530] {strides = array<i32>} : memref<125x80xi32, #tpu.memory_space<vmem>>, vector<1x16xi32>,
    %get3A_532 = vector.shape_cast %get3A_531 : vector<1x16xi32> to vector<16xi32>
    %and3A_533 = arith.constant 65535 : i32
    %and3A_534 = vector.broadcast %and3A_533 : i32 to vector<16xi32>
    %and3A_535 = arith.andi %get3A_532, %and3A_534 : vector<16xi32>
    %swap3A_536 = arith.constant 48 : index
    %swap3A_537 = tpu.vector_load %arg12[%swap3A_536] {strides = array<i32>} : memref<80xi32, #tpu.memory_space<vmem>>, vector<16xi32>,
    %swap3A_538 = vector.shape_cast %swap3A_537 : vector<16xi32> to vector<16xi32>
    %swap3A_539 = vector.shape_cast %and3A_535 : vector<16xi32> to vector<16xi32>
    tpu.vector_store %arg12[%swap3A_536], %swap3A_539 {strides = array<i32>} : memref<80xi32, #tpu.memory_space<vmem>>, vector<16xi32>,
    %shift_right_arithmetic3A_540 = arith.constant 16 : i32
    %shift_right_arithmetic3A_541 = vector.broadcast %shift_right_arithmetic3A_540 : i32 to vector<16xi32>
    %shift_right_arithmetic3A_542 = arith.shrsi %get3A_532, %shift_right_arithmetic3A_541 : vector<16xi32>
    %and3A_543 = arith.constant 65535 : i32
    %and3A_544 = vector.broadcast %and3A_543 : i32 to vector<16xi32>
    %and3A_545 = arith.andi %shift_right_arithmetic3A_542, %and3A_544 : vector<16xi32>
    %swap3A_546 = arith.constant 48 : index
    %swap3A_547 = tpu.vector_load %arg17[%swap3A_546] {strides = array<i32>} : memref<80xi32, #tpu.memory_space<vmem>>, vector<16xi32>,
    %swap3A_548 = vector.shape_cast %swap3A_547 : vector<16xi32> to vector<16xi32>
    %swap3A_549 = vector.shape_cast %and3A_545 : vector<16xi32> to vector<16xi32>
    tpu.vector_store %arg17[%swap3A_546], %swap3A_549 {strides = array<i32>} : memref<80xi32, #tpu.memory_space<vmem>>, vector<16xi32>,
    %get3A_550 = arith.constant 4 : i32
    %get3A_551 = arith.index_cast %get3A_550 : i32 to index
    %get3A_552 = arith.constant 64 : index
    %get3A_553 = tpu.vector_load %arg7[%get3A_551, %get3A_552] {strides = array<i32>} : memref<125x80xi32, #tpu.memory_space<vmem>>, vector<1x16xi32>,
    %get3A_554 = vector.shape_cast %get3A_553 : vector<1x16xi32> to vector<16xi32>
    %and3A_555 = arith.constant 65535 : i32
    %and3A_556 = vector.broadcast %and3A_555 : i32 to vector<16xi32>
    %and3A_557 = arith.andi %get3A_554, %and3A_556 : vector<16xi32>
    %swap3A_558 = arith.constant 64 : index
    %swap3A_559 = tpu.vector_load %arg12[%swap3A_558] {strides = array<i32>} : memref<80xi32, #tpu.memory_space<vmem>>, vector<16xi32>,
    %swap3A_560 = vector.shape_cast %swap3A_559 : vector<16xi32> to vector<16xi32>
    %swap3A_561 = vector.shape_cast %and3A_557 : vector<16xi32> to vector<16xi32>
    tpu.vector_store %arg12[%swap3A_558], %swap3A_561 {strides = array<i32>} : memref<80xi32, #tpu.memory_space<vmem>>, vector<16xi32>,
    %shift_right_arithmetic3A_562 = arith.constant 16 : i32
    %shift_right_arithmetic3A_563 = vector.broadcast %shift_right_arithmetic3A_562 : i32 to vector<16xi32>
    %shift_right_arithmetic3A_564 = arith.shrsi %get3A_554, %shift_right_arithmetic3A_563 : vector<16xi32>
    %and3A_565 = arith.constant 65535 : i32
    %and3A_566 = vector.broadcast %and3A_565 : i32 to vector<16xi32>
    %and3A_567 = arith.andi %shift_right_arithmetic3A_564, %and3A_566 : vector<16xi32>
    %swap3A_568 = arith.constant 64 : index
    %swap3A_569 = tpu.vector_load %arg17[%swap3A_568] {strides = array<i32>} : memref<80xi32, #tpu.memory_space<vmem>>, vector<16xi32>,
    %swap3A_570 = vector.shape_cast %swap3A_569 : vector<16xi32> to vector<16xi32>
    %swap3A_571 = vector.shape_cast %and3A_567 : vector<16xi32> to vector<16xi32>
    tpu.vector_store %arg17[%swap3A_568], %swap3A_571 {strides = array<i32>} : memref<80xi32, #tpu.memory_space<vmem>>, vector<16xi32>,
    %dma_start3A_572 = arith.constant 0 : i32
    %dma_start3A_573 = arith.constant 0 : i32
    %dma_start3A_574 = tpu.memref_slice %arg2[%dma_start3A_572, %dma_start3A_573] : memref<10000x128xi32, #tpu.memory_space<hbm>> -> memref<10000x128xi32, #tpu.memory_space<hbm>>
    tpu.enqueue_indirect_dma source(%dma_start3A_574 : memref<10000x128xi32, #tpu.memory_space<hbm>>) target(%arg22 : memref<80x128xi32, #tpu.memory_space<vmem>>) offsets(%arg12 : memref<80xi32, #tpu.memory_space<vmem>>) semaphore(%arg32 : memref<!tpu.dma_semaphore, #tpu.memory_space<semaphore_mem>>)
    %dma_start3A_575 = arith.constant 0 : i32
    %dma_start3A_576 = arith.constant 0 : i32
    %dma_start3A_577 = tpu.memref_slice %arg3[%dma_start3A_575, %dma_start3A_576] : memref<10000x128xi32, #tpu.memory_space<hbm>> -> memref<10000x128xi32, #tpu.memory_space<hbm>>
    tpu.enqueue_indirect_dma source(%dma_start3A_577 : memref<10000x128xi32, #tpu.memory_space<hbm>>) target(%arg27 : memref<80x128xi32, #tpu.memory_space<vmem>>) offsets(%arg17 : memref<80xi32, #tpu.memory_space<vmem>>) semaphore(%arg32 : memref<!tpu.dma_semaphore, #tpu.memory_space<semaphore_mem>>)
    %scan3A = arith.constant 0 : i32
    %scan3A_578 = arith.constant 0 : i32
    %scan3A_579 = arith.constant 25 : i32
    %scan3A_580 = arith.addi %scan3A_578, %scan3A_579 : i32
    %scan3A_581 = arith.constant 1 : i32
    %scan3A_582 = scf.for %scan3A_584 = %scan3A_578 to %scan3A_580 step %scan3A_581 iter_args(%scan3A_585 = %scan3A) -> (i32)  : i32 {
      %mul3A_586 = arith.constant 5 : i32
      %mul3A_587 = arith.muli %scan3A_584, %mul3A_586 : i32
      %add3A_588 = arith.constant 0 : i32
      %add3A_589 = arith.addi %mul3A_587, %add3A_588 : i32
      %dma_wait3A = arith.constant 0 : i32
      %dma_wait3A_590 = arith.constant 0 : i32
      %dma_wait3A_591 = tpu.memref_slice %arg2[%dma_wait3A, %dma_wait3A_590] : memref<10000x128xi32, #tpu.memory_space<hbm>> -> memref<10000x128xi32, #tpu.memory_space<hbm>>
      tpu.wait_indirect_dma semaphore(%arg28 : memref<!tpu.dma_semaphore, #tpu.memory_space<semaphore_mem>>) src(%dma_wait3A_591 : memref<10000x128xi32, #tpu.memory_space<hbm>>) dst(%arg18 : memref<80x128xi32, #tpu.memory_space<vmem>>)
      %dma_wait3A_592 = arith.constant 0 : i32
      %dma_wait3A_593 = arith.constant 0 : i32
      %dma_wait3A_594 = tpu.memref_slice %arg3[%dma_wait3A_592, %dma_wait3A_593] : memref<10000x128xi32, #tpu.memory_space<hbm>> -> memref<10000x128xi32, #tpu.memory_space<hbm>>
      tpu.wait_indirect_dma semaphore(%arg28 : memref<!tpu.dma_semaphore, #tpu.memory_space<semaphore_mem>>) src(%dma_wait3A_594 : memref<10000x128xi32, #tpu.memory_space<hbm>>) dst(%arg23 : memref<80x128xi32, #tpu.memory_space<vmem>>)
      %mul3A_595 = arith.constant 80 : i32
      %mul3A_596 = arith.muli %add3A_589, %mul3A_595 : i32
      %add3A_597 = arith.addi %mul3A_2, %mul3A_596 : i32
      "tpu.region"() ({
        %run_scoped3A = tpu.sem_alloc : memref<!tpu.dma_semaphore, #tpu.memory_space<semaphore_mem>>
        %dma_start3A_683 = arith.constant 0 : i32
        %dma_start3A_684 = tpu.memref_slice %arg5[%add3A_597, %dma_start3A_683] : memref<320000x128xi32, #tpu.memory_space<hbm>> -> memref<80x128xi32, #tpu.memory_space<hbm>>
        %dma_start3A_685 = arith.constant 0 : i32
        %dma_start3A_686 = tpu.memref_slice %arg5[%add3A_597, %dma_start3A_685] : memref<320000x128xi32, #tpu.memory_space<hbm>> -> memref<80x128xi32, #tpu.memory_space<hbm>>
        tpu.enqueue_dma source(%arg18 : memref<80x128xi32, #tpu.memory_space<vmem>>) target(%dma_start3A_686 : memref<80x128xi32, #tpu.memory_space<hbm>>) target_semaphore(%run_scoped3A : memref<!tpu.dma_semaphore, #tpu.memory_space<semaphore_mem>>)
        %dma_wait3A_687 = arith.constant 0 : i32
        %dma_wait3A_688 = tpu.memref_slice %arg5[%add3A_597, %dma_wait3A_687] : memref<320000x128xi32, #tpu.memory_space<hbm>> -> memref<80x128xi32, #tpu.memory_space<hbm>>
        %dma_wait3A_689 = arith.constant 0 : i32
        %dma_wait3A_690 = tpu.memref_slice %arg5[%add3A_597, %dma_wait3A_689] : memref<320000x128xi32, #tpu.memory_space<hbm>> -> memref<80x128xi32, #tpu.memory_space<hbm>>
        tpu.wait_dma2 semaphore(%run_scoped3A : memref<!tpu.dma_semaphore, #tpu.memory_space<semaphore_mem>>) src(%arg18 : memref<80x128xi32, #tpu.memory_space<vmem>>) dst(%dma_wait3A_690 : memref<80x128xi32, #tpu.memory_space<hbm>>)
        tpu.yield
      }) : () -> ()
      "tpu.region"() ({
        %run_scoped3A = tpu.sem_alloc : memref<!tpu.dma_semaphore, #tpu.memory_space<semaphore_mem>>
        %dma_start3A_683 = arith.constant 0 : i32
        %dma_start3A_684 = tpu.memref_slice %arg6[%add3A_597, %dma_start3A_683] : memref<320000x128xi32, #tpu.memory_space<hbm>> -> memref<80x128xi32, #tpu.memory_space<hbm>>
        %dma_start3A_685 = arith.constant 0 : i32
        %dma_start3A_686 = tpu.memref_slice %arg6[%add3A_597, %dma_start3A_685] : memref<320000x128xi32, #tpu.memory_space<hbm>> -> memref<80x128xi32, #tpu.memory_space<hbm>>
        tpu.enqueue_dma source(%arg23 : memref<80x128xi32, #tpu.memory_space<vmem>>) target(%dma_start3A_686 : memref<80x128xi32, #tpu.memory_space<hbm>>) target_semaphore(%run_scoped3A : memref<!tpu.dma_semaphore, #tpu.memory_space<semaphore_mem>>)
        %dma_wait3A_687 = arith.constant 0 : i32
        %dma_wait3A_688 = tpu.memref_slice %arg6[%add3A_597, %dma_wait3A_687] : memref<320000x128xi32, #tpu.memory_space<hbm>> -> memref<80x128xi32, #tpu.memory_space<hbm>>
        %dma_wait3A_689 = arith.constant 0 : i32
        %dma_wait3A_690 = tpu.memref_slice %arg6[%add3A_597, %dma_wait3A_689] : memref<320000x128xi32, #tpu.memory_space<hbm>> -> memref<80x128xi32, #tpu.memory_space<hbm>>
        tpu.wait_dma2 semaphore(%run_scoped3A : memref<!tpu.dma_semaphore, #tpu.memory_space<semaphore_mem>>) src(%arg23 : memref<80x128xi32, #tpu.memory_space<vmem>>) dst(%dma_wait3A_690 : memref<80x128xi32, #tpu.memory_space<hbm>>)
        tpu.yield
      }) : () -> ()
      %add3A_598 = arith.constant 5 : i32
      %add3A_599 = arith.addi %add3A_589, %add3A_598 : i32
      %lt3A = arith.constant 125 : i32
      %lt3A_600 = arith.cmpi slt, %add3A_599, %lt3A : i32
      %convert_element_type3A = arith.extui %lt3A_600 : i1 to i32
      %cond3A = arith.constant 0 : i32
      %cond3A_601 = arith.cmpi ne, %convert_element_type3A, %cond3A : i32
      scf.if %cond3A_601 {
        %add3A_683 = arith.constant 5 : i32
        %add3A_684 = arith.addi %add3A_589, %add3A_683 : i32
        %get3A_685 = arith.index_cast %add3A_684 : i32 to index
        %get3A_686 = arith.constant 0 : index
        %get3A_687 = tpu.vector_load %arg7[%get3A_685, %get3A_686] {strides = array<i32>} : memref<125x80xi32, #tpu.memory_space<vmem>>, vector<1x16xi32>,
        %get3A_688 = vector.shape_cast %get3A_687 : vector<1x16xi32> to vector<16xi32>
        %and3A_689 = arith.constant 65535 : i32
        %and3A_690 = vector.broadcast %and3A_689 : i32 to vector<16xi32>
        %and3A_691 = arith.andi %get3A_688, %and3A_690 : vector<16xi32>
        %swap3A_692 = arith.constant 0 : index
        %swap3A_693 = tpu.vector_load %arg8[%swap3A_692] {strides = array<i32>} : memref<80xi32, #tpu.memory_space<vmem>>, vector<16xi32>,
        %swap3A_694 = vector.shape_cast %swap3A_693 : vector<16xi32> to vector<16xi32>
        %swap3A_695 = vector.shape_cast %and3A_691 : vector<16xi32> to vector<16xi32>
        tpu.vector_store %arg8[%swap3A_692], %swap3A_695 {strides = array<i32>} : memref<80xi32, #tpu.memory_space<vmem>>, vector<16xi32>,
        %shift_right_arithmetic3A_696 = arith.constant 16 : i32
        %shift_right_arithmetic3A_697 = vector.broadcast %shift_right_arithmetic3A_696 : i32 to vector<16xi32>
        %shift_right_arithmetic3A_698 = arith.shrsi %get3A_688, %shift_right_arithmetic3A_697 : vector<16xi32>
        %and3A_699 = arith.constant 65535 : i32
        %and3A_700 = vector.broadcast %and3A_699 : i32 to vector<16xi32>
        %and3A_701 = arith.andi %shift_right_arithmetic3A_698, %and3A_700 : vector<16xi32>
        %swap3A_702 = arith.constant 0 : index
        %swap3A_703 = tpu.vector_load %arg13[%swap3A_702] {strides = array<i32>} : memref<80xi32, #tpu.memory_space<vmem>>, vector<16xi32>,
        %swap3A_704 = vector.shape_cast %swap3A_703 : vector<16xi32> to vector<16xi32>
        %swap3A_705 = vector.shape_cast %and3A_701 : vector<16xi32> to vector<16xi32>
        tpu.vector_store %arg13[%swap3A_702], %swap3A_705 {strides = array<i32>} : memref<80xi32, #tpu.memory_space<vmem>>, vector<16xi32>,
        %get3A_706 = arith.index_cast %add3A_684 : i32 to index
        %get3A_707 = arith.constant 16 : index
        %get3A_708 = tpu.vector_load %arg7[%get3A_706, %get3A_707] {strides = array<i32>} : memref<125x80xi32, #tpu.memory_space<vmem>>, vector<1x16xi32>,
        %get3A_709 = vector.shape_cast %get3A_708 : vector<1x16xi32> to vector<16xi32>
        %and3A_710 = arith.constant 65535 : i32
        %and3A_711 = vector.broadcast %and3A_710 : i32 to vector<16xi32>
        %and3A_712 = arith.andi %get3A_709, %and3A_711 : vector<16xi32>
        %swap3A_713 = arith.constant 16 : index
        %swap3A_714 = tpu.vector_load %arg8[%swap3A_713] {strides = array<i32>} : memref<80xi32, #tpu.memory_space<vmem>>, vector<16xi32>,
        %swap3A_715 = vector.shape_cast %swap3A_714 : vector<16xi32> to vector<16xi32>
        %swap3A_716 = vector.shape_cast %and3A_712 : vector<16xi32> to vector<16xi32>
        tpu.vector_store %arg8[%swap3A_713], %swap3A_716 {strides = array<i32>} : memref<80xi32, #tpu.memory_space<vmem>>, vector<16xi32>,
        %shift_right_arithmetic3A_717 = arith.constant 16 : i32
        %shift_right_arithmetic3A_718 = vector.broadcast %shift_right_arithmetic3A_717 : i32 to vector<16xi32>
        %shift_right_arithmetic3A_719 = arith.shrsi %get3A_709, %shift_right_arithmetic3A_718 : vector<16xi32>
        %and3A_720 = arith.constant 65535 : i32
        %and3A_721 = vector.broadcast %and3A_720 : i32 to vector<16xi32>
        %and3A_722 = arith.andi %shift_right_arithmetic3A_719, %and3A_721 : vector<16xi32>
        %swap3A_723 = arith.constant 16 : index
        %swap3A_724 = tpu.vector_load %arg13[%swap3A_723] {strides = array<i32>} : memref<80xi32, #tpu.memory_space<vmem>>, vector<16xi32>,
        %swap3A_725 = vector.shape_cast %swap3A_724 : vector<16xi32> to vector<16xi32>
        %swap3A_726 = vector.shape_cast %and3A_722 : vector<16xi32> to vector<16xi32>
        tpu.vector_store %arg13[%swap3A_723], %swap3A_726 {strides = array<i32>} : memref<80xi32, #tpu.memory_space<vmem>>, vector<16xi32>,
        %get3A_727 = arith.index_cast %add3A_684 : i32 to index
        %get3A_728 = arith.constant 32 : index
        %get3A_729 = tpu.vector_load %arg7[%get3A_727, %get3A_728] {strides = array<i32>} : memref<125x80xi32, #tpu.memory_space<vmem>>, vector<1x16xi32>,
        %get3A_730 = vector.shape_cast %get3A_729 : vector<1x16xi32> to vector<16xi32>
        %and3A_731 = arith.constant 65535 : i32
        %and3A_732 = vector.broadcast %and3A_731 : i32 to vector<16xi32>
        %and3A_733 = arith.andi %get3A_730, %and3A_732 : vector<16xi32>
        %swap3A_734 = arith.constant 32 : index
        %swap3A_735 = tpu.vector_load %arg8[%swap3A_734] {strides = array<i32>} : memref<80xi32, #tpu.memory_space<vmem>>, vector<16xi32>,
        %swap3A_736 = vector.shape_cast %swap3A_735 : vector<16xi32> to vector<16xi32>
        %swap3A_737 = vector.shape_cast %and3A_733 : vector<16xi32> to vector<16xi32>
        tpu.vector_store %arg8[%swap3A_734], %swap3A_737 {strides = array<i32>} : memref<80xi32, #tpu.memory_space<vmem>>, vector<16xi32>,
        %shift_right_arithmetic3A_738 = arith.constant 16 : i32
        %shift_right_arithmetic3A_739 = vector.broadcast %shift_right_arithmetic3A_738 : i32 to vector<16xi32>
        %shift_right_arithmetic3A_740 = arith.shrsi %get3A_730, %shift_right_arithmetic3A_739 : vector<16xi32>
        %and3A_741 = arith.constant 65535 : i32
        %and3A_742 = vector.broadcast %and3A_741 : i32 to vector<16xi32>
        %and3A_743 = arith.andi %shift_right_arithmetic3A_740, %and3A_742 : vector<16xi32>
        %swap3A_744 = arith.constant 32 : index
        %swap3A_745 = tpu.vector_load %arg13[%swap3A_744] {strides = array<i32>} : memref<80xi32, #tpu.memory_space<vmem>>, vector<16xi32>,
        %swap3A_746 = vector.shape_cast %swap3A_745 : vector<16xi32> to vector<16xi32>
        %swap3A_747 = vector.shape_cast %and3A_743 : vector<16xi32> to vector<16xi32>
        tpu.vector_store %arg13[%swap3A_744], %swap3A_747 {strides = array<i32>} : memref<80xi32, #tpu.memory_space<vmem>>, vector<16xi32>,
        %get3A_748 = arith.index_cast %add3A_684 : i32 to index
        %get3A_749 = arith.constant 48 : index
        %get3A_750 = tpu.vector_load %arg7[%get3A_748, %get3A_749] {strides = array<i32>} : memref<125x80xi32, #tpu.memory_space<vmem>>, vector<1x16xi32>,
        %get3A_751 = vector.shape_cast %get3A_750 : vector<1x16xi32> to vector<16xi32>
        %and3A_752 = arith.constant 65535 : i32
        %and3A_753 = vector.broadcast %and3A_752 : i32 to vector<16xi32>
        %and3A_754 = arith.andi %get3A_751, %and3A_753 : vector<16xi32>
        %swap3A_755 = arith.constant 48 : index
        %swap3A_756 = tpu.vector_load %arg8[%swap3A_755] {strides = array<i32>} : memref<80xi32, #tpu.memory_space<vmem>>, vector<16xi32>,
        %swap3A_757 = vector.shape_cast %swap3A_756 : vector<16xi32> to vector<16xi32>
        %swap3A_758 = vector.shape_cast %and3A_754 : vector<16xi32> to vector<16xi32>
        tpu.vector_store %arg8[%swap3A_755], %swap3A_758 {strides = array<i32>} : memref<80xi32, #tpu.memory_space<vmem>>, vector<16xi32>,
        %shift_right_arithmetic3A_759 = arith.constant 16 : i32
        %shift_right_arithmetic3A_760 = vector.broadcast %shift_right_arithmetic3A_759 : i32 to vector<16xi32>
        %shift_right_arithmetic3A_761 = arith.shrsi %get3A_751, %shift_right_arithmetic3A_760 : vector<16xi32>
        %and3A_762 = arith.constant 65535 : i32
        %and3A_763 = vector.broadcast %and3A_762 : i32 to vector<16xi32>
        %and3A_764 = arith.andi %shift_right_arithmetic3A_761, %and3A_763 : vector<16xi32>
        %swap3A_765 = arith.constant 48 : index
        %swap3A_766 = tpu.vector_load %arg13[%swap3A_765] {strides = array<i32>} : memref<80xi32, #tpu.memory_space<vmem>>, vector<16xi32>,
        %swap3A_767 = vector.shape_cast %swap3A_766 : vector<16xi32> to vector<16xi32>
        %swap3A_768 = vector.shape_cast %and3A_764 : vector<16xi32> to vector<16xi32>
        tpu.vector_store %arg13[%swap3A_765], %swap3A_768 {strides = array<i32>} : memref<80xi32, #tpu.memory_space<vmem>>, vector<16xi32>,
        %get3A_769 = arith.index_cast %add3A_684 : i32 to index
        %get3A_770 = arith.constant 64 : index
        %get3A_771 = tpu.vector_load %arg7[%get3A_769, %get3A_770] {strides = array<i32>} : memref<125x80xi32, #tpu.memory_space<vmem>>, vector<1x16xi32>,
        %get3A_772 = vector.shape_cast %get3A_771 : vector<1x16xi32> to vector<16xi32>
        %and3A_773 = arith.constant 65535 : i32
        %and3A_774 = vector.broadcast %and3A_773 : i32 to vector<16xi32>
        %and3A_775 = arith.andi %get3A_772, %and3A_774 : vector<16xi32>
        %swap3A_776 = arith.constant 64 : index
        %swap3A_777 = tpu.vector_load %arg8[%swap3A_776] {strides = array<i32>} : memref<80xi32, #tpu.memory_space<vmem>>, vector<16xi32>,
        %swap3A_778 = vector.shape_cast %swap3A_777 : vector<16xi32> to vector<16xi32>
        %swap3A_779 = vector.shape_cast %and3A_775 : vector<16xi32> to vector<16xi32>
        tpu.vector_store %arg8[%swap3A_776], %swap3A_779 {strides = array<i32>} : memref<80xi32, #tpu.memory_space<vmem>>, vector<16xi32>,
        %shift_right_arithmetic3A_780 = arith.constant 16 : i32
        %shift_right_arithmetic3A_781 = vector.broadcast %shift_right_arithmetic3A_780 : i32 to vector<16xi32>
        %shift_right_arithmetic3A_782 = arith.shrsi %get3A_772, %shift_right_arithmetic3A_781 : vector<16xi32>
        %and3A_783 = arith.constant 65535 : i32
        %and3A_784 = vector.broadcast %and3A_783 : i32 to vector<16xi32>
        %and3A_785 = arith.andi %shift_right_arithmetic3A_782, %and3A_784 : vector<16xi32>
        %swap3A_786 = arith.constant 64 : index
        %swap3A_787 = tpu.vector_load %arg13[%swap3A_786] {strides = array<i32>} : memref<80xi32, #tpu.memory_space<vmem>>, vector<16xi32>,
        %swap3A_788 = vector.shape_cast %swap3A_787 : vector<16xi32> to vector<16xi32>
        %swap3A_789 = vector.shape_cast %and3A_785 : vector<16xi32> to vector<16xi32>
        tpu.vector_store %arg13[%swap3A_786], %swap3A_789 {strides = array<i32>} : memref<80xi32, #tpu.memory_space<vmem>>, vector<16xi32>,
        %add3A_790 = arith.constant 5 : i32
        %add3A_791 = arith.addi %add3A_589, %add3A_790 : i32
        %dma_start3A_792 = arith.constant 0 : i32
        %dma_start3A_793 = arith.constant 0 : i32
        %dma_start3A_794 = tpu.memref_slice %arg2[%dma_start3A_792, %dma_start3A_793] : memref<10000x128xi32, #tpu.memory_space<hbm>> -> memref<10000x128xi32, #tpu.memory_space<hbm>>
        tpu.enqueue_indirect_dma source(%dma_start3A_794 : memref<10000x128xi32, #tpu.memory_space<hbm>>) target(%arg18 : memref<80x128xi32, #tpu.memory_space<vmem>>) offsets(%arg8 : memref<80xi32, #tpu.memory_space<vmem>>) semaphore(%arg28 : memref<!tpu.dma_semaphore, #tpu.memory_space<semaphore_mem>>)
        %dma_start3A_795 = arith.constant 0 : i32
        %dma_start3A_796 = arith.constant 0 : i32
        %dma_start3A_797 = tpu.memref_slice %arg3[%dma_start3A_795, %dma_start3A_796] : memref<10000x128xi32, #tpu.memory_space<hbm>> -> memref<10000x128xi32, #tpu.memory_space<hbm>>
        tpu.enqueue_indirect_dma source(%dma_start3A_797 : memref<10000x128xi32, #tpu.memory_space<hbm>>) target(%arg23 : memref<80x128xi32, #tpu.memory_space<vmem>>) offsets(%arg13 : memref<80xi32, #tpu.memory_space<vmem>>) semaphore(%arg28 : memref<!tpu.dma_semaphore, #tpu.memory_space<semaphore_mem>>)
      } else {
      }
      %mul3A_602 = arith.constant 5 : i32
      %mul3A_603 = arith.muli %scan3A_584, %mul3A_602 : i32
      %add3A_604 = arith.constant 1 : i32
      %add3A_605 = arith.addi %mul3A_603, %add3A_604 : i32
      %dma_wait3A_606 = arith.constant 0 : i32
      %dma_wait3A_607 = arith.constant 0 : i32
      %dma_wait3A_608 = tpu.memref_slice %arg2[%dma_wait3A_606, %dma_wait3A_607] : memref<10000x128xi32, #tpu.memory_space<hbm>> -> memref<10000x128xi32, #tpu.memory_space<hbm>>
      tpu.wait_indirect_dma semaphore(%arg29 : memref<!tpu.dma_semaphore, #tpu.memory_space<semaphore_mem>>) src(%dma_wait3A_608 : memref<10000x128xi32, #tpu.memory_space<hbm>>) dst(%arg19 : memref<80x128xi32, #tpu.memory_space<vmem>>)
      %dma_wait3A_609 = arith.constant 0 : i32
      %dma_wait3A_610 = arith.constant 0 : i32
      %dma_wait3A_611 = tpu.memref_slice %arg3[%dma_wait3A_609, %dma_wait3A_610] : memref<10000x128xi32, #tpu.memory_space<hbm>> -> memref<10000x128xi32, #tpu.memory_space<hbm>>
      tpu.wait_indirect_dma semaphore(%arg29 : memref<!tpu.dma_semaphore, #tpu.memory_space<semaphore_mem>>) src(%dma_wait3A_611 : memref<10000x128xi32, #tpu.memory_space<hbm>>) dst(%arg24 : memref<80x128xi32, #tpu.memory_space<vmem>>)
      %mul3A_612 = arith.constant 80 : i32
      %mul3A_613 = arith.muli %add3A_605, %mul3A_612 : i32
      %add3A_614 = arith.addi %mul3A_2, %mul3A_613 : i32
      "tpu.region"() ({
        %run_scoped3A = tpu.sem_alloc : memref<!tpu.dma_semaphore, #tpu.memory_space<semaphore_mem>>
        %dma_start3A_683 = arith.constant 0 : i32
        %dma_start3A_684 = tpu.memref_slice %arg5[%add3A_614, %dma_start3A_683] : memref<320000x128xi32, #tpu.memory_space<hbm>> -> memref<80x128xi32, #tpu.memory_space<hbm>>
        %dma_start3A_685 = arith.constant 0 : i32
        %dma_start3A_686 = tpu.memref_slice %arg5[%add3A_614, %dma_start3A_685] : memref<320000x128xi32, #tpu.memory_space<hbm>> -> memref<80x128xi32, #tpu.memory_space<hbm>>
        tpu.enqueue_dma source(%arg19 : memref<80x128xi32, #tpu.memory_space<vmem>>) target(%dma_start3A_686 : memref<80x128xi32, #tpu.memory_space<hbm>>) target_semaphore(%run_scoped3A : memref<!tpu.dma_semaphore, #tpu.memory_space<semaphore_mem>>)
        %dma_wait3A_687 = arith.constant 0 : i32
        %dma_wait3A_688 = tpu.memref_slice %arg5[%add3A_614, %dma_wait3A_687] : memref<320000x128xi32, #tpu.memory_space<hbm>> -> memref<80x128xi32, #tpu.memory_space<hbm>>
        %dma_wait3A_689 = arith.constant 0 : i32
        %dma_wait3A_690 = tpu.memref_slice %arg5[%add3A_614, %dma_wait3A_689] : memref<320000x128xi32, #tpu.memory_space<hbm>> -> memref<80x128xi32, #tpu.memory_space<hbm>>
        tpu.wait_dma2 semaphore(%run_scoped3A : memref<!tpu.dma_semaphore, #tpu.memory_space<semaphore_mem>>) src(%arg19 : memref<80x128xi32, #tpu.memory_space<vmem>>) dst(%dma_wait3A_690 : memref<80x128xi32, #tpu.memory_space<hbm>>)
        tpu.yield
      }) : () -> ()
      "tpu.region"() ({
        %run_scoped3A = tpu.sem_alloc : memref<!tpu.dma_semaphore, #tpu.memory_space<semaphore_mem>>
        %dma_start3A_683 = arith.constant 0 : i32
        %dma_start3A_684 = tpu.memref_slice %arg6[%add3A_614, %dma_start3A_683] : memref<320000x128xi32, #tpu.memory_space<hbm>> -> memref<80x128xi32, #tpu.memory_space<hbm>>
        %dma_start3A_685 = arith.constant 0 : i32
        %dma_start3A_686 = tpu.memref_slice %arg6[%add3A_614, %dma_start3A_685] : memref<320000x128xi32, #tpu.memory_space<hbm>> -> memref<80x128xi32, #tpu.memory_space<hbm>>
        tpu.enqueue_dma source(%arg24 : memref<80x128xi32, #tpu.memory_space<vmem>>) target(%dma_start3A_686 : memref<80x128xi32, #tpu.memory_space<hbm>>) target_semaphore(%run_scoped3A : memref<!tpu.dma_semaphore, #tpu.memory_space<semaphore_mem>>)
        %dma_wait3A_687 = arith.constant 0 : i32
        %dma_wait3A_688 = tpu.memref_slice %arg6[%add3A_614, %dma_wait3A_687] : memref<320000x128xi32, #tpu.memory_space<hbm>> -> memref<80x128xi32, #tpu.memory_space<hbm>>
        %dma_wait3A_689 = arith.constant 0 : i32
        %dma_wait3A_690 = tpu.memref_slice %arg6[%add3A_614, %dma_wait3A_689] : memref<320000x128xi32, #tpu.memory_space<hbm>> -> memref<80x128xi32, #tpu.memory_space<hbm>>
        tpu.wait_dma2 semaphore(%run_scoped3A : memref<!tpu.dma_semaphore, #tpu.memory_space<semaphore_mem>>) src(%arg24 : memref<80x128xi32, #tpu.memory_space<vmem>>) dst(%dma_wait3A_690 : memref<80x128xi32, #tpu.memory_space<hbm>>)
        tpu.yield
      }) : () -> ()
      %add3A_615 = arith.constant 5 : i32
      %add3A_616 = arith.addi %add3A_605, %add3A_615 : i32
      %lt3A_617 = arith.constant 125 : i32
      %lt3A_618 = arith.cmpi slt, %add3A_616, %lt3A_617 : i32
      %convert_element_type3A_619 = arith.extui %lt3A_618 : i1 to i32
      %cond3A_620 = arith.constant 0 : i32
      %cond3A_621 = arith.cmpi ne, %convert_element_type3A_619, %cond3A_620 : i32
      scf.if %cond3A_621 {
        %add3A_683 = arith.constant 5 : i32
        %add3A_684 = arith.addi %add3A_605, %add3A_683 : i32
        %get3A_685 = arith.index_cast %add3A_684 : i32 to index
        %get3A_686 = arith.constant 0 : index
        %get3A_687 = tpu.vector_load %arg7[%get3A_685, %get3A_686] {strides = array<i32>} : memref<125x80xi32, #tpu.memory_space<vmem>>, vector<1x16xi32>,
        %get3A_688 = vector.shape_cast %get3A_687 : vector<1x16xi32> to vector<16xi32>
        %and3A_689 = arith.constant 65535 : i32
        %and3A_690 = vector.broadcast %and3A_689 : i32 to vector<16xi32>
        %and3A_691 = arith.andi %get3A_688, %and3A_690 : vector<16xi32>
        %swap3A_692 = arith.constant 0 : index
        %swap3A_693 = tpu.vector_load %arg9[%swap3A_692] {strides = array<i32>} : memref<80xi32, #tpu.memory_space<vmem>>, vector<16xi32>,
        %swap3A_694 = vector.shape_cast %swap3A_693 : vector<16xi32> to vector<16xi32>
        %swap3A_695 = vector.shape_cast %and3A_691 : vector<16xi32> to vector<16xi32>
        tpu.vector_store %arg9[%swap3A_692], %swap3A_695 {strides = array<i32>} : memref<80xi32, #tpu.memory_space<vmem>>, vector<16xi32>,
        %shift_right_arithmetic3A_696 = arith.constant 16 : i32
        %shift_right_arithmetic3A_697 = vector.broadcast %shift_right_arithmetic3A_696 : i32 to vector<16xi32>
        %shift_right_arithmetic3A_698 = arith.shrsi %get3A_688, %shift_right_arithmetic3A_697 : vector<16xi32>
        %and3A_699 = arith.constant 65535 : i32
        %and3A_700 = vector.broadcast %and3A_699 : i32 to vector<16xi32>
        %and3A_701 = arith.andi %shift_right_arithmetic3A_698, %and3A_700 : vector<16xi32>
        %swap3A_702 = arith.constant 0 : index
        %swap3A_703 = tpu.vector_load %arg14[%swap3A_702] {strides = array<i32>} : memref<80xi32, #tpu.memory_space<vmem>>, vector<16xi32>,
        %swap3A_704 = vector.shape_cast %swap3A_703 : vector<16xi32> to vector<16xi32>
        %swap3A_705 = vector.shape_cast %and3A_701 : vector<16xi32> to vector<16xi32>
        tpu.vector_store %arg14[%swap3A_702], %swap3A_705 {strides = array<i32>} : memref<80xi32, #tpu.memory_space<vmem>>, vector<16xi32>,
        %get3A_706 = arith.index_cast %add3A_684 : i32 to index
        %get3A_707 = arith.constant 16 : index
        %get3A_708 = tpu.vector_load %arg7[%get3A_706, %get3A_707] {strides = array<i32>} : memref<125x80xi32, #tpu.memory_space<vmem>>, vector<1x16xi32>,
        %get3A_709 = vector.shape_cast %get3A_708 : vector<1x16xi32> to vector<16xi32>
        %and3A_710 = arith.constant 65535 : i32
        %and3A_711 = vector.broadcast %and3A_710 : i32 to vector<16xi32>
        %and3A_712 = arith.andi %get3A_709, %and3A_711 : vector<16xi32>
        %swap3A_713 = arith.constant 16 : index
        %swap3A_714 = tpu.vector_load %arg9[%swap3A_713] {strides = array<i32>} : memref<80xi32, #tpu.memory_space<vmem>>, vector<16xi32>,
        %swap3A_715 = vector.shape_cast %swap3A_714 : vector<16xi32> to vector<16xi32>
        %swap3A_716 = vector.shape_cast %and3A_712 : vector<16xi32> to vector<16xi32>
        tpu.vector_store %arg9[%swap3A_713], %swap3A_716 {strides = array<i32>} : memref<80xi32, #tpu.memory_space<vmem>>, vector<16xi32>,
        %shift_right_arithmetic3A_717 = arith.constant 16 : i32
        %shift_right_arithmetic3A_718 = vector.broadcast %shift_right_arithmetic3A_717 : i32 to vector<16xi32>
        %shift_right_arithmetic3A_719 = arith.shrsi %get3A_709, %shift_right_arithmetic3A_718 : vector<16xi32>
        %and3A_720 = arith.constant 65535 : i32
        %and3A_721 = vector.broadcast %and3A_720 : i32 to vector<16xi32>
        %and3A_722 = arith.andi %shift_right_arithmetic3A_719, %and3A_721 : vector<16xi32>
        %swap3A_723 = arith.constant 16 : index
        %swap3A_724 = tpu.vector_load %arg14[%swap3A_723] {strides = array<i32>} : memref<80xi32, #tpu.memory_space<vmem>>, vector<16xi32>,
        %swap3A_725 = vector.shape_cast %swap3A_724 : vector<16xi32> to vector<16xi32>
        %swap3A_726 = vector.shape_cast %and3A_722 : vector<16xi32> to vector<16xi32>
        tpu.vector_store %arg14[%swap3A_723], %swap3A_726 {strides = array<i32>} : memref<80xi32, #tpu.memory_space<vmem>>, vector<16xi32>,
        %get3A_727 = arith.index_cast %add3A_684 : i32 to index
        %get3A_728 = arith.constant 32 : index
        %get3A_729 = tpu.vector_load %arg7[%get3A_727, %get3A_728] {strides = array<i32>} : memref<125x80xi32, #tpu.memory_space<vmem>>, vector<1x16xi32>,
        %get3A_730 = vector.shape_cast %get3A_729 : vector<1x16xi32> to vector<16xi32>
        %and3A_731 = arith.constant 65535 : i32
        %and3A_732 = vector.broadcast %and3A_731 : i32 to vector<16xi32>
        %and3A_733 = arith.andi %get3A_730, %and3A_732 : vector<16xi32>
        %swap3A_734 = arith.constant 32 : index
        %swap3A_735 = tpu.vector_load %arg9[%swap3A_734] {strides = array<i32>} : memref<80xi32, #tpu.memory_space<vmem>>, vector<16xi32>,
        %swap3A_736 = vector.shape_cast %swap3A_735 : vector<16xi32> to vector<16xi32>
        %swap3A_737 = vector.shape_cast %and3A_733 : vector<16xi32> to vector<16xi32>
        tpu.vector_store %arg9[%swap3A_734], %swap3A_737 {strides = array<i32>} : memref<80xi32, #tpu.memory_space<vmem>>, vector<16xi32>,
        %shift_right_arithmetic3A_738 = arith.constant 16 : i32
        %shift_right_arithmetic3A_739 = vector.broadcast %shift_right_arithmetic3A_738 : i32 to vector<16xi32>
        %shift_right_arithmetic3A_740 = arith.shrsi %get3A_730, %shift_right_arithmetic3A_739 : vector<16xi32>
        %and3A_741 = arith.constant 65535 : i32
        %and3A_742 = vector.broadcast %and3A_741 : i32 to vector<16xi32>
        %and3A_743 = arith.andi %shift_right_arithmetic3A_740, %and3A_742 : vector<16xi32>
        %swap3A_744 = arith.constant 32 : index
        %swap3A_745 = tpu.vector_load %arg14[%swap3A_744] {strides = array<i32>} : memref<80xi32, #tpu.memory_space<vmem>>, vector<16xi32>,
        %swap3A_746 = vector.shape_cast %swap3A_745 : vector<16xi32> to vector<16xi32>
        %swap3A_747 = vector.shape_cast %and3A_743 : vector<16xi32> to vector<16xi32>
        tpu.vector_store %arg14[%swap3A_744], %swap3A_747 {strides = array<i32>} : memref<80xi32, #tpu.memory_space<vmem>>, vector<16xi32>,
        %get3A_748 = arith.index_cast %add3A_684 : i32 to index
        %get3A_749 = arith.constant 48 : index
        %get3A_750 = tpu.vector_load %arg7[%get3A_748, %get3A_749] {strides = array<i32>} : memref<125x80xi32, #tpu.memory_space<vmem>>, vector<1x16xi32>,
        %get3A_751 = vector.shape_cast %get3A_750 : vector<1x16xi32> to vector<16xi32>
        %and3A_752 = arith.constant 65535 : i32
        %and3A_753 = vector.broadcast %and3A_752 : i32 to vector<16xi32>
        %and3A_754 = arith.andi %get3A_751, %and3A_753 : vector<16xi32>
        %swap3A_755 = arith.constant 48 : index
        %swap3A_756 = tpu.vector_load %arg9[%swap3A_755] {strides = array<i32>} : memref<80xi32, #tpu.memory_space<vmem>>, vector<16xi32>,
        %swap3A_757 = vector.shape_cast %swap3A_756 : vector<16xi32> to vector<16xi32>
        %swap3A_758 = vector.shape_cast %and3A_754 : vector<16xi32> to vector<16xi32>
        tpu.vector_store %arg9[%swap3A_755], %swap3A_758 {strides = array<i32>} : memref<80xi32, #tpu.memory_space<vmem>>, vector<16xi32>,
        %shift_right_arithmetic3A_759 = arith.constant 16 : i32
        %shift_right_arithmetic3A_760 = vector.broadcast %shift_right_arithmetic3A_759 : i32 to vector<16xi32>
        %shift_right_arithmetic3A_761 = arith.shrsi %get3A_751, %shift_right_arithmetic3A_760 : vector<16xi32>
        %and3A_762 = arith.constant 65535 : i32
        %and3A_763 = vector.broadcast %and3A_762 : i32 to vector<16xi32>
        %and3A_764 = arith.andi %shift_right_arithmetic3A_761, %and3A_763 : vector<16xi32>
        %swap3A_765 = arith.constant 48 : index
        %swap3A_766 = tpu.vector_load %arg14[%swap3A_765] {strides = array<i32>} : memref<80xi32, #tpu.memory_space<vmem>>, vector<16xi32>,
        %swap3A_767 = vector.shape_cast %swap3A_766 : vector<16xi32> to vector<16xi32>
        %swap3A_768 = vector.shape_cast %and3A_764 : vector<16xi32> to vector<16xi32>
        tpu.vector_store %arg14[%swap3A_765], %swap3A_768 {strides = array<i32>} : memref<80xi32, #tpu.memory_space<vmem>>, vector<16xi32>,
        %get3A_769 = arith.index_cast %add3A_684 : i32 to index
        %get3A_770 = arith.constant 64 : index
        %get3A_771 = tpu.vector_load %arg7[%get3A_769, %get3A_770] {strides = array<i32>} : memref<125x80xi32, #tpu.memory_space<vmem>>, vector<1x16xi32>,
        %get3A_772 = vector.shape_cast %get3A_771 : vector<1x16xi32> to vector<16xi32>
        %and3A_773 = arith.constant 65535 : i32
        %and3A_774 = vector.broadcast %and3A_773 : i32 to vector<16xi32>
        %and3A_775 = arith.andi %get3A_772, %and3A_774 : vector<16xi32>
        %swap3A_776 = arith.constant 64 : index
        %swap3A_777 = tpu.vector_load %arg9[%swap3A_776] {strides = array<i32>} : memref<80xi32, #tpu.memory_space<vmem>>, vector<16xi32>,
        %swap3A_778 = vector.shape_cast %swap3A_777 : vector<16xi32> to vector<16xi32>
        %swap3A_779 = vector.shape_cast %and3A_775 : vector<16xi32> to vector<16xi32>
        tpu.vector_store %arg9[%swap3A_776], %swap3A_779 {strides = array<i32>} : memref<80xi32, #tpu.memory_space<vmem>>, vector<16xi32>,
        %shift_right_arithmetic3A_780 = arith.constant 16 : i32
        %shift_right_arithmetic3A_781 = vector.broadcast %shift_right_arithmetic3A_780 : i32 to vector<16xi32>
        %shift_right_arithmetic3A_782 = arith.shrsi %get3A_772, %shift_right_arithmetic3A_781 : vector<16xi32>
        %and3A_783 = arith.constant 65535 : i32
        %and3A_784 = vector.broadcast %and3A_783 : i32 to vector<16xi32>
        %and3A_785 = arith.andi %shift_right_arithmetic3A_782, %and3A_784 : vector<16xi32>
        %swap3A_786 = arith.constant 64 : index
        %swap3A_787 = tpu.vector_load %arg14[%swap3A_786] {strides = array<i32>} : memref<80xi32, #tpu.memory_space<vmem>>, vector<16xi32>,
        %swap3A_788 = vector.shape_cast %swap3A_787 : vector<16xi32> to vector<16xi32>
        %swap3A_789 = vector.shape_cast %and3A_785 : vector<16xi32> to vector<16xi32>
        tpu.vector_store %arg14[%swap3A_786], %swap3A_789 {strides = array<i32>} : memref<80xi32, #tpu.memory_space<vmem>>, vector<16xi32>,
        %add3A_790 = arith.constant 5 : i32
        %add3A_791 = arith.addi %add3A_605, %add3A_790 : i32
        %dma_start3A_792 = arith.constant 0 : i32
        %dma_start3A_793 = arith.constant 0 : i32
        %dma_start3A_794 = tpu.memref_slice %arg2[%dma_start3A_792, %dma_start3A_793] : memref<10000x128xi32, #tpu.memory_space<hbm>> -> memref<10000x128xi32, #tpu.memory_space<hbm>>
        tpu.enqueue_indirect_dma source(%dma_start3A_794 : memref<10000x128xi32, #tpu.memory_space<hbm>>) target(%arg19 : memref<80x128xi32, #tpu.memory_space<vmem>>) offsets(%arg9 : memref<80xi32, #tpu.memory_space<vmem>>) semaphore(%arg29 : memref<!tpu.dma_semaphore, #tpu.memory_space<semaphore_mem>>)
        %dma_start3A_795 = arith.constant 0 : i32
        %dma_start3A_796 = arith.constant 0 : i32
        %dma_start3A_797 = tpu.memref_slice %arg3[%dma_start3A_795, %dma_start3A_796] : memref<10000x128xi32, #tpu.memory_space<hbm>> -> memref<10000x128xi32, #tpu.memory_space<hbm>>
        tpu.enqueue_indirect_dma source(%dma_start3A_797 : memref<10000x128xi32, #tpu.memory_space<hbm>>) target(%arg24 : memref<80x128xi32, #tpu.memory_space<vmem>>) offsets(%arg14 : memref<80xi32, #tpu.memory_space<vmem>>) semaphore(%arg29 : memref<!tpu.dma_semaphore, #tpu.memory_space<semaphore_mem>>)
      } else {
      }
      %mul3A_622 = arith.constant 5 : i32
      %mul3A_623 = arith.muli %scan3A_584, %mul3A_622 : i32
      %add3A_624 = arith.constant 2 : i32
      %add3A_625 = arith.addi %mul3A_623, %add3A_624 : i32
      %dma_wait3A_626 = arith.constant 0 : i32
      %dma_wait3A_627 = arith.constant 0 : i32
      %dma_wait3A_628 = tpu.memref_slice %arg2[%dma_wait3A_626, %dma_wait3A_627] : memref<10000x128xi32, #tpu.memory_space<hbm>> -> memref<10000x128xi32, #tpu.memory_space<hbm>>
      tpu.wait_indirect_dma semaphore(%arg30 : memref<!tpu.dma_semaphore, #tpu.memory_space<semaphore_mem>>) src(%dma_wait3A_628 : memref<10000x128xi32, #tpu.memory_space<hbm>>) dst(%arg20 : memref<80x128xi32, #tpu.memory_space<vmem>>)
      %dma_wait3A_629 = arith.constant 0 : i32
      %dma_wait3A_630 = arith.constant 0 : i32
      %dma_wait3A_631 = tpu.memref_slice %arg3[%dma_wait3A_629, %dma_wait3A_630] : memref<10000x128xi32, #tpu.memory_space<hbm>> -> memref<10000x128xi32, #tpu.memory_space<hbm>>
      tpu.wait_indirect_dma semaphore(%arg30 : memref<!tpu.dma_semaphore, #tpu.memory_space<semaphore_mem>>) src(%dma_wait3A_631 : memref<10000x128xi32, #tpu.memory_space<hbm>>) dst(%arg25 : memref<80x128xi32, #tpu.memory_space<vmem>>)
      %mul3A_632 = arith.constant 80 : i32
      %mul3A_633 = arith.muli %add3A_625, %mul3A_632 : i32
      %add3A_634 = arith.addi %mul3A_2, %mul3A_633 : i32
      "tpu.region"() ({
        %run_scoped3A = tpu.sem_alloc : memref<!tpu.dma_semaphore, #tpu.memory_space<semaphore_mem>>
        %dma_start3A_683 = arith.constant 0 : i32
        %dma_start3A_684 = tpu.memref_slice %arg5[%add3A_634, %dma_start3A_683] : memref<320000x128xi32, #tpu.memory_space<hbm>> -> memref<80x128xi32, #tpu.memory_space<hbm>>
        %dma_start3A_685 = arith.constant 0 : i32
        %dma_start3A_686 = tpu.memref_slice %arg5[%add3A_634, %dma_start3A_685] : memref<320000x128xi32, #tpu.memory_space<hbm>> -> memref<80x128xi32, #tpu.memory_space<hbm>>
        tpu.enqueue_dma source(%arg20 : memref<80x128xi32, #tpu.memory_space<vmem>>) target(%dma_start3A_686 : memref<80x128xi32, #tpu.memory_space<hbm>>) target_semaphore(%run_scoped3A : memref<!tpu.dma_semaphore, #tpu.memory_space<semaphore_mem>>)
        %dma_wait3A_687 = arith.constant 0 : i32
        %dma_wait3A_688 = tpu.memref_slice %arg5[%add3A_634, %dma_wait3A_687] : memref<320000x128xi32, #tpu.memory_space<hbm>> -> memref<80x128xi32, #tpu.memory_space<hbm>>
        %dma_wait3A_689 = arith.constant 0 : i32
        %dma_wait3A_690 = tpu.memref_slice %arg5[%add3A_634, %dma_wait3A_689] : memref<320000x128xi32, #tpu.memory_space<hbm>> -> memref<80x128xi32, #tpu.memory_space<hbm>>
        tpu.wait_dma2 semaphore(%run_scoped3A : memref<!tpu.dma_semaphore, #tpu.memory_space<semaphore_mem>>) src(%arg20 : memref<80x128xi32, #tpu.memory_space<vmem>>) dst(%dma_wait3A_690 : memref<80x128xi32, #tpu.memory_space<hbm>>)
        tpu.yield
      }) : () -> ()
      "tpu.region"() ({
        %run_scoped3A = tpu.sem_alloc : memref<!tpu.dma_semaphore, #tpu.memory_space<semaphore_mem>>
        %dma_start3A_683 = arith.constant 0 : i32
        %dma_start3A_684 = tpu.memref_slice %arg6[%add3A_634, %dma_start3A_683] : memref<320000x128xi32, #tpu.memory_space<hbm>> -> memref<80x128xi32, #tpu.memory_space<hbm>>
        %dma_start3A_685 = arith.constant 0 : i32
        %dma_start3A_686 = tpu.memref_slice %arg6[%add3A_634, %dma_start3A_685] : memref<320000x128xi32, #tpu.memory_space<hbm>> -> memref<80x128xi32, #tpu.memory_space<hbm>>
        tpu.enqueue_dma source(%arg25 : memref<80x128xi32, #tpu.memory_space<vmem>>) target(%dma_start3A_686 : memref<80x128xi32, #tpu.memory_space<hbm>>) target_semaphore(%run_scoped3A : memref<!tpu.dma_semaphore, #tpu.memory_space<semaphore_mem>>)
        %dma_wait3A_687 = arith.constant 0 : i32
        %dma_wait3A_688 = tpu.memref_slice %arg6[%add3A_634, %dma_wait3A_687] : memref<320000x128xi32, #tpu.memory_space<hbm>> -> memref<80x128xi32, #tpu.memory_space<hbm>>
        %dma_wait3A_689 = arith.constant 0 : i32
        %dma_wait3A_690 = tpu.memref_slice %arg6[%add3A_634, %dma_wait3A_689] : memref<320000x128xi32, #tpu.memory_space<hbm>> -> memref<80x128xi32, #tpu.memory_space<hbm>>
        tpu.wait_dma2 semaphore(%run_scoped3A : memref<!tpu.dma_semaphore, #tpu.memory_space<semaphore_mem>>) src(%arg25 : memref<80x128xi32, #tpu.memory_space<vmem>>) dst(%dma_wait3A_690 : memref<80x128xi32, #tpu.memory_space<hbm>>)
        tpu.yield
      }) : () -> ()
      %add3A_635 = arith.constant 5 : i32
      %add3A_636 = arith.addi %add3A_625, %add3A_635 : i32
      %lt3A_637 = arith.constant 125 : i32
      %lt3A_638 = arith.cmpi slt, %add3A_636, %lt3A_637 : i32
      %convert_element_type3A_639 = arith.extui %lt3A_638 : i1 to i32
      %cond3A_640 = arith.constant 0 : i32
      %cond3A_641 = arith.cmpi ne, %convert_element_type3A_639, %cond3A_640 : i32
      scf.if %cond3A_641 {
        %add3A_683 = arith.constant 5 : i32
        %add3A_684 = arith.addi %add3A_625, %add3A_683 : i32
        %get3A_685 = arith.index_cast %add3A_684 : i32 to index
        %get3A_686 = arith.constant 0 : index
        %get3A_687 = tpu.vector_load %arg7[%get3A_685, %get3A_686] {strides = array<i32>} : memref<125x80xi32, #tpu.memory_space<vmem>>, vector<1x16xi32>,
        %get3A_688 = vector.shape_cast %get3A_687 : vector<1x16xi32> to vector<16xi32>
        %and3A_689 = arith.constant 65535 : i32
        %and3A_690 = vector.broadcast %and3A_689 : i32 to vector<16xi32>
        %and3A_691 = arith.andi %get3A_688, %and3A_690 : vector<16xi32>
        %swap3A_692 = arith.constant 0 : index
        %swap3A_693 = tpu.vector_load %arg10[%swap3A_692] {strides = array<i32>} : memref<80xi32, #tpu.memory_space<vmem>>, vector<16xi32>,
        %swap3A_694 = vector.shape_cast %swap3A_693 : vector<16xi32> to vector<16xi32>
        %swap3A_695 = vector.shape_cast %and3A_691 : vector<16xi32> to vector<16xi32>
        tpu.vector_store %arg10[%swap3A_692], %swap3A_695 {strides = array<i32>} : memref<80xi32, #tpu.memory_space<vmem>>, vector<16xi32>,
        %shift_right_arithmetic3A_696 = arith.constant 16 : i32
        %shift_right_arithmetic3A_697 = vector.broadcast %shift_right_arithmetic3A_696 : i32 to vector<16xi32>
        %shift_right_arithmetic3A_698 = arith.shrsi %get3A_688, %shift_right_arithmetic3A_697 : vector<16xi32>
        %and3A_699 = arith.constant 65535 : i32
        %and3A_700 = vector.broadcast %and3A_699 : i32 to vector<16xi32>
        %and3A_701 = arith.andi %shift_right_arithmetic3A_698, %and3A_700 : vector<16xi32>
        %swap3A_702 = arith.constant 0 : index
        %swap3A_703 = tpu.vector_load %arg15[%swap3A_702] {strides = array<i32>} : memref<80xi32, #tpu.memory_space<vmem>>, vector<16xi32>,
        %swap3A_704 = vector.shape_cast %swap3A_703 : vector<16xi32> to vector<16xi32>
        %swap3A_705 = vector.shape_cast %and3A_701 : vector<16xi32> to vector<16xi32>
        tpu.vector_store %arg15[%swap3A_702], %swap3A_705 {strides = array<i32>} : memref<80xi32, #tpu.memory_space<vmem>>, vector<16xi32>,
        %get3A_706 = arith.index_cast %add3A_684 : i32 to index
        %get3A_707 = arith.constant 16 : index
        %get3A_708 = tpu.vector_load %arg7[%get3A_706, %get3A_707] {strides = array<i32>} : memref<125x80xi32, #tpu.memory_space<vmem>>, vector<1x16xi32>,
        %get3A_709 = vector.shape_cast %get3A_708 : vector<1x16xi32> to vector<16xi32>
        %and3A_710 = arith.constant 65535 : i32
        %and3A_711 = vector.broadcast %and3A_710 : i32 to vector<16xi32>
        %and3A_712 = arith.andi %get3A_709, %and3A_711 : vector<16xi32>
        %swap3A_713 = arith.constant 16 : index
        %swap3A_714 = tpu.vector_load %arg10[%swap3A_713] {strides = array<i32>} : memref<80xi32, #tpu.memory_space<vmem>>, vector<16xi32>,
        %swap3A_715 = vector.shape_cast %swap3A_714 : vector<16xi32> to vector<16xi32>
        %swap3A_716 = vector.shape_cast %and3A_712 : vector<16xi32> to vector<16xi32>
        tpu.vector_store %arg10[%swap3A_713], %swap3A_716 {strides = array<i32>} : memref<80xi32, #tpu.memory_space<vmem>>, vector<16xi32>,
        %shift_right_arithmetic3A_717 = arith.constant 16 : i32
        %shift_right_arithmetic3A_718 = vector.broadcast %shift_right_arithmetic3A_717 : i32 to vector<16xi32>
        %shift_right_arithmetic3A_719 = arith.shrsi %get3A_709, %shift_right_arithmetic3A_718 : vector<16xi32>
        %and3A_720 = arith.constant 65535 : i32
        %and3A_721 = vector.broadcast %and3A_720 : i32 to vector<16xi32>
        %and3A_722 = arith.andi %shift_right_arithmetic3A_719, %and3A_721 : vector<16xi32>
        %swap3A_723 = arith.constant 16 : index
        %swap3A_724 = tpu.vector_load %arg15[%swap3A_723] {strides = array<i32>} : memref<80xi32, #tpu.memory_space<vmem>>, vector<16xi32>,
        %swap3A_725 = vector.shape_cast %swap3A_724 : vector<16xi32> to vector<16xi32>
        %swap3A_726 = vector.shape_cast %and3A_722 : vector<16xi32> to vector<16xi32>
        tpu.vector_store %arg15[%swap3A_723], %swap3A_726 {strides = array<i32>} : memref<80xi32, #tpu.memory_space<vmem>>, vector<16xi32>,
        %get3A_727 = arith.index_cast %add3A_684 : i32 to index
        %get3A_728 = arith.constant 32 : index
        %get3A_729 = tpu.vector_load %arg7[%get3A_727, %get3A_728] {strides = array<i32>} : memref<125x80xi32, #tpu.memory_space<vmem>>, vector<1x16xi32>,
        %get3A_730 = vector.shape_cast %get3A_729 : vector<1x16xi32> to vector<16xi32>
        %and3A_731 = arith.constant 65535 : i32
        %and3A_732 = vector.broadcast %and3A_731 : i32 to vector<16xi32>
        %and3A_733 = arith.andi %get3A_730, %and3A_732 : vector<16xi32>
        %swap3A_734 = arith.constant 32 : index
        %swap3A_735 = tpu.vector_load %arg10[%swap3A_734] {strides = array<i32>} : memref<80xi32, #tpu.memory_space<vmem>>, vector<16xi32>,
        %swap3A_736 = vector.shape_cast %swap3A_735 : vector<16xi32> to vector<16xi32>
        %swap3A_737 = vector.shape_cast %and3A_733 : vector<16xi32> to vector<16xi32>
        tpu.vector_store %arg10[%swap3A_734], %swap3A_737 {strides = array<i32>} : memref<80xi32, #tpu.memory_space<vmem>>, vector<16xi32>,
        %shift_right_arithmetic3A_738 = arith.constant 16 : i32
        %shift_right_arithmetic3A_739 = vector.broadcast %shift_right_arithmetic3A_738 : i32 to vector<16xi32>
        %shift_right_arithmetic3A_740 = arith.shrsi %get3A_730, %shift_right_arithmetic3A_739 : vector<16xi32>
        %and3A_741 = arith.constant 65535 : i32
        %and3A_742 = vector.broadcast %and3A_741 : i32 to vector<16xi32>
        %and3A_743 = arith.andi %shift_right_arithmetic3A_740, %and3A_742 : vector<16xi32>
        %swap3A_744 = arith.constant 32 : index
        %swap3A_745 = tpu.vector_load %arg15[%swap3A_744] {strides = array<i32>} : memref<80xi32, #tpu.memory_space<vmem>>, vector<16xi32>,
        %swap3A_746 = vector.shape_cast %swap3A_745 : vector<16xi32> to vector<16xi32>
        %swap3A_747 = vector.shape_cast %and3A_743 : vector<16xi32> to vector<16xi32>
        tpu.vector_store %arg15[%swap3A_744], %swap3A_747 {strides = array<i32>} : memref<80xi32, #tpu.memory_space<vmem>>, vector<16xi32>,
        %get3A_748 = arith.index_cast %add3A_684 : i32 to index
        %get3A_749 = arith.constant 48 : index
        %get3A_750 = tpu.vector_load %arg7[%get3A_748, %get3A_749] {strides = array<i32>} : memref<125x80xi32, #tpu.memory_space<vmem>>, vector<1x16xi32>,
        %get3A_751 = vector.shape_cast %get3A_750 : vector<1x16xi32> to vector<16xi32>
        %and3A_752 = arith.constant 65535 : i32
        %and3A_753 = vector.broadcast %and3A_752 : i32 to vector<16xi32>
        %and3A_754 = arith.andi %get3A_751, %and3A_753 : vector<16xi32>
        %swap3A_755 = arith.constant 48 : index
        %swap3A_756 = tpu.vector_load %arg10[%swap3A_755] {strides = array<i32>} : memref<80xi32, #tpu.memory_space<vmem>>, vector<16xi32>,
        %swap3A_757 = vector.shape_cast %swap3A_756 : vector<16xi32> to vector<16xi32>
        %swap3A_758 = vector.shape_cast %and3A_754 : vector<16xi32> to vector<16xi32>
        tpu.vector_store %arg10[%swap3A_755], %swap3A_758 {strides = array<i32>} : memref<80xi32, #tpu.memory_space<vmem>>, vector<16xi32>,
        %shift_right_arithmetic3A_759 = arith.constant 16 : i32
        %shift_right_arithmetic3A_760 = vector.broadcast %shift_right_arithmetic3A_759 : i32 to vector<16xi32>
        %shift_right_arithmetic3A_761 = arith.shrsi %get3A_751, %shift_right_arithmetic3A_760 : vector<16xi32>
        %and3A_762 = arith.constant 65535 : i32
        %and3A_763 = vector.broadcast %and3A_762 : i32 to vector<16xi32>
        %and3A_764 = arith.andi %shift_right_arithmetic3A_761, %and3A_763 : vector<16xi32>
        %swap3A_765 = arith.constant 48 : index
        %swap3A_766 = tpu.vector_load %arg15[%swap3A_765] {strides = array<i32>} : memref<80xi32, #tpu.memory_space<vmem>>, vector<16xi32>,
        %swap3A_767 = vector.shape_cast %swap3A_766 : vector<16xi32> to vector<16xi32>
        %swap3A_768 = vector.shape_cast %and3A_764 : vector<16xi32> to vector<16xi32>
        tpu.vector_store %arg15[%swap3A_765], %swap3A_768 {strides = array<i32>} : memref<80xi32, #tpu.memory_space<vmem>>, vector<16xi32>,
        %get3A_769 = arith.index_cast %add3A_684 : i32 to index
        %get3A_770 = arith.constant 64 : index
        %get3A_771 = tpu.vector_load %arg7[%get3A_769, %get3A_770] {strides = array<i32>} : memref<125x80xi32, #tpu.memory_space<vmem>>, vector<1x16xi32>,
        %get3A_772 = vector.shape_cast %get3A_771 : vector<1x16xi32> to vector<16xi32>
        %and3A_773 = arith.constant 65535 : i32
        %and3A_774 = vector.broadcast %and3A_773 : i32 to vector<16xi32>
        %and3A_775 = arith.andi %get3A_772, %and3A_774 : vector<16xi32>
        %swap3A_776 = arith.constant 64 : index
        %swap3A_777 = tpu.vector_load %arg10[%swap3A_776] {strides = array<i32>} : memref<80xi32, #tpu.memory_space<vmem>>, vector<16xi32>,
        %swap3A_778 = vector.shape_cast %swap3A_777 : vector<16xi32> to vector<16xi32>
        %swap3A_779 = vector.shape_cast %and3A_775 : vector<16xi32> to vector<16xi32>
        tpu.vector_store %arg10[%swap3A_776], %swap3A_779 {strides = array<i32>} : memref<80xi32, #tpu.memory_space<vmem>>, vector<16xi32>,
        %shift_right_arithmetic3A_780 = arith.constant 16 : i32
        %shift_right_arithmetic3A_781 = vector.broadcast %shift_right_arithmetic3A_780 : i32 to vector<16xi32>
        %shift_right_arithmetic3A_782 = arith.shrsi %get3A_772, %shift_right_arithmetic3A_781 : vector<16xi32>
        %and3A_783 = arith.constant 65535 : i32
        %and3A_784 = vector.broadcast %and3A_783 : i32 to vector<16xi32>
        %and3A_785 = arith.andi %shift_right_arithmetic3A_782, %and3A_784 : vector<16xi32>
        %swap3A_786 = arith.constant 64 : index
        %swap3A_787 = tpu.vector_load %arg15[%swap3A_786] {strides = array<i32>} : memref<80xi32, #tpu.memory_space<vmem>>, vector<16xi32>,
        %swap3A_788 = vector.shape_cast %swap3A_787 : vector<16xi32> to vector<16xi32>
        %swap3A_789 = vector.shape_cast %and3A_785 : vector<16xi32> to vector<16xi32>
        tpu.vector_store %arg15[%swap3A_786], %swap3A_789 {strides = array<i32>} : memref<80xi32, #tpu.memory_space<vmem>>, vector<16xi32>,
        %add3A_790 = arith.constant 5 : i32
        %add3A_791 = arith.addi %add3A_625, %add3A_790 : i32
        %dma_start3A_792 = arith.constant 0 : i32
        %dma_start3A_793 = arith.constant 0 : i32
        %dma_start3A_794 = tpu.memref_slice %arg2[%dma_start3A_792, %dma_start3A_793] : memref<10000x128xi32, #tpu.memory_space<hbm>> -> memref<10000x128xi32, #tpu.memory_space<hbm>>
        tpu.enqueue_indirect_dma source(%dma_start3A_794 : memref<10000x128xi32, #tpu.memory_space<hbm>>) target(%arg20 : memref<80x128xi32, #tpu.memory_space<vmem>>) offsets(%arg10 : memref<80xi32, #tpu.memory_space<vmem>>) semaphore(%arg30 : memref<!tpu.dma_semaphore, #tpu.memory_space<semaphore_mem>>)
        %dma_start3A_795 = arith.constant 0 : i32
        %dma_start3A_796 = arith.constant 0 : i32
        %dma_start3A_797 = tpu.memref_slice %arg3[%dma_start3A_795, %dma_start3A_796] : memref<10000x128xi32, #tpu.memory_space<hbm>> -> memref<10000x128xi32, #tpu.memory_space<hbm>>
        tpu.enqueue_indirect_dma source(%dma_start3A_797 : memref<10000x128xi32, #tpu.memory_space<hbm>>) target(%arg25 : memref<80x128xi32, #tpu.memory_space<vmem>>) offsets(%arg15 : memref<80xi32, #tpu.memory_space<vmem>>) semaphore(%arg30 : memref<!tpu.dma_semaphore, #tpu.memory_space<semaphore_mem>>)
      } else {
      }
      %mul3A_642 = arith.constant 5 : i32
      %mul3A_643 = arith.muli %scan3A_584, %mul3A_642 : i32
      %add3A_644 = arith.constant 3 : i32
      %add3A_645 = arith.addi %mul3A_643, %add3A_644 : i32
      %dma_wait3A_646 = arith.constant 0 : i32
      %dma_wait3A_647 = arith.constant 0 : i32
      %dma_wait3A_648 = tpu.memref_slice %arg2[%dma_wait3A_646, %dma_wait3A_647] : memref<10000x128xi32, #tpu.memory_space<hbm>> -> memref<10000x128xi32, #tpu.memory_space<hbm>>
      tpu.wait_indirect_dma semaphore(%arg31 : memref<!tpu.dma_semaphore, #tpu.memory_space<semaphore_mem>>) src(%dma_wait3A_648 : memref<10000x128xi32, #tpu.memory_space<hbm>>) dst(%arg21 : memref<80x128xi32, #tpu.memory_space<vmem>>)
      %dma_wait3A_649 = arith.constant 0 : i32
      %dma_wait3A_650 = arith.constant 0 : i32
      %dma_wait3A_651 = tpu.memref_slice %arg3[%dma_wait3A_649, %dma_wait3A_650] : memref<10000x128xi32, #tpu.memory_space<hbm>> -> memref<10000x128xi32, #tpu.memory_space<hbm>>
      tpu.wait_indirect_dma semaphore(%arg31 : memref<!tpu.dma_semaphore, #tpu.memory_space<semaphore_mem>>) src(%dma_wait3A_651 : memref<10000x128xi32, #tpu.memory_space<hbm>>) dst(%arg26 : memref<80x128xi32, #tpu.memory_space<vmem>>)
      %mul3A_652 = arith.constant 80 : i32
      %mul3A_653 = arith.muli %add3A_645, %mul3A_652 : i32
      %add3A_654 = arith.addi %mul3A_2, %mul3A_653 : i32
      "tpu.region"() ({
        %run_scoped3A = tpu.sem_alloc : memref<!tpu.dma_semaphore, #tpu.memory_space<semaphore_mem>>
        %dma_start3A_683 = arith.constant 0 : i32
        %dma_start3A_684 = tpu.memref_slice %arg5[%add3A_654, %dma_start3A_683] : memref<320000x128xi32, #tpu.memory_space<hbm>> -> memref<80x128xi32, #tpu.memory_space<hbm>>
        %dma_start3A_685 = arith.constant 0 : i32
        %dma_start3A_686 = tpu.memref_slice %arg5[%add3A_654, %dma_start3A_685] : memref<320000x128xi32, #tpu.memory_space<hbm>> -> memref<80x128xi32, #tpu.memory_space<hbm>>
        tpu.enqueue_dma source(%arg21 : memref<80x128xi32, #tpu.memory_space<vmem>>) target(%dma_start3A_686 : memref<80x128xi32, #tpu.memory_space<hbm>>) target_semaphore(%run_scoped3A : memref<!tpu.dma_semaphore, #tpu.memory_space<semaphore_mem>>)
        %dma_wait3A_687 = arith.constant 0 : i32
        %dma_wait3A_688 = tpu.memref_slice %arg5[%add3A_654, %dma_wait3A_687] : memref<320000x128xi32, #tpu.memory_space<hbm>> -> memref<80x128xi32, #tpu.memory_space<hbm>>
        %dma_wait3A_689 = arith.constant 0 : i32
        %dma_wait3A_690 = tpu.memref_slice %arg5[%add3A_654, %dma_wait3A_689] : memref<320000x128xi32, #tpu.memory_space<hbm>> -> memref<80x128xi32, #tpu.memory_space<hbm>>
        tpu.wait_dma2 semaphore(%run_scoped3A : memref<!tpu.dma_semaphore, #tpu.memory_space<semaphore_mem>>) src(%arg21 : memref<80x128xi32, #tpu.memory_space<vmem>>) dst(%dma_wait3A_690 : memref<80x128xi32, #tpu.memory_space<hbm>>)
        tpu.yield
      }) : () -> ()
      "tpu.region"() ({
        %run_scoped3A = tpu.sem_alloc : memref<!tpu.dma_semaphore, #tpu.memory_space<semaphore_mem>>
        %dma_start3A_683 = arith.constant 0 : i32
        %dma_start3A_684 = tpu.memref_slice %arg6[%add3A_654, %dma_start3A_683] : memref<320000x128xi32, #tpu.memory_space<hbm>> -> memref<80x128xi32, #tpu.memory_space<hbm>>
        %dma_start3A_685 = arith.constant 0 : i32
        %dma_start3A_686 = tpu.memref_slice %arg6[%add3A_654, %dma_start3A_685] : memref<320000x128xi32, #tpu.memory_space<hbm>> -> memref<80x128xi32, #tpu.memory_space<hbm>>
        tpu.enqueue_dma source(%arg26 : memref<80x128xi32, #tpu.memory_space<vmem>>) target(%dma_start3A_686 : memref<80x128xi32, #tpu.memory_space<hbm>>) target_semaphore(%run_scoped3A : memref<!tpu.dma_semaphore, #tpu.memory_space<semaphore_mem>>)
        %dma_wait3A_687 = arith.constant 0 : i32
        %dma_wait3A_688 = tpu.memref_slice %arg6[%add3A_654, %dma_wait3A_687] : memref<320000x128xi32, #tpu.memory_space<hbm>> -> memref<80x128xi32, #tpu.memory_space<hbm>>
        %dma_wait3A_689 = arith.constant 0 : i32
        %dma_wait3A_690 = tpu.memref_slice %arg6[%add3A_654, %dma_wait3A_689] : memref<320000x128xi32, #tpu.memory_space<hbm>> -> memref<80x128xi32, #tpu.memory_space<hbm>>
        tpu.wait_dma2 semaphore(%run_scoped3A : memref<!tpu.dma_semaphore, #tpu.memory_space<semaphore_mem>>) src(%arg26 : memref<80x128xi32, #tpu.memory_space<vmem>>) dst(%dma_wait3A_690 : memref<80x128xi32, #tpu.memory_space<hbm>>)
        tpu.yield
      }) : () -> ()
      %add3A_655 = arith.constant 5 : i32
      %add3A_656 = arith.addi %add3A_645, %add3A_655 : i32
      %lt3A_657 = arith.constant 125 : i32
      %lt3A_658 = arith.cmpi slt, %add3A_656, %lt3A_657 : i32
      %convert_element_type3A_659 = arith.extui %lt3A_658 : i1 to i32
      %cond3A_660 = arith.constant 0 : i32
      %cond3A_661 = arith.cmpi ne, %convert_element_type3A_659, %cond3A_660 : i32
      scf.if %cond3A_661 {
        %add3A_683 = arith.constant 5 : i32
        %add3A_684 = arith.addi %add3A_645, %add3A_683 : i32
        %get3A_685 = arith.index_cast %add3A_684 : i32 to index
        %get3A_686 = arith.constant 0 : index
        %get3A_687 = tpu.vector_load %arg7[%get3A_685, %get3A_686] {strides = array<i32>} : memref<125x80xi32, #tpu.memory_space<vmem>>, vector<1x16xi32>,
        %get3A_688 = vector.shape_cast %get3A_687 : vector<1x16xi32> to vector<16xi32>
        %and3A_689 = arith.constant 65535 : i32
        %and3A_690 = vector.broadcast %and3A_689 : i32 to vector<16xi32>
        %and3A_691 = arith.andi %get3A_688, %and3A_690 : vector<16xi32>
        %swap3A_692 = arith.constant 0 : index
        %swap3A_693 = tpu.vector_load %arg11[%swap3A_692] {strides = array<i32>} : memref<80xi32, #tpu.memory_space<vmem>>, vector<16xi32>,
        %swap3A_694 = vector.shape_cast %swap3A_693 : vector<16xi32> to vector<16xi32>
        %swap3A_695 = vector.shape_cast %and3A_691 : vector<16xi32> to vector<16xi32>
        tpu.vector_store %arg11[%swap3A_692], %swap3A_695 {strides = array<i32>} : memref<80xi32, #tpu.memory_space<vmem>>, vector<16xi32>,
        %shift_right_arithmetic3A_696 = arith.constant 16 : i32
        %shift_right_arithmetic3A_697 = vector.broadcast %shift_right_arithmetic3A_696 : i32 to vector<16xi32>
        %shift_right_arithmetic3A_698 = arith.shrsi %get3A_688, %shift_right_arithmetic3A_697 : vector<16xi32>
        %and3A_699 = arith.constant 65535 : i32
        %and3A_700 = vector.broadcast %and3A_699 : i32 to vector<16xi32>
        %and3A_701 = arith.andi %shift_right_arithmetic3A_698, %and3A_700 : vector<16xi32>
        %swap3A_702 = arith.constant 0 : index
        %swap3A_703 = tpu.vector_load %arg16[%swap3A_702] {strides = array<i32>} : memref<80xi32, #tpu.memory_space<vmem>>, vector<16xi32>,
        %swap3A_704 = vector.shape_cast %swap3A_703 : vector<16xi32> to vector<16xi32>
        %swap3A_705 = vector.shape_cast %and3A_701 : vector<16xi32> to vector<16xi32>
        tpu.vector_store %arg16[%swap3A_702], %swap3A_705 {strides = array<i32>} : memref<80xi32, #tpu.memory_space<vmem>>, vector<16xi32>,
        %get3A_706 = arith.index_cast %add3A_684 : i32 to index
        %get3A_707 = arith.constant 16 : index
        %get3A_708 = tpu.vector_load %arg7[%get3A_706, %get3A_707] {strides = array<i32>} : memref<125x80xi32, #tpu.memory_space<vmem>>, vector<1x16xi32>,
        %get3A_709 = vector.shape_cast %get3A_708 : vector<1x16xi32> to vector<16xi32>
        %and3A_710 = arith.constant 65535 : i32
        %and3A_711 = vector.broadcast %and3A_710 : i32 to vector<16xi32>
        %and3A_712 = arith.andi %get3A_709, %and3A_711 : vector<16xi32>
        %swap3A_713 = arith.constant 16 : index
        %swap3A_714 = tpu.vector_load %arg11[%swap3A_713] {strides = array<i32>} : memref<80xi32, #tpu.memory_space<vmem>>, vector<16xi32>,
        %swap3A_715 = vector.shape_cast %swap3A_714 : vector<16xi32> to vector<16xi32>
        %swap3A_716 = vector.shape_cast %and3A_712 : vector<16xi32> to vector<16xi32>
        tpu.vector_store %arg11[%swap3A_713], %swap3A_716 {strides = array<i32>} : memref<80xi32, #tpu.memory_space<vmem>>, vector<16xi32>,
        %shift_right_arithmetic3A_717 = arith.constant 16 : i32
        %shift_right_arithmetic3A_718 = vector.broadcast %shift_right_arithmetic3A_717 : i32 to vector<16xi32>
        %shift_right_arithmetic3A_719 = arith.shrsi %get3A_709, %shift_right_arithmetic3A_718 : vector<16xi32>
        %and3A_720 = arith.constant 65535 : i32
        %and3A_721 = vector.broadcast %and3A_720 : i32 to vector<16xi32>
        %and3A_722 = arith.andi %shift_right_arithmetic3A_719, %and3A_721 : vector<16xi32>
        %swap3A_723 = arith.constant 16 : index
        %swap3A_724 = tpu.vector_load %arg16[%swap3A_723] {strides = array<i32>} : memref<80xi32, #tpu.memory_space<vmem>>, vector<16xi32>,
        %swap3A_725 = vector.shape_cast %swap3A_724 : vector<16xi32> to vector<16xi32>
        %swap3A_726 = vector.shape_cast %and3A_722 : vector<16xi32> to vector<16xi32>
        tpu.vector_store %arg16[%swap3A_723], %swap3A_726 {strides = array<i32>} : memref<80xi32, #tpu.memory_space<vmem>>, vector<16xi32>,
        %get3A_727 = arith.index_cast %add3A_684 : i32 to index
        %get3A_728 = arith.constant 32 : index
        %get3A_729 = tpu.vector_load %arg7[%get3A_727, %get3A_728] {strides = array<i32>} : memref<125x80xi32, #tpu.memory_space<vmem>>, vector<1x16xi32>,
        %get3A_730 = vector.shape_cast %get3A_729 : vector<1x16xi32> to vector<16xi32>
        %and3A_731 = arith.constant 65535 : i32
        %and3A_732 = vector.broadcast %and3A_731 : i32 to vector<16xi32>
        %and3A_733 = arith.andi %get3A_730, %and3A_732 : vector<16xi32>
        %swap3A_734 = arith.constant 32 : index
        %swap3A_735 = tpu.vector_load %arg11[%swap3A_734] {strides = array<i32>} : memref<80xi32, #tpu.memory_space<vmem>>, vector<16xi32>,
        %swap3A_736 = vector.shape_cast %swap3A_735 : vector<16xi32> to vector<16xi32>
        %swap3A_737 = vector.shape_cast %and3A_733 : vector<16xi32> to vector<16xi32>
        tpu.vector_store %arg11[%swap3A_734], %swap3A_737 {strides = array<i32>} : memref<80xi32, #tpu.memory_space<vmem>>, vector<16xi32>,
        %shift_right_arithmetic3A_738 = arith.constant 16 : i32
        %shift_right_arithmetic3A_739 = vector.broadcast %shift_right_arithmetic3A_738 : i32 to vector<16xi32>
        %shift_right_arithmetic3A_740 = arith.shrsi %get3A_730, %shift_right_arithmetic3A_739 : vector<16xi32>
        %and3A_741 = arith.constant 65535 : i32
        %and3A_742 = vector.broadcast %and3A_741 : i32 to vector<16xi32>
        %and3A_743 = arith.andi %shift_right_arithmetic3A_740, %and3A_742 : vector<16xi32>
        %swap3A_744 = arith.constant 32 : index
        %swap3A_745 = tpu.vector_load %arg16[%swap3A_744] {strides = array<i32>} : memref<80xi32, #tpu.memory_space<vmem>>, vector<16xi32>,
        %swap3A_746 = vector.shape_cast %swap3A_745 : vector<16xi32> to vector<16xi32>
        %swap3A_747 = vector.shape_cast %and3A_743 : vector<16xi32> to vector<16xi32>
        tpu.vector_store %arg16[%swap3A_744], %swap3A_747 {strides = array<i32>} : memref<80xi32, #tpu.memory_space<vmem>>, vector<16xi32>,
        %get3A_748 = arith.index_cast %add3A_684 : i32 to index
        %get3A_749 = arith.constant 48 : index
        %get3A_750 = tpu.vector_load %arg7[%get3A_748, %get3A_749] {strides = array<i32>} : memref<125x80xi32, #tpu.memory_space<vmem>>, vector<1x16xi32>,
        %get3A_751 = vector.shape_cast %get3A_750 : vector<1x16xi32> to vector<16xi32>
        %and3A_752 = arith.constant 65535 : i32
        %and3A_753 = vector.broadcast %and3A_752 : i32 to vector<16xi32>
        %and3A_754 = arith.andi %get3A_751, %and3A_753 : vector<16xi32>
        %swap3A_755 = arith.constant 48 : index
        %swap3A_756 = tpu.vector_load %arg11[%swap3A_755] {strides = array<i32>} : memref<80xi32, #tpu.memory_space<vmem>>, vector<16xi32>,
        %swap3A_757 = vector.shape_cast %swap3A_756 : vector<16xi32> to vector<16xi32>
        %swap3A_758 = vector.shape_cast %and3A_754 : vector<16xi32> to vector<16xi32>
        tpu.vector_store %arg11[%swap3A_755], %swap3A_758 {strides = array<i32>} : memref<80xi32, #tpu.memory_space<vmem>>, vector<16xi32>,
        %shift_right_arithmetic3A_759 = arith.constant 16 : i32
        %shift_right_arithmetic3A_760 = vector.broadcast %shift_right_arithmetic3A_759 : i32 to vector<16xi32>
        %shift_right_arithmetic3A_761 = arith.shrsi %get3A_751, %shift_right_arithmetic3A_760 : vector<16xi32>
        %and3A_762 = arith.constant 65535 : i32
        %and3A_763 = vector.broadcast %and3A_762 : i32 to vector<16xi32>
        %and3A_764 = arith.andi %shift_right_arithmetic3A_761, %and3A_763 : vector<16xi32>
        %swap3A_765 = arith.constant 48 : index
        %swap3A_766 = tpu.vector_load %arg16[%swap3A_765] {strides = array<i32>} : memref<80xi32, #tpu.memory_space<vmem>>, vector<16xi32>,
        %swap3A_767 = vector.shape_cast %swap3A_766 : vector<16xi32> to vector<16xi32>
        %swap3A_768 = vector.shape_cast %and3A_764 : vector<16xi32> to vector<16xi32>
        tpu.vector_store %arg16[%swap3A_765], %swap3A_768 {strides = array<i32>} : memref<80xi32, #tpu.memory_space<vmem>>, vector<16xi32>,
        %get3A_769 = arith.index_cast %add3A_684 : i32 to index
        %get3A_770 = arith.constant 64 : index
        %get3A_771 = tpu.vector_load %arg7[%get3A_769, %get3A_770] {strides = array<i32>} : memref<125x80xi32, #tpu.memory_space<vmem>>, vector<1x16xi32>,
        %get3A_772 = vector.shape_cast %get3A_771 : vector<1x16xi32> to vector<16xi32>
        %and3A_773 = arith.constant 65535 : i32
        %and3A_774 = vector.broadcast %and3A_773 : i32 to vector<16xi32>
        %and3A_775 = arith.andi %get3A_772, %and3A_774 : vector<16xi32>
        %swap3A_776 = arith.constant 64 : index
        %swap3A_777 = tpu.vector_load %arg11[%swap3A_776] {strides = array<i32>} : memref<80xi32, #tpu.memory_space<vmem>>, vector<16xi32>,
        %swap3A_778 = vector.shape_cast %swap3A_777 : vector<16xi32> to vector<16xi32>
        %swap3A_779 = vector.shape_cast %and3A_775 : vector<16xi32> to vector<16xi32>
        tpu.vector_store %arg11[%swap3A_776], %swap3A_779 {strides = array<i32>} : memref<80xi32, #tpu.memory_space<vmem>>, vector<16xi32>,
        %shift_right_arithmetic3A_780 = arith.constant 16 : i32
        %shift_right_arithmetic3A_781 = vector.broadcast %shift_right_arithmetic3A_780 : i32 to vector<16xi32>
        %shift_right_arithmetic3A_782 = arith.shrsi %get3A_772, %shift_right_arithmetic3A_781 : vector<16xi32>
        %and3A_783 = arith.constant 65535 : i32
        %and3A_784 = vector.broadcast %and3A_783 : i32 to vector<16xi32>
        %and3A_785 = arith.andi %shift_right_arithmetic3A_782, %and3A_784 : vector<16xi32>
        %swap3A_786 = arith.constant 64 : index
        %swap3A_787 = tpu.vector_load %arg16[%swap3A_786] {strides = array<i32>} : memref<80xi32, #tpu.memory_space<vmem>>, vector<16xi32>,
        %swap3A_788 = vector.shape_cast %swap3A_787 : vector<16xi32> to vector<16xi32>
        %swap3A_789 = vector.shape_cast %and3A_785 : vector<16xi32> to vector<16xi32>
        tpu.vector_store %arg16[%swap3A_786], %swap3A_789 {strides = array<i32>} : memref<80xi32, #tpu.memory_space<vmem>>, vector<16xi32>,
        %add3A_790 = arith.constant 5 : i32
        %add3A_791 = arith.addi %add3A_645, %add3A_790 : i32
        %dma_start3A_792 = arith.constant 0 : i32
        %dma_start3A_793 = arith.constant 0 : i32
        %dma_start3A_794 = tpu.memref_slice %arg2[%dma_start3A_792, %dma_start3A_793] : memref<10000x128xi32, #tpu.memory_space<hbm>> -> memref<10000x128xi32, #tpu.memory_space<hbm>>
        tpu.enqueue_indirect_dma source(%dma_start3A_794 : memref<10000x128xi32, #tpu.memory_space<hbm>>) target(%arg21 : memref<80x128xi32, #tpu.memory_space<vmem>>) offsets(%arg11 : memref<80xi32, #tpu.memory_space<vmem>>) semaphore(%arg31 : memref<!tpu.dma_semaphore, #tpu.memory_space<semaphore_mem>>)
        %dma_start3A_795 = arith.constant 0 : i32
        %dma_start3A_796 = arith.constant 0 : i32
        %dma_start3A_797 = tpu.memref_slice %arg3[%dma_start3A_795, %dma_start3A_796] : memref<10000x128xi32, #tpu.memory_space<hbm>> -> memref<10000x128xi32, #tpu.memory_space<hbm>>
        tpu.enqueue_indirect_dma source(%dma_start3A_797 : memref<10000x128xi32, #tpu.memory_space<hbm>>) target(%arg26 : memref<80x128xi32, #tpu.memory_space<vmem>>) offsets(%arg16 : memref<80xi32, #tpu.memory_space<vmem>>) semaphore(%arg31 : memref<!tpu.dma_semaphore, #tpu.memory_space<semaphore_mem>>)
      } else {
      }
      %mul3A_662 = arith.constant 5 : i32
      %mul3A_663 = arith.muli %scan3A_584, %mul3A_662 : i32
      %add3A_664 = arith.constant 4 : i32
      %add3A_665 = arith.addi %mul3A_663, %add3A_664 : i32
      %dma_wait3A_666 = arith.constant 0 : i32
      %dma_wait3A_667 = arith.constant 0 : i32
      %dma_wait3A_668 = tpu.memref_slice %arg2[%dma_wait3A_666, %dma_wait3A_667] : memref<10000x128xi32, #tpu.memory_space<hbm>> -> memref<10000x128xi32, #tpu.memory_space<hbm>>
      tpu.wait_indirect_dma semaphore(%arg32 : memref<!tpu.dma_semaphore, #tpu.memory_space<semaphore_mem>>) src(%dma_wait3A_668 : memref<10000x128xi32, #tpu.memory_space<hbm>>) dst(%arg22 : memref<80x128xi32, #tpu.memory_space<vmem>>)
      %dma_wait3A_669 = arith.constant 0 : i32
      %dma_wait3A_670 = arith.constant 0 : i32
      %dma_wait3A_671 = tpu.memref_slice %arg3[%dma_wait3A_669, %dma_wait3A_670] : memref<10000x128xi32, #tpu.memory_space<hbm>> -> memref<10000x128xi32, #tpu.memory_space<hbm>>
      tpu.wait_indirect_dma semaphore(%arg32 : memref<!tpu.dma_semaphore, #tpu.memory_space<semaphore_mem>>) src(%dma_wait3A_671 : memref<10000x128xi32, #tpu.memory_space<hbm>>) dst(%arg27 : memref<80x128xi32, #tpu.memory_space<vmem>>)
      %mul3A_672 = arith.constant 80 : i32
      %mul3A_673 = arith.muli %add3A_665, %mul3A_672 : i32
      %add3A_674 = arith.addi %mul3A_2, %mul3A_673 : i32
      "tpu.region"() ({
        %run_scoped3A = tpu.sem_alloc : memref<!tpu.dma_semaphore, #tpu.memory_space<semaphore_mem>>
        %dma_start3A_683 = arith.constant 0 : i32
        %dma_start3A_684 = tpu.memref_slice %arg5[%add3A_674, %dma_start3A_683] : memref<320000x128xi32, #tpu.memory_space<hbm>> -> memref<80x128xi32, #tpu.memory_space<hbm>>
        %dma_start3A_685 = arith.constant 0 : i32
        %dma_start3A_686 = tpu.memref_slice %arg5[%add3A_674, %dma_start3A_685] : memref<320000x128xi32, #tpu.memory_space<hbm>> -> memref<80x128xi32, #tpu.memory_space<hbm>>
        tpu.enqueue_dma source(%arg22 : memref<80x128xi32, #tpu.memory_space<vmem>>) target(%dma_start3A_686 : memref<80x128xi32, #tpu.memory_space<hbm>>) target_semaphore(%run_scoped3A : memref<!tpu.dma_semaphore, #tpu.memory_space<semaphore_mem>>)
        %dma_wait3A_687 = arith.constant 0 : i32
        %dma_wait3A_688 = tpu.memref_slice %arg5[%add3A_674, %dma_wait3A_687] : memref<320000x128xi32, #tpu.memory_space<hbm>> -> memref<80x128xi32, #tpu.memory_space<hbm>>
        %dma_wait3A_689 = arith.constant 0 : i32
        %dma_wait3A_690 = tpu.memref_slice %arg5[%add3A_674, %dma_wait3A_689] : memref<320000x128xi32, #tpu.memory_space<hbm>> -> memref<80x128xi32, #tpu.memory_space<hbm>>
        tpu.wait_dma2 semaphore(%run_scoped3A : memref<!tpu.dma_semaphore, #tpu.memory_space<semaphore_mem>>) src(%arg22 : memref<80x128xi32, #tpu.memory_space<vmem>>) dst(%dma_wait3A_690 : memref<80x128xi32, #tpu.memory_space<hbm>>)
        tpu.yield
      }) : () -> ()
      "tpu.region"() ({
        %run_scoped3A = tpu.sem_alloc : memref<!tpu.dma_semaphore, #tpu.memory_space<semaphore_mem>>
        %dma_start3A_683 = arith.constant 0 : i32
        %dma_start3A_684 = tpu.memref_slice %arg6[%add3A_674, %dma_start3A_683] : memref<320000x128xi32, #tpu.memory_space<hbm>> -> memref<80x128xi32, #tpu.memory_space<hbm>>
        %dma_start3A_685 = arith.constant 0 : i32
        %dma_start3A_686 = tpu.memref_slice %arg6[%add3A_674, %dma_start3A_685] : memref<320000x128xi32, #tpu.memory_space<hbm>> -> memref<80x128xi32, #tpu.memory_space<hbm>>
        tpu.enqueue_dma source(%arg27 : memref<80x128xi32, #tpu.memory_space<vmem>>) target(%dma_start3A_686 : memref<80x128xi32, #tpu.memory_space<hbm>>) target_semaphore(%run_scoped3A : memref<!tpu.dma_semaphore, #tpu.memory_space<semaphore_mem>>)
        %dma_wait3A_687 = arith.constant 0 : i32
        %dma_wait3A_688 = tpu.memref_slice %arg6[%add3A_674, %dma_wait3A_687] : memref<320000x128xi32, #tpu.memory_space<hbm>> -> memref<80x128xi32, #tpu.memory_space<hbm>>
        %dma_wait3A_689 = arith.constant 0 : i32
        %dma_wait3A_690 = tpu.memref_slice %arg6[%add3A_674, %dma_wait3A_689] : memref<320000x128xi32, #tpu.memory_space<hbm>> -> memref<80x128xi32, #tpu.memory_space<hbm>>
        tpu.wait_dma2 semaphore(%run_scoped3A : memref<!tpu.dma_semaphore, #tpu.memory_space<semaphore_mem>>) src(%arg27 : memref<80x128xi32, #tpu.memory_space<vmem>>) dst(%dma_wait3A_690 : memref<80x128xi32, #tpu.memory_space<hbm>>)
        tpu.yield
      }) : () -> ()
      %add3A_675 = arith.constant 5 : i32
      %add3A_676 = arith.addi %add3A_665, %add3A_675 : i32
      %lt3A_677 = arith.constant 125 : i32
      %lt3A_678 = arith.cmpi slt, %add3A_676, %lt3A_677 : i32
      %convert_element_type3A_679 = arith.extui %lt3A_678 : i1 to i32
      %cond3A_680 = arith.constant 0 : i32
      %cond3A_681 = arith.cmpi ne, %convert_element_type3A_679, %cond3A_680 : i32
      scf.if %cond3A_681 {
        %add3A_683 = arith.constant 5 : i32
        %add3A_684 = arith.addi %add3A_665, %add3A_683 : i32
        %get3A_685 = arith.index_cast %add3A_684 : i32 to index
        %get3A_686 = arith.constant 0 : index
        %get3A_687 = tpu.vector_load %arg7[%get3A_685, %get3A_686] {strides = array<i32>} : memref<125x80xi32, #tpu.memory_space<vmem>>, vector<1x16xi32>,
        %get3A_688 = vector.shape_cast %get3A_687 : vector<1x16xi32> to vector<16xi32>
        %and3A_689 = arith.constant 65535 : i32
        %and3A_690 = vector.broadcast %and3A_689 : i32 to vector<16xi32>
        %and3A_691 = arith.andi %get3A_688, %and3A_690 : vector<16xi32>
        %swap3A_692 = arith.constant 0 : index
        %swap3A_693 = tpu.vector_load %arg12[%swap3A_692] {strides = array<i32>} : memref<80xi32, #tpu.memory_space<vmem>>, vector<16xi32>,
        %swap3A_694 = vector.shape_cast %swap3A_693 : vector<16xi32> to vector<16xi32>
        %swap3A_695 = vector.shape_cast %and3A_691 : vector<16xi32> to vector<16xi32>
        tpu.vector_store %arg12[%swap3A_692], %swap3A_695 {strides = array<i32>} : memref<80xi32, #tpu.memory_space<vmem>>, vector<16xi32>,
        %shift_right_arithmetic3A_696 = arith.constant 16 : i32
        %shift_right_arithmetic3A_697 = vector.broadcast %shift_right_arithmetic3A_696 : i32 to vector<16xi32>
        %shift_right_arithmetic3A_698 = arith.shrsi %get3A_688, %shift_right_arithmetic3A_697 : vector<16xi32>
        %and3A_699 = arith.constant 65535 : i32
        %and3A_700 = vector.broadcast %and3A_699 : i32 to vector<16xi32>
        %and3A_701 = arith.andi %shift_right_arithmetic3A_698, %and3A_700 : vector<16xi32>
        %swap3A_702 = arith.constant 0 : index
        %swap3A_703 = tpu.vector_load %arg17[%swap3A_702] {strides = array<i32>} : memref<80xi32, #tpu.memory_space<vmem>>, vector<16xi32>,
        %swap3A_704 = vector.shape_cast %swap3A_703 : vector<16xi32> to vector<16xi32>
        %swap3A_705 = vector.shape_cast %and3A_701 : vector<16xi32> to vector<16xi32>
        tpu.vector_store %arg17[%swap3A_702], %swap3A_705 {strides = array<i32>} : memref<80xi32, #tpu.memory_space<vmem>>, vector<16xi32>,
        %get3A_706 = arith.index_cast %add3A_684 : i32 to index
        %get3A_707 = arith.constant 16 : index
        %get3A_708 = tpu.vector_load %arg7[%get3A_706, %get3A_707] {strides = array<i32>} : memref<125x80xi32, #tpu.memory_space<vmem>>, vector<1x16xi32>,
        %get3A_709 = vector.shape_cast %get3A_708 : vector<1x16xi32> to vector<16xi32>
        %and3A_710 = arith.constant 65535 : i32
        %and3A_711 = vector.broadcast %and3A_710 : i32 to vector<16xi32>
        %and3A_712 = arith.andi %get3A_709, %and3A_711 : vector<16xi32>
        %swap3A_713 = arith.constant 16 : index
        %swap3A_714 = tpu.vector_load %arg12[%swap3A_713] {strides = array<i32>} : memref<80xi32, #tpu.memory_space<vmem>>, vector<16xi32>,
        %swap3A_715 = vector.shape_cast %swap3A_714 : vector<16xi32> to vector<16xi32>
        %swap3A_716 = vector.shape_cast %and3A_712 : vector<16xi32> to vector<16xi32>
        tpu.vector_store %arg12[%swap3A_713], %swap3A_716 {strides = array<i32>} : memref<80xi32, #tpu.memory_space<vmem>>, vector<16xi32>,
        %shift_right_arithmetic3A_717 = arith.constant 16 : i32
        %shift_right_arithmetic3A_718 = vector.broadcast %shift_right_arithmetic3A_717 : i32 to vector<16xi32>
        %shift_right_arithmetic3A_719 = arith.shrsi %get3A_709, %shift_right_arithmetic3A_718 : vector<16xi32>
        %and3A_720 = arith.constant 65535 : i32
        %and3A_721 = vector.broadcast %and3A_720 : i32 to vector<16xi32>
        %and3A_722 = arith.andi %shift_right_arithmetic3A_719, %and3A_721 : vector<16xi32>
        %swap3A_723 = arith.constant 16 : index
        %swap3A_724 = tpu.vector_load %arg17[%swap3A_723] {strides = array<i32>} : memref<80xi32, #tpu.memory_space<vmem>>, vector<16xi32>,
        %swap3A_725 = vector.shape_cast %swap3A_724 : vector<16xi32> to vector<16xi32>
        %swap3A_726 = vector.shape_cast %and3A_722 : vector<16xi32> to vector<16xi32>
        tpu.vector_store %arg17[%swap3A_723], %swap3A_726 {strides = array<i32>} : memref<80xi32, #tpu.memory_space<vmem>>, vector<16xi32>,
        %get3A_727 = arith.index_cast %add3A_684 : i32 to index
        %get3A_728 = arith.constant 32 : index
        %get3A_729 = tpu.vector_load %arg7[%get3A_727, %get3A_728] {strides = array<i32>} : memref<125x80xi32, #tpu.memory_space<vmem>>, vector<1x16xi32>,
        %get3A_730 = vector.shape_cast %get3A_729 : vector<1x16xi32> to vector<16xi32>
        %and3A_731 = arith.constant 65535 : i32
        %and3A_732 = vector.broadcast %and3A_731 : i32 to vector<16xi32>
        %and3A_733 = arith.andi %get3A_730, %and3A_732 : vector<16xi32>
        %swap3A_734 = arith.constant 32 : index
        %swap3A_735 = tpu.vector_load %arg12[%swap3A_734] {strides = array<i32>} : memref<80xi32, #tpu.memory_space<vmem>>, vector<16xi32>,
        %swap3A_736 = vector.shape_cast %swap3A_735 : vector<16xi32> to vector<16xi32>
        %swap3A_737 = vector.shape_cast %and3A_733 : vector<16xi32> to vector<16xi32>
        tpu.vector_store %arg12[%swap3A_734], %swap3A_737 {strides = array<i32>} : memref<80xi32, #tpu.memory_space<vmem>>, vector<16xi32>,
        %shift_right_arithmetic3A_738 = arith.constant 16 : i32
        %shift_right_arithmetic3A_739 = vector.broadcast %shift_right_arithmetic3A_738 : i32 to vector<16xi32>
        %shift_right_arithmetic3A_740 = arith.shrsi %get3A_730, %shift_right_arithmetic3A_739 : vector<16xi32>
        %and3A_741 = arith.constant 65535 : i32
        %and3A_742 = vector.broadcast %and3A_741 : i32 to vector<16xi32>
        %and3A_743 = arith.andi %shift_right_arithmetic3A_740, %and3A_742 : vector<16xi32>
        %swap3A_744 = arith.constant 32 : index
        %swap3A_745 = tpu.vector_load %arg17[%swap3A_744] {strides = array<i32>} : memref<80xi32, #tpu.memory_space<vmem>>, vector<16xi32>,
        %swap3A_746 = vector.shape_cast %swap3A_745 : vector<16xi32> to vector<16xi32>
        %swap3A_747 = vector.shape_cast %and3A_743 : vector<16xi32> to vector<16xi32>
        tpu.vector_store %arg17[%swap3A_744], %swap3A_747 {strides = array<i32>} : memref<80xi32, #tpu.memory_space<vmem>>, vector<16xi32>,
        %get3A_748 = arith.index_cast %add3A_684 : i32 to index
        %get3A_749 = arith.constant 48 : index
        %get3A_750 = tpu.vector_load %arg7[%get3A_748, %get3A_749] {strides = array<i32>} : memref<125x80xi32, #tpu.memory_space<vmem>>, vector<1x16xi32>,
        %get3A_751 = vector.shape_cast %get3A_750 : vector<1x16xi32> to vector<16xi32>
        %and3A_752 = arith.constant 65535 : i32
        %and3A_753 = vector.broadcast %and3A_752 : i32 to vector<16xi32>
        %and3A_754 = arith.andi %get3A_751, %and3A_753 : vector<16xi32>
        %swap3A_755 = arith.constant 48 : index
        %swap3A_756 = tpu.vector_load %arg12[%swap3A_755] {strides = array<i32>} : memref<80xi32, #tpu.memory_space<vmem>>, vector<16xi32>,
        %swap3A_757 = vector.shape_cast %swap3A_756 : vector<16xi32> to vector<16xi32>
        %swap3A_758 = vector.shape_cast %and3A_754 : vector<16xi32> to vector<16xi32>
        tpu.vector_store %arg12[%swap3A_755], %swap3A_758 {strides = array<i32>} : memref<80xi32, #tpu.memory_space<vmem>>, vector<16xi32>,
        %shift_right_arithmetic3A_759 = arith.constant 16 : i32
        %shift_right_arithmetic3A_760 = vector.broadcast %shift_right_arithmetic3A_759 : i32 to vector<16xi32>
        %shift_right_arithmetic3A_761 = arith.shrsi %get3A_751, %shift_right_arithmetic3A_760 : vector<16xi32>
        %and3A_762 = arith.constant 65535 : i32
        %and3A_763 = vector.broadcast %and3A_762 : i32 to vector<16xi32>
        %and3A_764 = arith.andi %shift_right_arithmetic3A_761, %and3A_763 : vector<16xi32>
        %swap3A_765 = arith.constant 48 : index
        %swap3A_766 = tpu.vector_load %arg17[%swap3A_765] {strides = array<i32>} : memref<80xi32, #tpu.memory_space<vmem>>, vector<16xi32>,
        %swap3A_767 = vector.shape_cast %swap3A_766 : vector<16xi32> to vector<16xi32>
        %swap3A_768 = vector.shape_cast %and3A_764 : vector<16xi32> to vector<16xi32>
        tpu.vector_store %arg17[%swap3A_765], %swap3A_768 {strides = array<i32>} : memref<80xi32, #tpu.memory_space<vmem>>, vector<16xi32>,
        %get3A_769 = arith.index_cast %add3A_684 : i32 to index
        %get3A_770 = arith.constant 64 : index
        %get3A_771 = tpu.vector_load %arg7[%get3A_769, %get3A_770] {strides = array<i32>} : memref<125x80xi32, #tpu.memory_space<vmem>>, vector<1x16xi32>,
        %get3A_772 = vector.shape_cast %get3A_771 : vector<1x16xi32> to vector<16xi32>
        %and3A_773 = arith.constant 65535 : i32
        %and3A_774 = vector.broadcast %and3A_773 : i32 to vector<16xi32>
        %and3A_775 = arith.andi %get3A_772, %and3A_774 : vector<16xi32>
        %swap3A_776 = arith.constant 64 : index
        %swap3A_777 = tpu.vector_load %arg12[%swap3A_776] {strides = array<i32>} : memref<80xi32, #tpu.memory_space<vmem>>, vector<16xi32>,
        %swap3A_778 = vector.shape_cast %swap3A_777 : vector<16xi32> to vector<16xi32>
        %swap3A_779 = vector.shape_cast %and3A_775 : vector<16xi32> to vector<16xi32>
        tpu.vector_store %arg12[%swap3A_776], %swap3A_779 {strides = array<i32>} : memref<80xi32, #tpu.memory_space<vmem>>, vector<16xi32>,
        %shift_right_arithmetic3A_780 = arith.constant 16 : i32
        %shift_right_arithmetic3A_781 = vector.broadcast %shift_right_arithmetic3A_780 : i32 to vector<16xi32>
        %shift_right_arithmetic3A_782 = arith.shrsi %get3A_772, %shift_right_arithmetic3A_781 : vector<16xi32>
        %and3A_783 = arith.constant 65535 : i32
        %and3A_784 = vector.broadcast %and3A_783 : i32 to vector<16xi32>
        %and3A_785 = arith.andi %shift_right_arithmetic3A_782, %and3A_784 : vector<16xi32>
        %swap3A_786 = arith.constant 64 : index
        %swap3A_787 = tpu.vector_load %arg17[%swap3A_786] {strides = array<i32>} : memref<80xi32, #tpu.memory_space<vmem>>, vector<16xi32>,
        %swap3A_788 = vector.shape_cast %swap3A_787 : vector<16xi32> to vector<16xi32>
        %swap3A_789 = vector.shape_cast %and3A_785 : vector<16xi32> to vector<16xi32>
        tpu.vector_store %arg17[%swap3A_786], %swap3A_789 {strides = array<i32>} : memref<80xi32, #tpu.memory_space<vmem>>, vector<16xi32>,
        %add3A_790 = arith.constant 5 : i32
        %add3A_791 = arith.addi %add3A_665, %add3A_790 : i32
        %dma_start3A_792 = arith.constant 0 : i32
        %dma_start3A_793 = arith.constant 0 : i32
        %dma_start3A_794 = tpu.memref_slice %arg2[%dma_start3A_792, %dma_start3A_793] : memref<10000x128xi32, #tpu.memory_space<hbm>> -> memref<10000x128xi32, #tpu.memory_space<hbm>>
        tpu.enqueue_indirect_dma source(%dma_start3A_794 : memref<10000x128xi32, #tpu.memory_space<hbm>>) target(%arg22 : memref<80x128xi32, #tpu.memory_space<vmem>>) offsets(%arg12 : memref<80xi32, #tpu.memory_space<vmem>>) semaphore(%arg32 : memref<!tpu.dma_semaphore, #tpu.memory_space<semaphore_mem>>)
        %dma_start3A_795 = arith.constant 0 : i32
        %dma_start3A_796 = arith.constant 0 : i32
        %dma_start3A_797 = tpu.memref_slice %arg3[%dma_start3A_795, %dma_start3A_796] : memref<10000x128xi32, #tpu.memory_space<hbm>> -> memref<10000x128xi32, #tpu.memory_space<hbm>>
        tpu.enqueue_indirect_dma source(%dma_start3A_797 : memref<10000x128xi32, #tpu.memory_space<hbm>>) target(%arg27 : memref<80x128xi32, #tpu.memory_space<vmem>>) offsets(%arg17 : memref<80xi32, #tpu.memory_space<vmem>>) semaphore(%arg32 : memref<!tpu.dma_semaphore, #tpu.memory_space<semaphore_mem>>)
      } else {
      }
      %scan3A_682 = arith.constant 0 : i32
      scf.yield %scan3A_682 : i32
    }
    %scan3A_583 = arith.constant 25 : i32
    return
  }
}

#map = affine_map<(d0, d1) -> (0, 0, 0)>
#map1 = affine_map<(d0, d1) -> (0)>
module attributes {stable_mosaic.version = 14 : i64} {
  func.func @_sc_scatter_body(%arg0: i32, %arg1: i32, %arg2: memref<32x125x80xf32, #tpu.memory_space<hbm>>, %arg3: memref<32x125x80xi32, #tpu.memory_space<hbm>>, %arg4: memref<20480xf32, #tpu.memory_space<hbm>>, %arg5: memref<10240xf32, #tpu.memory_space<vmem_shared>>, %arg6: memref<125x80xf32, #tpu.memory_space<vmem>>, %arg7: memref<125x80xi32, #tpu.memory_space<vmem>>, %arg8: memref<640xf32, #tpu.memory_space<vmem>>, %arg9: memref<!tpu.dma_semaphore, #tpu.memory_space<semaphore_mem>>) attributes {dimension_semantics = [#tpu.dimension_semantics<core_parallel>, #tpu.dimension_semantics<subcore_parallel>], iteration_bounds = array<i64: 2, 16>, scalar_prefetch = 0 : i64, scratch_operands = 5 : i64, tpu.core_type = #tpu.core_type<sc_vector_subcore>, window_params = [{transform_indices = #map}, {transform_indices = #map}, {transform_indices = #map1}]} {
    %mul3A = arith.constant 2 : i32
    %mul3A_0 = arith.muli %arg1, %mul3A : i32
    %add3A = arith.addi %mul3A_0, %arg0 : i32
    %scan3A = arith.constant 0 : i32
    %scan3A_1 = arith.constant 0 : i32
    %scan3A_2 = arith.constant 40 : i32
    %scan3A_3 = arith.addi %scan3A_1, %scan3A_2 : i32
    %scan3A_4 = arith.constant 1 : i32
    %scan3A_5 = scf.for %scan3A_24 = %scan3A_1 to %scan3A_3 step %scan3A_4 iter_args(%scan3A_25 = %scan3A) -> (i32)  : i32 {
      %broadcast_in_dim3A = arith.constant 0.000000e+00 : f32
      %broadcast_in_dim3A_26 = vector.broadcast %broadcast_in_dim3A : f32 to vector<16xf32>
      %mul3A_27 = arith.constant 16 : i32
      %mul3A_28 = arith.muli %scan3A_24, %mul3A_27 : i32
      %swap3A = arith.index_cast %mul3A_28 : i32 to index
      %swap3A_29 = tpu.vector_load %arg8[%swap3A] {strides = array<i32>} : memref<640xf32, #tpu.memory_space<vmem>>, vector<16xf32>,
      %swap3A_30 = vector.shape_cast %swap3A_29 : vector<16xf32> to vector<16xf32>
      %swap3A_31 = vector.shape_cast %broadcast_in_dim3A_26 : vector<16xf32> to vector<16xf32>
      tpu.vector_store %arg8[%swap3A], %swap3A_31 {strides = array<i32>} : memref<640xf32, #tpu.memory_space<vmem>>, vector<16xf32>,
      %scan3A_32 = arith.constant 0 : i32
      scf.yield %scan3A_32 : i32
    }
    %scan3A_6 = arith.constant 40 : i32
    %mul3A_7 = arith.constant 640 : i32
    %mul3A_8 = arith.muli %arg1, %mul3A_7 : i32
    "tpu.region"() ({
      %run_scoped3A = tpu.sem_alloc : memref<!tpu.dma_semaphore, #tpu.memory_space<semaphore_mem>>
      %dma_start3A = tpu.memref_slice %arg5[%mul3A_8] : memref<10240xf32, #tpu.memory_space<vmem_shared>> -> memref<640xf32, #tpu.memory_space<vmem_shared>>
      %dma_start3A_24 = tpu.memref_slice %arg5[%mul3A_8] : memref<10240xf32, #tpu.memory_space<vmem_shared>> -> memref<640xf32, #tpu.memory_space<vmem_shared>>
      tpu.enqueue_dma source(%arg8 : memref<640xf32, #tpu.memory_space<vmem>>) target(%dma_start3A_24 : memref<640xf32, #tpu.memory_space<vmem_shared>>) target_semaphore(%run_scoped3A : memref<!tpu.dma_semaphore, #tpu.memory_space<semaphore_mem>>)
      %dma_wait3A = tpu.memref_slice %arg5[%mul3A_8] : memref<10240xf32, #tpu.memory_space<vmem_shared>> -> memref<640xf32, #tpu.memory_space<vmem_shared>>
      %dma_wait3A_25 = tpu.memref_slice %arg5[%mul3A_8] : memref<10240xf32, #tpu.memory_space<vmem_shared>> -> memref<640xf32, #tpu.memory_space<vmem_shared>>
      tpu.wait_dma2 semaphore(%run_scoped3A : memref<!tpu.dma_semaphore, #tpu.memory_space<semaphore_mem>>) src(%arg8 : memref<640xf32, #tpu.memory_space<vmem>>) dst(%dma_wait3A_25 : memref<640xf32, #tpu.memory_space<vmem_shared>>)
      tpu.yield
    }) : () -> ()
    "tpu.region"() ({
      %run_scoped3A = tpu.sem_alloc : memref<!tpu.dma_semaphore, #tpu.memory_space<semaphore_mem>>
      %dma_start3A = arith.constant 0 : i32
      %dma_start3A_24 = arith.constant 0 : i32
      %dma_start3A_25 = tpu.memref_slice %arg2[%add3A, %dma_start3A, %dma_start3A_24] : memref<32x125x80xf32, #tpu.memory_space<hbm>> -> memref<1x125x80xf32, #tpu.memory_space<hbm>>
      %dma_start3A_26 = tpu.memref_squeeze %dma_start3A_25 : memref<1x125x80xf32, #tpu.memory_space<hbm>> -> memref<125x80xf32, #tpu.memory_space<hbm>>
      %dma_start3A_27 = arith.constant 0 : i32
      %dma_start3A_28 = arith.constant 0 : i32
      %dma_start3A_29 = tpu.memref_slice %arg2[%add3A, %dma_start3A_27, %dma_start3A_28] : memref<32x125x80xf32, #tpu.memory_space<hbm>> -> memref<1x125x80xf32, #tpu.memory_space<hbm>>
      %dma_start3A_30 = tpu.memref_squeeze %dma_start3A_29 : memref<1x125x80xf32, #tpu.memory_space<hbm>> -> memref<125x80xf32, #tpu.memory_space<hbm>>
      tpu.enqueue_dma source(%dma_start3A_30 : memref<125x80xf32, #tpu.memory_space<hbm>>) target(%arg6 : memref<125x80xf32, #tpu.memory_space<vmem>>) target_semaphore(%run_scoped3A : memref<!tpu.dma_semaphore, #tpu.memory_space<semaphore_mem>>)
      %dma_wait3A = arith.constant 0 : i32
      %dma_wait3A_31 = arith.constant 0 : i32
      %dma_wait3A_32 = tpu.memref_slice %arg2[%add3A, %dma_wait3A, %dma_wait3A_31] : memref<32x125x80xf32, #tpu.memory_space<hbm>> -> memref<1x125x80xf32, #tpu.memory_space<hbm>>
      %dma_wait3A_33 = tpu.memref_squeeze %dma_wait3A_32 : memref<1x125x80xf32, #tpu.memory_space<hbm>> -> memref<125x80xf32, #tpu.memory_space<hbm>>
      %dma_wait3A_34 = arith.constant 0 : i32
      %dma_wait3A_35 = arith.constant 0 : i32
      %dma_wait3A_36 = tpu.memref_slice %arg2[%add3A, %dma_wait3A_34, %dma_wait3A_35] : memref<32x125x80xf32, #tpu.memory_space<hbm>> -> memref<1x125x80xf32, #tpu.memory_space<hbm>>
      %dma_wait3A_37 = tpu.memref_squeeze %dma_wait3A_36 : memref<1x125x80xf32, #tpu.memory_space<hbm>> -> memref<125x80xf32, #tpu.memory_space<hbm>>
      tpu.wait_dma2 semaphore(%run_scoped3A : memref<!tpu.dma_semaphore, #tpu.memory_space<semaphore_mem>>) src(%dma_wait3A_37 : memref<125x80xf32, #tpu.memory_space<hbm>>) dst(%arg6 : memref<125x80xf32, #tpu.memory_space<vmem>>)
      tpu.yield
    }) : () -> ()
    "tpu.region"() ({
      %run_scoped3A = tpu.sem_alloc : memref<!tpu.dma_semaphore, #tpu.memory_space<semaphore_mem>>
      %dma_start3A = arith.constant 0 : i32
      %dma_start3A_24 = arith.constant 0 : i32
      %dma_start3A_25 = tpu.memref_slice %arg3[%add3A, %dma_start3A, %dma_start3A_24] : memref<32x125x80xi32, #tpu.memory_space<hbm>> -> memref<1x125x80xi32, #tpu.memory_space<hbm>>
      %dma_start3A_26 = tpu.memref_squeeze %dma_start3A_25 : memref<1x125x80xi32, #tpu.memory_space<hbm>> -> memref<125x80xi32, #tpu.memory_space<hbm>>
      %dma_start3A_27 = arith.constant 0 : i32
      %dma_start3A_28 = arith.constant 0 : i32
      %dma_start3A_29 = tpu.memref_slice %arg3[%add3A, %dma_start3A_27, %dma_start3A_28] : memref<32x125x80xi32, #tpu.memory_space<hbm>> -> memref<1x125x80xi32, #tpu.memory_space<hbm>>
      %dma_start3A_30 = tpu.memref_squeeze %dma_start3A_29 : memref<1x125x80xi32, #tpu.memory_space<hbm>> -> memref<125x80xi32, #tpu.memory_space<hbm>>
      tpu.enqueue_dma source(%dma_start3A_30 : memref<125x80xi32, #tpu.memory_space<hbm>>) target(%arg7 : memref<125x80xi32, #tpu.memory_space<vmem>>) target_semaphore(%run_scoped3A : memref<!tpu.dma_semaphore, #tpu.memory_space<semaphore_mem>>)
      %dma_wait3A = arith.constant 0 : i32
      %dma_wait3A_31 = arith.constant 0 : i32
      %dma_wait3A_32 = tpu.memref_slice %arg3[%add3A, %dma_wait3A, %dma_wait3A_31] : memref<32x125x80xi32, #tpu.memory_space<hbm>> -> memref<1x125x80xi32, #tpu.memory_space<hbm>>
      %dma_wait3A_33 = tpu.memref_squeeze %dma_wait3A_32 : memref<1x125x80xi32, #tpu.memory_space<hbm>> -> memref<125x80xi32, #tpu.memory_space<hbm>>
      %dma_wait3A_34 = arith.constant 0 : i32
      %dma_wait3A_35 = arith.constant 0 : i32
      %dma_wait3A_36 = tpu.memref_slice %arg3[%add3A, %dma_wait3A_34, %dma_wait3A_35] : memref<32x125x80xi32, #tpu.memory_space<hbm>> -> memref<1x125x80xi32, #tpu.memory_space<hbm>>
      %dma_wait3A_37 = tpu.memref_squeeze %dma_wait3A_36 : memref<1x125x80xi32, #tpu.memory_space<hbm>> -> memref<125x80xi32, #tpu.memory_space<hbm>>
      tpu.wait_dma2 semaphore(%run_scoped3A : memref<!tpu.dma_semaphore, #tpu.memory_space<semaphore_mem>>) src(%dma_wait3A_37 : memref<125x80xi32, #tpu.memory_space<hbm>>) dst(%arg7 : memref<125x80xi32, #tpu.memory_space<vmem>>)
      tpu.yield
    }) : () -> ()
    %barrier3A = arith.constant 0 : index
    tpu.barrier barrier_id(%barrier3A)
    %scan3A_9 = arith.constant 0 : i32
    %scan3A_10 = arith.constant 0 : i32
    %scan3A_11 = arith.constant 25 : i32
    %scan3A_12 = arith.addi %scan3A_10, %scan3A_11 : i32
    %scan3A_13 = arith.constant 1 : i32
    %scan3A_14 = scf.for %scan3A_24 = %scan3A_10 to %scan3A_12 step %scan3A_13 iter_args(%scan3A_25 = %scan3A_9) -> (i32)  : i32 {
      %mul3A_26 = arith.constant 5 : i32
      %mul3A_27 = arith.muli %scan3A_24, %mul3A_26 : i32
      %add3A_28 = arith.constant 0 : i32
      %add3A_29 = arith.addi %mul3A_27, %add3A_28 : i32
      %dma_start3A = arith.constant 0 : i32
      %dma_start3A_30 = tpu.memref_slice %arg6[%add3A_29, %dma_start3A] : memref<125x80xf32, #tpu.memory_space<vmem>> -> memref<1x80xf32, #tpu.memory_space<vmem>>
      %dma_start3A_31 = tpu.memref_squeeze %dma_start3A_30 : memref<1x80xf32, #tpu.memory_space<vmem>> -> memref<80xf32, #tpu.memory_space<vmem>>
      %dma_start3A_32 = arith.constant 0 : i32
      %dma_start3A_33 = tpu.memref_slice %arg7[%add3A_29, %dma_start3A_32] : memref<125x80xi32, #tpu.memory_space<vmem>> -> memref<1x80xi32, #tpu.memory_space<vmem>>
      %dma_start3A_34 = tpu.memref_squeeze %dma_start3A_33 : memref<1x80xi32, #tpu.memory_space<vmem>> -> memref<80xi32, #tpu.memory_space<vmem>>
      %dma_start3A_35 = arith.constant 0 : i32
      %dma_start3A_36 = tpu.memref_slice %arg5[%dma_start3A_35] : memref<10240xf32, #tpu.memory_space<vmem_shared>> -> memref<10240xf32, #tpu.memory_space<vmem_shared>>
      tpu.enqueue_indirect_dma source(%dma_start3A_31 : memref<80xf32, #tpu.memory_space<vmem>>) target(%dma_start3A_36 : memref<10240xf32, #tpu.memory_space<vmem_shared>>) offsets(%dma_start3A_34 : memref<80xi32, #tpu.memory_space<vmem>>) semaphore(%arg9 : memref<!tpu.dma_semaphore, #tpu.memory_space<semaphore_mem>>) {add = true}
      %mul3A_37 = arith.constant 5 : i32
      %mul3A_38 = arith.muli %scan3A_24, %mul3A_37 : i32
      %add3A_39 = arith.constant 1 : i32
      %add3A_40 = arith.addi %mul3A_38, %add3A_39 : i32
      %dma_start3A_41 = arith.constant 0 : i32
      %dma_start3A_42 = tpu.memref_slice %arg6[%add3A_40, %dma_start3A_41] : memref<125x80xf32, #tpu.memory_space<vmem>> -> memref<1x80xf32, #tpu.memory_space<vmem>>
      %dma_start3A_43 = tpu.memref_squeeze %dma_start3A_42 : memref<1x80xf32, #tpu.memory_space<vmem>> -> memref<80xf32, #tpu.memory_space<vmem>>
      %dma_start3A_44 = arith.constant 0 : i32
      %dma_start3A_45 = tpu.memref_slice %arg7[%add3A_40, %dma_start3A_44] : memref<125x80xi32, #tpu.memory_space<vmem>> -> memref<1x80xi32, #tpu.memory_space<vmem>>
      %dma_start3A_46 = tpu.memref_squeeze %dma_start3A_45 : memref<1x80xi32, #tpu.memory_space<vmem>> -> memref<80xi32, #tpu.memory_space<vmem>>
      %dma_start3A_47 = arith.constant 0 : i32
      %dma_start3A_48 = tpu.memref_slice %arg5[%dma_start3A_47] : memref<10240xf32, #tpu.memory_space<vmem_shared>> -> memref<10240xf32, #tpu.memory_space<vmem_shared>>
      tpu.enqueue_indirect_dma source(%dma_start3A_43 : memref<80xf32, #tpu.memory_space<vmem>>) target(%dma_start3A_48 : memref<10240xf32, #tpu.memory_space<vmem_shared>>) offsets(%dma_start3A_46 : memref<80xi32, #tpu.memory_space<vmem>>) semaphore(%arg9 : memref<!tpu.dma_semaphore, #tpu.memory_space<semaphore_mem>>) {add = true}
      %mul3A_49 = arith.constant 5 : i32
      %mul3A_50 = arith.muli %scan3A_24, %mul3A_49 : i32
      %add3A_51 = arith.constant 2 : i32
      %add3A_52 = arith.addi %mul3A_50, %add3A_51 : i32
      %dma_start3A_53 = arith.constant 0 : i32
      %dma_start3A_54 = tpu.memref_slice %arg6[%add3A_52, %dma_start3A_53] : memref<125x80xf32, #tpu.memory_space<vmem>> -> memref<1x80xf32, #tpu.memory_space<vmem>>
      %dma_start3A_55 = tpu.memref_squeeze %dma_start3A_54 : memref<1x80xf32, #tpu.memory_space<vmem>> -> memref<80xf32, #tpu.memory_space<vmem>>
      %dma_start3A_56 = arith.constant 0 : i32
      %dma_start3A_57 = tpu.memref_slice %arg7[%add3A_52, %dma_start3A_56] : memref<125x80xi32, #tpu.memory_space<vmem>> -> memref<1x80xi32, #tpu.memory_space<vmem>>
      %dma_start3A_58 = tpu.memref_squeeze %dma_start3A_57 : memref<1x80xi32, #tpu.memory_space<vmem>> -> memref<80xi32, #tpu.memory_space<vmem>>
      %dma_start3A_59 = arith.constant 0 : i32
      %dma_start3A_60 = tpu.memref_slice %arg5[%dma_start3A_59] : memref<10240xf32, #tpu.memory_space<vmem_shared>> -> memref<10240xf32, #tpu.memory_space<vmem_shared>>
      tpu.enqueue_indirect_dma source(%dma_start3A_55 : memref<80xf32, #tpu.memory_space<vmem>>) target(%dma_start3A_60 : memref<10240xf32, #tpu.memory_space<vmem_shared>>) offsets(%dma_start3A_58 : memref<80xi32, #tpu.memory_space<vmem>>) semaphore(%arg9 : memref<!tpu.dma_semaphore, #tpu.memory_space<semaphore_mem>>) {add = true}
      %mul3A_61 = arith.constant 5 : i32
      %mul3A_62 = arith.muli %scan3A_24, %mul3A_61 : i32
      %add3A_63 = arith.constant 3 : i32
      %add3A_64 = arith.addi %mul3A_62, %add3A_63 : i32
      %dma_start3A_65 = arith.constant 0 : i32
      %dma_start3A_66 = tpu.memref_slice %arg6[%add3A_64, %dma_start3A_65] : memref<125x80xf32, #tpu.memory_space<vmem>> -> memref<1x80xf32, #tpu.memory_space<vmem>>
      %dma_start3A_67 = tpu.memref_squeeze %dma_start3A_66 : memref<1x80xf32, #tpu.memory_space<vmem>> -> memref<80xf32, #tpu.memory_space<vmem>>
      %dma_start3A_68 = arith.constant 0 : i32
      %dma_start3A_69 = tpu.memref_slice %arg7[%add3A_64, %dma_start3A_68] : memref<125x80xi32, #tpu.memory_space<vmem>> -> memref<1x80xi32, #tpu.memory_space<vmem>>
      %dma_start3A_70 = tpu.memref_squeeze %dma_start3A_69 : memref<1x80xi32, #tpu.memory_space<vmem>> -> memref<80xi32, #tpu.memory_space<vmem>>
      %dma_start3A_71 = arith.constant 0 : i32
      %dma_start3A_72 = tpu.memref_slice %arg5[%dma_start3A_71] : memref<10240xf32, #tpu.memory_space<vmem_shared>> -> memref<10240xf32, #tpu.memory_space<vmem_shared>>
      tpu.enqueue_indirect_dma source(%dma_start3A_67 : memref<80xf32, #tpu.memory_space<vmem>>) target(%dma_start3A_72 : memref<10240xf32, #tpu.memory_space<vmem_shared>>) offsets(%dma_start3A_70 : memref<80xi32, #tpu.memory_space<vmem>>) semaphore(%arg9 : memref<!tpu.dma_semaphore, #tpu.memory_space<semaphore_mem>>) {add = true}
      %mul3A_73 = arith.constant 5 : i32
      %mul3A_74 = arith.muli %scan3A_24, %mul3A_73 : i32
      %add3A_75 = arith.constant 4 : i32
      %add3A_76 = arith.addi %mul3A_74, %add3A_75 : i32
      %dma_start3A_77 = arith.constant 0 : i32
      %dma_start3A_78 = tpu.memref_slice %arg6[%add3A_76, %dma_start3A_77] : memref<125x80xf32, #tpu.memory_space<vmem>> -> memref<1x80xf32, #tpu.memory_space<vmem>>
      %dma_start3A_79 = tpu.memref_squeeze %dma_start3A_78 : memref<1x80xf32, #tpu.memory_space<vmem>> -> memref<80xf32, #tpu.memory_space<vmem>>
      %dma_start3A_80 = arith.constant 0 : i32
      %dma_start3A_81 = tpu.memref_slice %arg7[%add3A_76, %dma_start3A_80] : memref<125x80xi32, #tpu.memory_space<vmem>> -> memref<1x80xi32, #tpu.memory_space<vmem>>
      %dma_start3A_82 = tpu.memref_squeeze %dma_start3A_81 : memref<1x80xi32, #tpu.memory_space<vmem>> -> memref<80xi32, #tpu.memory_space<vmem>>
      %dma_start3A_83 = arith.constant 0 : i32
      %dma_start3A_84 = tpu.memref_slice %arg5[%dma_start3A_83] : memref<10240xf32, #tpu.memory_space<vmem_shared>> -> memref<10240xf32, #tpu.memory_space<vmem_shared>>
      tpu.enqueue_indirect_dma source(%dma_start3A_79 : memref<80xf32, #tpu.memory_space<vmem>>) target(%dma_start3A_84 : memref<10240xf32, #tpu.memory_space<vmem_shared>>) offsets(%dma_start3A_82 : memref<80xi32, #tpu.memory_space<vmem>>) semaphore(%arg9 : memref<!tpu.dma_semaphore, #tpu.memory_space<semaphore_mem>>) {add = true}
      %mul3A_85 = arith.constant 5 : i32
      %mul3A_86 = arith.muli %scan3A_24, %mul3A_85 : i32
      %add3A_87 = arith.constant 0 : i32
      %add3A_88 = arith.addi %mul3A_86, %add3A_87 : i32
      %dma_wait3A = arith.constant 0 : i32
      %dma_wait3A_89 = tpu.memref_slice %arg6[%add3A_88, %dma_wait3A] : memref<125x80xf32, #tpu.memory_space<vmem>> -> memref<1x80xf32, #tpu.memory_space<vmem>>
      %dma_wait3A_90 = tpu.memref_squeeze %dma_wait3A_89 : memref<1x80xf32, #tpu.memory_space<vmem>> -> memref<80xf32, #tpu.memory_space<vmem>>
      %dma_wait3A_91 = arith.constant 0 : i32
      %dma_wait3A_92 = tpu.memref_slice %arg7[%add3A_88, %dma_wait3A_91] : memref<125x80xi32, #tpu.memory_space<vmem>> -> memref<1x80xi32, #tpu.memory_space<vmem>>
      %dma_wait3A_93 = tpu.memref_squeeze %dma_wait3A_92 : memref<1x80xi32, #tpu.memory_space<vmem>> -> memref<80xi32, #tpu.memory_space<vmem>>
      %dma_wait3A_94 = arith.constant 0 : i32
      %dma_wait3A_95 = tpu.memref_slice %arg5[%dma_wait3A_94] : memref<10240xf32, #tpu.memory_space<vmem_shared>> -> memref<10240xf32, #tpu.memory_space<vmem_shared>>
      tpu.wait_indirect_dma semaphore(%arg9 : memref<!tpu.dma_semaphore, #tpu.memory_space<semaphore_mem>>) src(%dma_wait3A_90 : memref<80xf32, #tpu.memory_space<vmem>>) dst(%dma_wait3A_95 : memref<10240xf32, #tpu.memory_space<vmem_shared>>)
      %mul3A_96 = arith.constant 5 : i32
      %mul3A_97 = arith.muli %scan3A_24, %mul3A_96 : i32
      %add3A_98 = arith.constant 1 : i32
      %add3A_99 = arith.addi %mul3A_97, %add3A_98 : i32
      %dma_wait3A_100 = arith.constant 0 : i32
      %dma_wait3A_101 = tpu.memref_slice %arg6[%add3A_99, %dma_wait3A_100] : memref<125x80xf32, #tpu.memory_space<vmem>> -> memref<1x80xf32, #tpu.memory_space<vmem>>
      %dma_wait3A_102 = tpu.memref_squeeze %dma_wait3A_101 : memref<1x80xf32, #tpu.memory_space<vmem>> -> memref<80xf32, #tpu.memory_space<vmem>>
      %dma_wait3A_103 = arith.constant 0 : i32
      %dma_wait3A_104 = tpu.memref_slice %arg7[%add3A_99, %dma_wait3A_103] : memref<125x80xi32, #tpu.memory_space<vmem>> -> memref<1x80xi32, #tpu.memory_space<vmem>>
      %dma_wait3A_105 = tpu.memref_squeeze %dma_wait3A_104 : memref<1x80xi32, #tpu.memory_space<vmem>> -> memref<80xi32, #tpu.memory_space<vmem>>
      %dma_wait3A_106 = arith.constant 0 : i32
      %dma_wait3A_107 = tpu.memref_slice %arg5[%dma_wait3A_106] : memref<10240xf32, #tpu.memory_space<vmem_shared>> -> memref<10240xf32, #tpu.memory_space<vmem_shared>>
      tpu.wait_indirect_dma semaphore(%arg9 : memref<!tpu.dma_semaphore, #tpu.memory_space<semaphore_mem>>) src(%dma_wait3A_102 : memref<80xf32, #tpu.memory_space<vmem>>) dst(%dma_wait3A_107 : memref<10240xf32, #tpu.memory_space<vmem_shared>>)
      %mul3A_108 = arith.constant 5 : i32
      %mul3A_109 = arith.muli %scan3A_24, %mul3A_108 : i32
      %add3A_110 = arith.constant 2 : i32
      %add3A_111 = arith.addi %mul3A_109, %add3A_110 : i32
      %dma_wait3A_112 = arith.constant 0 : i32
      %dma_wait3A_113 = tpu.memref_slice %arg6[%add3A_111, %dma_wait3A_112] : memref<125x80xf32, #tpu.memory_space<vmem>> -> memref<1x80xf32, #tpu.memory_space<vmem>>
      %dma_wait3A_114 = tpu.memref_squeeze %dma_wait3A_113 : memref<1x80xf32, #tpu.memory_space<vmem>> -> memref<80xf32, #tpu.memory_space<vmem>>
      %dma_wait3A_115 = arith.constant 0 : i32
      %dma_wait3A_116 = tpu.memref_slice %arg7[%add3A_111, %dma_wait3A_115] : memref<125x80xi32, #tpu.memory_space<vmem>> -> memref<1x80xi32, #tpu.memory_space<vmem>>
      %dma_wait3A_117 = tpu.memref_squeeze %dma_wait3A_116 : memref<1x80xi32, #tpu.memory_space<vmem>> -> memref<80xi32, #tpu.memory_space<vmem>>
      %dma_wait3A_118 = arith.constant 0 : i32
      %dma_wait3A_119 = tpu.memref_slice %arg5[%dma_wait3A_118] : memref<10240xf32, #tpu.memory_space<vmem_shared>> -> memref<10240xf32, #tpu.memory_space<vmem_shared>>
      tpu.wait_indirect_dma semaphore(%arg9 : memref<!tpu.dma_semaphore, #tpu.memory_space<semaphore_mem>>) src(%dma_wait3A_114 : memref<80xf32, #tpu.memory_space<vmem>>) dst(%dma_wait3A_119 : memref<10240xf32, #tpu.memory_space<vmem_shared>>)
      %mul3A_120 = arith.constant 5 : i32
      %mul3A_121 = arith.muli %scan3A_24, %mul3A_120 : i32
      %add3A_122 = arith.constant 3 : i32
      %add3A_123 = arith.addi %mul3A_121, %add3A_122 : i32
      %dma_wait3A_124 = arith.constant 0 : i32
      %dma_wait3A_125 = tpu.memref_slice %arg6[%add3A_123, %dma_wait3A_124] : memref<125x80xf32, #tpu.memory_space<vmem>> -> memref<1x80xf32, #tpu.memory_space<vmem>>
      %dma_wait3A_126 = tpu.memref_squeeze %dma_wait3A_125 : memref<1x80xf32, #tpu.memory_space<vmem>> -> memref<80xf32, #tpu.memory_space<vmem>>
      %dma_wait3A_127 = arith.constant 0 : i32
      %dma_wait3A_128 = tpu.memref_slice %arg7[%add3A_123, %dma_wait3A_127] : memref<125x80xi32, #tpu.memory_space<vmem>> -> memref<1x80xi32, #tpu.memory_space<vmem>>
      %dma_wait3A_129 = tpu.memref_squeeze %dma_wait3A_128 : memref<1x80xi32, #tpu.memory_space<vmem>> -> memref<80xi32, #tpu.memory_space<vmem>>
      %dma_wait3A_130 = arith.constant 0 : i32
      %dma_wait3A_131 = tpu.memref_slice %arg5[%dma_wait3A_130] : memref<10240xf32, #tpu.memory_space<vmem_shared>> -> memref<10240xf32, #tpu.memory_space<vmem_shared>>
      tpu.wait_indirect_dma semaphore(%arg9 : memref<!tpu.dma_semaphore, #tpu.memory_space<semaphore_mem>>) src(%dma_wait3A_126 : memref<80xf32, #tpu.memory_space<vmem>>) dst(%dma_wait3A_131 : memref<10240xf32, #tpu.memory_space<vmem_shared>>)
      %mul3A_132 = arith.constant 5 : i32
      %mul3A_133 = arith.muli %scan3A_24, %mul3A_132 : i32
      %add3A_134 = arith.constant 4 : i32
      %add3A_135 = arith.addi %mul3A_133, %add3A_134 : i32
      %dma_wait3A_136 = arith.constant 0 : i32
      %dma_wait3A_137 = tpu.memref_slice %arg6[%add3A_135, %dma_wait3A_136] : memref<125x80xf32, #tpu.memory_space<vmem>> -> memref<1x80xf32, #tpu.memory_space<vmem>>
      %dma_wait3A_138 = tpu.memref_squeeze %dma_wait3A_137 : memref<1x80xf32, #tpu.memory_space<vmem>> -> memref<80xf32, #tpu.memory_space<vmem>>
      %dma_wait3A_139 = arith.constant 0 : i32
      %dma_wait3A_140 = tpu.memref_slice %arg7[%add3A_135, %dma_wait3A_139] : memref<125x80xi32, #tpu.memory_space<vmem>> -> memref<1x80xi32, #tpu.memory_space<vmem>>
      %dma_wait3A_141 = tpu.memref_squeeze %dma_wait3A_140 : memref<1x80xi32, #tpu.memory_space<vmem>> -> memref<80xi32, #tpu.memory_space<vmem>>
      %dma_wait3A_142 = arith.constant 0 : i32
      %dma_wait3A_143 = tpu.memref_slice %arg5[%dma_wait3A_142] : memref<10240xf32, #tpu.memory_space<vmem_shared>> -> memref<10240xf32, #tpu.memory_space<vmem_shared>>
      tpu.wait_indirect_dma semaphore(%arg9 : memref<!tpu.dma_semaphore, #tpu.memory_space<semaphore_mem>>) src(%dma_wait3A_138 : memref<80xf32, #tpu.memory_space<vmem>>) dst(%dma_wait3A_143 : memref<10240xf32, #tpu.memory_space<vmem_shared>>)
      %scan3A_144 = arith.constant 0 : i32
      scf.yield %scan3A_144 : i32
    }
    %scan3A_15 = arith.constant 25 : i32
    %barrier3A_16 = arith.constant 0 : index
    tpu.barrier barrier_id(%barrier3A_16)
    %mul3A_17 = arith.constant 640 : i32
    %mul3A_18 = arith.muli %arg1, %mul3A_17 : i32
    %mul3A_19 = arith.constant 10240 : i32
    %mul3A_20 = arith.muli %arg0, %mul3A_19 : i32
    %mul3A_21 = arith.constant 640 : i32
    %mul3A_22 = arith.muli %arg1, %mul3A_21 : i32
    %add3A_23 = arith.addi %mul3A_20, %mul3A_22 : i32
    "tpu.region"() ({
      %run_scoped3A = tpu.sem_alloc : memref<!tpu.dma_semaphore, #tpu.memory_space<semaphore_mem>>
      %dma_start3A = tpu.memref_slice %arg4[%add3A_23] : memref<20480xf32, #tpu.memory_space<hbm>> -> memref<640xf32, #tpu.memory_space<hbm>>
      %dma_start3A_24 = tpu.memref_slice %arg5[%mul3A_18] : memref<10240xf32, #tpu.memory_space<vmem_shared>> -> memref<640xf32, #tpu.memory_space<vmem_shared>>
      tpu.enqueue_dma source(%dma_start3A_24 : memref<640xf32, #tpu.memory_space<vmem_shared>>) target(%dma_start3A : memref<640xf32, #tpu.memory_space<hbm>>) target_semaphore(%run_scoped3A : memref<!tpu.dma_semaphore, #tpu.memory_space<semaphore_mem>>)
      %dma_wait3A = tpu.memref_slice %arg4[%add3A_23] : memref<20480xf32, #tpu.memory_space<hbm>> -> memref<640xf32, #tpu.memory_space<hbm>>
      %dma_wait3A_25 = tpu.memref_slice %arg5[%mul3A_18] : memref<10240xf32, #tpu.memory_space<vmem_shared>> -> memref<640xf32, #tpu.memory_space<vmem_shared>>
      tpu.wait_dma2 semaphore(%run_scoped3A : memref<!tpu.dma_semaphore, #tpu.memory_space<semaphore_mem>>) src(%dma_wait3A_25 : memref<640xf32, #tpu.memory_space<vmem_shared>>) dst(%dma_wait3A : memref<640xf32, #tpu.memory_space<hbm>>)
      tpu.yield
    }) : () -> ()
    return
  }
}

module attributes {stable_mosaic.version = 14 : i64} {
  func.func @_tc_pre_body(%arg0: memref<10000x128xf32, #tpu.memory_space<vmem>>, %arg1: memref<256x256xf32, #tpu.memory_space<vmem>>, %arg2: memref<256xf32, #tpu.memory_space<vmem>>, %arg3: memref<256x1xf32, #tpu.memory_space<vmem>>, %arg4: memref<10000xi32, #tpu.memory_space<vmem>>, %arg5: memref<10000x128xi32, #tpu.memory_space<vmem>>, %arg6: memref<10000x128xi32, #tpu.memory_space<vmem>>, %arg7: memref<64x1xf32, #tpu.memory_space<vmem>>, %arg8: memref<64x1xf32, #tpu.memory_space<vmem>>) attributes {dimension_semantics = [], scalar_prefetch = 0 : i64, scratch_operands = 0 : i64, tpu.core_type = #tpu.core_type<tc>} {
    %get3A = arith.constant 0 : index
    %get3A_0 = arith.constant 0 : index
    %get3A_1 = vector.load %arg0[%get3A, %get3A_0] : memref<10000x128xf32, #tpu.memory_space<vmem>>, vector<10000x128xf32>
    %get3A_2 = arith.constant 0 : index
    %get3A_3 = arith.constant 0 : index
    %get3A_4 = vector.load %arg1[%get3A_2, %get3A_3] : memref<256x256xf32, #tpu.memory_space<vmem>>, vector<256x256xf32>
    %slice3A = vector.extract_strided_slice %get3A_4 {offsets = [0, 0], sizes = [128, 256], strides = [1, 1]} : vector<256x256xf32> to vector<128x256xf32>
    %dot_general3A = arith.constant dense<0.000000e+00> : vector<10000x256xf32>
    %dot_general3A_5 = tpu.matmul %get3A_1, %slice3A, %dot_general3A {dimension_numbers = #tpu.dot_dimension_numbers<[1], [0], [0], [1], [0, 0, 1, 1], [], []>, transpose_lhs_hint = false} : vector<10000x128xf32>, vector<128x256xf32>, vector<10000x256xf32> -> vector<10000x256xf32>
    %slice3A_6 = vector.extract_strided_slice %get3A_4 {offsets = [128, 0], sizes = [128, 256], strides = [1, 1]} : vector<256x256xf32> to vector<128x256xf32>
    %dot_general3A_7 = arith.constant dense<0.000000e+00> : vector<10000x256xf32>
    %dot_general3A_8 = tpu.matmul %get3A_1, %slice3A_6, %dot_general3A_7 {dimension_numbers = #tpu.dot_dimension_numbers<[1], [0], [0], [1], [0, 0, 1, 1], [], []>, transpose_lhs_hint = false} : vector<10000x128xf32>, vector<128x256xf32>, vector<10000x256xf32> -> vector<10000x256xf32>
    %get3A_9 = arith.constant 0 : index
    %get3A_10 = vector.load %arg2[%get3A_9] : memref<256xf32, #tpu.memory_space<vmem>>, vector<256xf32>
    %broadcast_in_dim3A = vector.shape_cast %get3A_10 : vector<256xf32> to vector<1x256xf32>
    %add3A = vector.broadcast %broadcast_in_dim3A : vector<1x256xf32> to vector<10000x256xf32>
    %add3A_11 = arith.addf %dot_general3A_8, %add3A : vector<10000x256xf32>
    %slice3A_12 = vector.extract_strided_slice %dot_general3A_5 {offsets = [0, 0], sizes = [10000, 128], strides = [1, 1]} : vector<10000x256xf32> to vector<10000x128xf32>
    %convert_element_type3A = arith.truncf %slice3A_12 : vector<10000x128xf32> to vector<10000x128xbf16>
    %convert_element_type3A_13 = arith.extf %convert_element_type3A : vector<10000x128xbf16> to vector<10000x128xf32>
    %bitcast_convert_type3A = tpu.bitcast %convert_element_type3A_13 : vector<10000x128xf32> -> vector<10000x128xi32>
    %slice3A_14 = vector.extract_strided_slice %dot_general3A_5 {offsets = [0, 128], sizes = [10000, 128], strides = [1, 1]} : vector<10000x256xf32> to vector<10000x128xf32>
    %convert_element_type3A_15 = arith.truncf %slice3A_14 : vector<10000x128xf32> to vector<10000x128xbf16>
    %convert_element_type3A_16 = arith.extf %convert_element_type3A_15 : vector<10000x128xbf16> to vector<10000x128xf32>
    %bitcast_convert_type3A_17 = tpu.bitcast %convert_element_type3A_16 : vector<10000x128xf32> -> vector<10000x128xi32>
    %shift_right_logical3A = arith.constant 16 : i32
    %shift_right_logical3A_18 = vector.broadcast %shift_right_logical3A : i32 to vector<10000x128xi32>
    %shift_right_logical3A_19 = arith.shrui %bitcast_convert_type3A, %shift_right_logical3A_18 : vector<10000x128xi32>
    %and3A = arith.constant -65536 : i32
    %and3A_20 = vector.broadcast %and3A : i32 to vector<10000x128xi32>
    %and3A_21 = arith.andi %bitcast_convert_type3A_17, %and3A_20 : vector<10000x128xi32>
    %or3A = arith.ori %shift_right_logical3A_19, %and3A_21 : vector<10000x128xi32>
    %bitcast_convert_type3A_22 = tpu.bitcast %or3A : vector<10000x128xi32> -> vector<10000x128xi32>
    %swap3A = arith.constant 0 : index
    %swap3A_23 = arith.constant 0 : index
    %swap3A_24 = vector.load %arg5[%swap3A, %swap3A_23] : memref<10000x128xi32, #tpu.memory_space<vmem>>, vector<10000x128xi32>
    tpu.vector_store %arg5[%swap3A, %swap3A_23], %bitcast_convert_type3A_22 {strides = array<i32>} : memref<10000x128xi32, #tpu.memory_space<vmem>>, vector<10000x128xi32>,
    %slice3A_25 = vector.extract_strided_slice %add3A_11 {offsets = [0, 0], sizes = [10000, 128], strides = [1, 1]} : vector<10000x256xf32> to vector<10000x128xf32>
    %convert_element_type3A_26 = arith.truncf %slice3A_25 : vector<10000x128xf32> to vector<10000x128xbf16>
    %convert_element_type3A_27 = arith.extf %convert_element_type3A_26 : vector<10000x128xbf16> to vector<10000x128xf32>
    %bitcast_convert_type3A_28 = tpu.bitcast %convert_element_type3A_27 : vector<10000x128xf32> -> vector<10000x128xi32>
    %slice3A_29 = vector.extract_strided_slice %add3A_11 {offsets = [0, 128], sizes = [10000, 128], strides = [1, 1]} : vector<10000x256xf32> to vector<10000x128xf32>
    %convert_element_type3A_30 = arith.truncf %slice3A_29 : vector<10000x128xf32> to vector<10000x128xbf16>
    %convert_element_type3A_31 = arith.extf %convert_element_type3A_30 : vector<10000x128xbf16> to vector<10000x128xf32>
    %bitcast_convert_type3A_32 = tpu.bitcast %convert_element_type3A_31 : vector<10000x128xf32> -> vector<10000x128xi32>
    %shift_right_logical3A_33 = arith.constant 16 : i32
    %shift_right_logical3A_34 = vector.broadcast %shift_right_logical3A_33 : i32 to vector<10000x128xi32>
    %shift_right_logical3A_35 = arith.shrui %bitcast_convert_type3A_28, %shift_right_logical3A_34 : vector<10000x128xi32>
    %and3A_36 = arith.constant -65536 : i32
    %and3A_37 = vector.broadcast %and3A_36 : i32 to vector<10000x128xi32>
    %and3A_38 = arith.andi %bitcast_convert_type3A_32, %and3A_37 : vector<10000x128xi32>
    %or3A_39 = arith.ori %shift_right_logical3A_35, %and3A_38 : vector<10000x128xi32>
    %bitcast_convert_type3A_40 = tpu.bitcast %or3A_39 : vector<10000x128xi32> -> vector<10000x128xi32>
    %swap3A_41 = arith.constant 0 : index
    %swap3A_42 = arith.constant 0 : index
    %swap3A_43 = vector.load %arg6[%swap3A_41, %swap3A_42] : memref<10000x128xi32, #tpu.memory_space<vmem>>, vector<10000x128xi32>
    tpu.vector_store %arg6[%swap3A_41, %swap3A_42], %bitcast_convert_type3A_40 {strides = array<i32>} : memref<10000x128xi32, #tpu.memory_space<vmem>>, vector<10000x128xi32>,
    %iota3A = tpu.iota {dimensions = array<i32: 0>} : vector<64x10000xi32>
    %get3A_44 = arith.constant 0 : index
    %get3A_45 = vector.load %arg4[%get3A_44] : memref<10000xi32, #tpu.memory_space<vmem>>, vector<10000xi32>
    %broadcast_in_dim3A_46 = vector.shape_cast %get3A_45 : vector<10000xi32> to vector<1x10000xi32>
    %eq3A = vector.broadcast %broadcast_in_dim3A_46 : vector<1x10000xi32> to vector<64x10000xi32>
    %eq3A_47 = arith.cmpi eq, %iota3A, %eq3A : vector<64x10000xi32>
    %convert_element_type3A_48 = arith.extui %eq3A_47 : vector<64x10000xi1> to vector<64x10000xi32>
    %convert_element_type3A_49 = arith.sitofp %convert_element_type3A_48 : vector<64x10000xi32> to vector<64x10000xf32>
    %reduce_sum3A = arith.constant dense<0.000000e+00> : vector<64xf32>
    %reduce_sum3A_50 = vector.multi_reduction <add>, %convert_element_type3A_49, %reduce_sum3A [1] : vector<64x10000xf32> to vector<64xf32>
    %broadcast_in_dim3A_51 = vector.shape_cast %reduce_sum3A_50 : vector<64xf32> to vector<64x1xf32>
    %swap3A_52 = arith.constant 0 : index
    %swap3A_53 = arith.constant 0 : index
    %swap3A_54 = vector.load %arg8[%swap3A_52, %swap3A_53] : memref<64x1xf32, #tpu.memory_space<vmem>>, vector<64x1xf32>
    tpu.vector_store %arg8[%swap3A_52, %swap3A_53], %broadcast_in_dim3A_51 {strides = array<i32>} : memref<64x1xf32, #tpu.memory_space<vmem>>, vector<64x1xf32>,
    %dot_general3A_55 = arith.constant dense<0.000000e+00> : vector<64x128xf32>
    %dot_general3A_56 = tpu.matmul %convert_element_type3A_49, %get3A_1, %dot_general3A_55 {dimension_numbers = #tpu.dot_dimension_numbers<[1], [0], [0], [1], [0, 0, 1, 1], [], []>, transpose_lhs_hint = false} : vector<64x10000xf32>, vector<10000x128xf32>, vector<64x128xf32> -> vector<64x128xf32>
    %get3A_57 = arith.constant 0 : index
    %get3A_58 = arith.constant 0 : index
    %get3A_59 = vector.load %arg3[%get3A_57, %get3A_58] : memref<256x1xf32, #tpu.memory_space<vmem>>, vector<256x1xf32>
    %slice3A_60 = vector.extract_strided_slice %get3A_59 {offsets = [0, 0], sizes = [128, 1], strides = [1, 1]} : vector<256x1xf32> to vector<128x1xf32>
    %dot_general3A_61 = arith.constant dense<0.000000e+00> : vector<64x1xf32>
    %dot_general3A_62 = tpu.matmul %dot_general3A_56, %slice3A_60, %dot_general3A_61 {dimension_numbers = #tpu.dot_dimension_numbers<[1], [0], [0], [1], [0, 0, 1, 1], [], []>, transpose_lhs_hint = false} : vector<64x128xf32>, vector<128x1xf32>, vector<64x1xf32> -> vector<64x1xf32>
    %swap3A_63 = arith.constant 0 : index
    %swap3A_64 = arith.constant 0 : index
    %swap3A_65 = vector.load %arg7[%swap3A_63, %swap3A_64] : memref<64x1xf32, #tpu.memory_space<vmem>>, vector<64x1xf32>
    tpu.vector_store %arg7[%swap3A_63, %swap3A_64], %dot_general3A_62 {strides = array<i32>} : memref<64x1xf32, #tpu.memory_space<vmem>>, vector<64x1xf32>,
    return
  }
}

module attributes {stable_mosaic.version = 14 : i64} {
  func.func @tc_mlp(%arg0: i32, %arg1: memref<5000x128xi32, #tpu.memory_space<vmem>>, %arg2: memref<5000x128xi32, #tpu.memory_space<vmem>>, %arg3: memref<256x256xbf16, #tpu.memory_space<vmem>>, %arg4: memref<256xf32, #tpu.memory_space<vmem>>, %arg5: memref<256x128xbf16, #tpu.memory_space<vmem>>, %arg6: memref<1x256xf32, #tpu.memory_space<vmem>>, %arg7: memref<1x1x5000xf32, #tpu.memory_space<vmem>>) attributes {dimension_semantics = [#tpu.dimension_semantics<arbitrary>], iteration_bounds = array<i64: 64>, scalar_prefetch = 0 : i64, scratch_operands = 0 : i64, tpu.core_type = #tpu.core_type<tc>, window_params = [{transform_indices = @transform_0, window_bounds = array<i64: 5000, 128>}, {transform_indices = @transform_1, window_bounds = array<i64: 5000, 128>}, {pipeline_mode = #tpu.pipeline_mode<synchronous>, transform_indices = @transform_2, window_bounds = array<i64: 256, 256>}, {pipeline_mode = #tpu.pipeline_mode<synchronous>, transform_indices = @transform_3, window_bounds = array<i64: 256>}, {pipeline_mode = #tpu.pipeline_mode<synchronous>, transform_indices = @transform_4, window_bounds = array<i64: 256, 128>}, {pipeline_mode = #tpu.pipeline_mode<synchronous>, transform_indices = @transform_5, window_bounds = array<i64: 1, 256>}, {transform_indices = @transform_6, window_bounds = array<i64: 1, 1, 5000>}]} {
    %get3A = arith.constant 0 : index
    %get3A_0 = arith.constant 0 : index
    %get3A_1 = vector.load %arg1[%get3A, %get3A_0] : memref<5000x128xi32, #tpu.memory_space<vmem>>, vector<5000x128xi32>
    %bitcast_convert_type3A = tpu.bitcast %get3A_1 : vector<5000x128xi32> -> vector<5000x128xi32>
    %shift_left3A = arith.constant 16 : i32
    %shift_left3A_2 = vector.broadcast %shift_left3A : i32 to vector<5000x128xi32>
    %shift_left3A_3 = arith.shli %bitcast_convert_type3A, %shift_left3A_2 : vector<5000x128xi32>
    %bitcast_convert_type3A_4 = tpu.bitcast %shift_left3A_3 : vector<5000x128xi32> -> vector<5000x128xf32>
    %and3A = arith.constant -65536 : i32
    %and3A_5 = vector.broadcast %and3A : i32 to vector<5000x128xi32>
    %and3A_6 = arith.andi %bitcast_convert_type3A, %and3A_5 : vector<5000x128xi32>
    %bitcast_convert_type3A_7 = tpu.bitcast %and3A_6 : vector<5000x128xi32> -> vector<5000x128xf32>
    %get3A_8 = arith.constant 0 : index
    %get3A_9 = arith.constant 0 : index
    %get3A_10 = vector.load %arg2[%get3A_8, %get3A_9] : memref<5000x128xi32, #tpu.memory_space<vmem>>, vector<5000x128xi32>
    %bitcast_convert_type3A_11 = tpu.bitcast %get3A_10 : vector<5000x128xi32> -> vector<5000x128xi32>
    %shift_left3A_12 = arith.constant 16 : i32
    %shift_left3A_13 = vector.broadcast %shift_left3A_12 : i32 to vector<5000x128xi32>
    %shift_left3A_14 = arith.shli %bitcast_convert_type3A_11, %shift_left3A_13 : vector<5000x128xi32>
    %bitcast_convert_type3A_15 = tpu.bitcast %shift_left3A_14 : vector<5000x128xi32> -> vector<5000x128xf32>
    %and3A_16 = arith.constant -65536 : i32
    %and3A_17 = vector.broadcast %and3A_16 : i32 to vector<5000x128xi32>
    %and3A_18 = arith.andi %bitcast_convert_type3A_11, %and3A_17 : vector<5000x128xi32>
    %bitcast_convert_type3A_19 = tpu.bitcast %and3A_18 : vector<5000x128xi32> -> vector<5000x128xf32>
    %add3A = arith.addf %bitcast_convert_type3A_4, %bitcast_convert_type3A_15 : vector<5000x128xf32>
    %tanh3A = math.tanh %add3A : vector<5000x128xf32>
    %convert_element_type3A = arith.truncf %tanh3A : vector<5000x128xf32> to vector<5000x128xbf16>
    %add3A_20 = arith.addf %bitcast_convert_type3A_7, %bitcast_convert_type3A_19 : vector<5000x128xf32>
    %tanh3A_21 = math.tanh %add3A_20 : vector<5000x128xf32>
    %convert_element_type3A_22 = arith.truncf %tanh3A_21 : vector<5000x128xf32> to vector<5000x128xbf16>
    %get3A_23 = arith.constant 0 : index
    %get3A_24 = arith.constant 0 : index
    %get3A_25 = vector.load %arg3[%get3A_23, %get3A_24] : memref<256x256xbf16, #tpu.memory_space<vmem>>, vector<256x256xbf16>
    %slice3A = vector.extract_strided_slice %get3A_25 {offsets = [0, 0], sizes = [128, 256], strides = [1, 1]} : vector<256x256xbf16> to vector<128x256xbf16>
    %dot_general3A = arith.constant dense<0.000000e+00> : vector<5000x256xf32>
    %dot_general3A_26 = tpu.matmul %convert_element_type3A, %slice3A, %dot_general3A {dimension_numbers = #tpu.dot_dimension_numbers<[1], [0], [0], [1], [0, 0, 1, 1], [], []>, transpose_lhs_hint = false} : vector<5000x128xbf16>, vector<128x256xbf16>, vector<5000x256xf32> -> vector<5000x256xf32>
    %slice3A_27 = vector.extract_strided_slice %get3A_25 {offsets = [128, 0], sizes = [128, 256], strides = [1, 1]} : vector<256x256xbf16> to vector<128x256xbf16>
    %dot_general3A_28 = arith.constant dense<0.000000e+00> : vector<5000x256xf32>
    %dot_general3A_29 = tpu.matmul %convert_element_type3A_22, %slice3A_27, %dot_general3A_28 {dimension_numbers = #tpu.dot_dimension_numbers<[1], [0], [0], [1], [0, 0, 1, 1], [], []>, transpose_lhs_hint = false} : vector<5000x128xbf16>, vector<128x256xbf16>, vector<5000x256xf32> -> vector<5000x256xf32>
    %add3A_30 = arith.addf %dot_general3A_26, %dot_general3A_29 : vector<5000x256xf32>
    %get3A_31 = arith.constant 0 : index
    %get3A_32 = vector.load %arg4[%get3A_31] : memref<256xf32, #tpu.memory_space<vmem>>, vector<256xf32>
    %broadcast_in_dim3A = vector.shape_cast %get3A_32 : vector<256xf32> to vector<1x256xf32>
    %add3A_33 = vector.broadcast %broadcast_in_dim3A : vector<1x256xf32> to vector<5000x256xf32>
    %add3A_34 = arith.addf %add3A_30, %add3A_33 : vector<5000x256xf32>
    %tanh3A_35 = math.tanh %add3A_34 : vector<5000x256xf32>
    %convert_element_type3A_36 = arith.truncf %tanh3A_35 : vector<5000x256xf32> to vector<5000x256xbf16>
    %get3A_37 = arith.constant 0 : index
    %get3A_38 = arith.constant 0 : index
    %get3A_39 = vector.load %arg5[%get3A_37, %get3A_38] : memref<256x128xbf16, #tpu.memory_space<vmem>>, vector<256x128xbf16>
    %dot_general3A_40 = arith.constant dense<0.000000e+00> : vector<5000x128xf32>
    %dot_general3A_41 = tpu.matmul %convert_element_type3A_36, %get3A_39, %dot_general3A_40 {dimension_numbers = #tpu.dot_dimension_numbers<[1], [0], [0], [1], [0, 0, 1, 1], [], []>, transpose_lhs_hint = false} : vector<5000x256xbf16>, vector<256x128xbf16>, vector<5000x128xf32> -> vector<5000x128xf32>
    %tanh3A_42 = math.tanh %dot_general3A_41 : vector<5000x128xf32>
    %get3A_43 = arith.constant 0 : index
    %get3A_44 = arith.constant 0 : index
    %get3A_45 = vector.load %arg6[%get3A_43, %get3A_44] : memref<1x256xf32, #tpu.memory_space<vmem>>, vector<1x256xf32>
    %slice3A_46 = vector.extract_strided_slice %get3A_45 {offsets = [0, 128], sizes = [1, 128], strides = [1, 1]} : vector<1x256xf32> to vector<1x128xf32>
    %dot_general3A_47 = arith.constant dense<0.000000e+00> : vector<1x5000xf32>
    %dot_general3A_48 = tpu.matmul %slice3A_46, %tanh3A_42, %dot_general3A_47 {dimension_numbers = #tpu.dot_dimension_numbers<[1], [1], [0], [0], [0, 0, 1, 0], [], []>, transpose_lhs_hint = false} : vector<1x128xf32>, vector<5000x128xf32>, vector<1x5000xf32> -> vector<1x5000xf32>
    %reshape3A = vector.shape_cast %dot_general3A_48 : vector<1x5000xf32> to vector<1x1x5000xf32>
    %swap3A = arith.constant 0 : index
    %swap3A_49 = arith.constant 0 : index
    %swap3A_50 = arith.constant 0 : index
    %swap3A_51 = vector.load %arg7[%swap3A, %swap3A_49, %swap3A_50] : memref<1x1x5000xf32, #tpu.memory_space<vmem>>, vector<1x1x5000xf32>
    tpu.vector_store %arg7[%swap3A, %swap3A_49, %swap3A_50], %reshape3A {strides = array<i32>} : memref<1x1x5000xf32, #tpu.memory_space<vmem>>, vector<1x1x5000xf32>,
    return
  }
  func.func @transform_0(%arg0: i32) -> (i32, i32) {
    %c0_i32 = arith.constant 0 : i32
    %c0_i32_0 = arith.constant 0 : i32
    return %arg0, %c0_i32 : i32, i32
  }
  func.func @transform_1(%arg0: i32) -> (i32, i32) {
    %c0_i32 = arith.constant 0 : i32
    %c0_i32_0 = arith.constant 0 : i32
    return %arg0, %c0_i32 : i32, i32
  }
  func.func @transform_2(%arg0: i32) -> (i32, i32) {
    %c0_i32 = arith.constant 0 : i32
    %c0_i32_0 = arith.constant 0 : i32
    %c0_i32_1 = arith.constant 0 : i32
    return %c0_i32, %c0_i32_0 : i32, i32
  }
  func.func @transform_3(%arg0: i32) -> i32 {
    %c0_i32 = arith.constant 0 : i32
    %c0_i32_0 = arith.constant 0 : i32
    return %c0_i32 : i32
  }
  func.func @transform_4(%arg0: i32) -> (i32, i32) {
    %c0_i32 = arith.constant 0 : i32
    %c0_i32_0 = arith.constant 0 : i32
    %c0_i32_1 = arith.constant 0 : i32
    return %c0_i32, %c0_i32_0 : i32, i32
  }
  func.func @transform_5(%arg0: i32) -> (i32, i32) {
    %c0_i32 = arith.constant 0 : i32
    %c0_i32_0 = arith.constant 0 : i32
    %c0_i32_1 = arith.constant 0 : i32
    return %c0_i32, %c0_i32_0 : i32, i32
  }
  func.func @transform_6(%arg0: i32) -> (i32, i32, i32) {
    %c0_i32 = arith.constant 0 : i32
    %c0_i32_0 = arith.constant 0 : i32
    %c0_i32_1 = arith.constant 0 : i32
    return %arg0, %c0_i32, %c0_i32_0 : i32, i32, i32
  }
}

module attributes {stable_mosaic.version = 14 : i64} {
  func.func @_tc_final_body(%arg0: memref<2x10240xf32, #tpu.memory_space<vmem>>, %arg1: memref<64x1xf32, #tpu.memory_space<vmem>>, %arg2: memref<64x1xf32, #tpu.memory_space<vmem>>, %arg3: memref<10000xi32, #tpu.memory_space<vmem>>, %arg4: memref<1xf32, #tpu.memory_space<vmem>>, %arg5: memref<64x1xf32, #tpu.memory_space<vmem>>) attributes {dimension_semantics = [], scalar_prefetch = 0 : i64, scratch_operands = 0 : i64, tpu.core_type = #tpu.core_type<tc>} {
    %get3A = arith.constant 0 : index
    %get3A_0 = arith.constant 0 : index
    %get3A_1 = vector.load %arg0[%get3A, %get3A_0] : memref<2x10240xf32, #tpu.memory_space<vmem>>, vector<2x10000xf32>
    %reduce_sum3A = arith.constant dense<0.000000e+00> : vector<10000xf32>
    %reduce_sum3A_2 = vector.multi_reduction <add>, %get3A_1, %reduce_sum3A [0] : vector<2x10000xf32> to vector<10000xf32>
    %broadcast_in_dim3A = vector.shape_cast %reduce_sum3A_2 : vector<10000xf32> to vector<1x10000xf32>
    %iota3A = tpu.iota {dimensions = array<i32: 0>} : vector<64x10000xi32>
    %get3A_3 = arith.constant 0 : index
    %get3A_4 = vector.load %arg3[%get3A_3] : memref<10000xi32, #tpu.memory_space<vmem>>, vector<10000xi32>
    %broadcast_in_dim3A_5 = vector.shape_cast %get3A_4 : vector<10000xi32> to vector<1x10000xi32>
    %eq3A = vector.broadcast %broadcast_in_dim3A_5 : vector<1x10000xi32> to vector<64x10000xi32>
    %eq3A_6 = arith.cmpi eq, %iota3A, %eq3A : vector<64x10000xi32>
    %convert_element_type3A = arith.extui %eq3A_6 : vector<64x10000xi1> to vector<64x10000xi32>
    %convert_element_type3A_7 = arith.sitofp %convert_element_type3A : vector<64x10000xi32> to vector<64x10000xf32>
    %mul3A = vector.broadcast %broadcast_in_dim3A : vector<1x10000xf32> to vector<64x10000xf32>
    %mul3A_8 = arith.mulf %convert_element_type3A_7, %mul3A : vector<64x10000xf32>
    %reduce_sum3A_9 = arith.constant dense<0.000000e+00> : vector<64xf32>
    %reduce_sum3A_10 = vector.multi_reduction <add>, %mul3A_8, %reduce_sum3A_9 [1] : vector<64x10000xf32> to vector<64xf32>
    %broadcast_in_dim3A_11 = vector.shape_cast %reduce_sum3A_10 : vector<64xf32> to vector<64x1xf32>
    %get3A_12 = arith.constant 0 : index
    %get3A_13 = arith.constant 0 : index
    %get3A_14 = vector.load %arg2[%get3A_12, %get3A_13] : memref<64x1xf32, #tpu.memory_space<vmem>>, vector<64x1xf32>
    %get3A_15 = arith.constant 0 : index
    %get3A_16 = arith.constant 0 : index
    %get3A_17 = vector.load %arg1[%get3A_15, %get3A_16] : memref<64x1xf32, #tpu.memory_space<vmem>>, vector<64x1xf32>
    %add3A = arith.addf %get3A_17, %broadcast_in_dim3A_11 : vector<64x1xf32>
    %get3A_18 = arith.constant 0 : index
    %get3A_19 = vector.load %arg4[%get3A_18] : memref<1xf32, #tpu.memory_space<vmem>>, vector<1xf32>
    %broadcast_in_dim3A_20 = vector.shape_cast %get3A_19 : vector<1xf32> to vector<1x1xf32>
    %mul3A_21 = vector.broadcast %broadcast_in_dim3A_20 : vector<1x1xf32> to vector<64x1xf32>
    %mul3A_22 = arith.mulf %mul3A_21, %get3A_14 : vector<64x1xf32>
    %add3A_23 = arith.addf %add3A, %mul3A_22 : vector<64x1xf32>
    %max3A = arith.constant 1.000000e+00 : f32
    %max3A_24 = vector.broadcast %max3A : f32 to vector<64x1xf32>
    %max3A_25 = arith.maximumf %get3A_14, %max3A_24 : vector<64x1xf32>
    %div3A = arith.divf %add3A_23, %max3A_25 : vector<64x1xf32>
    %swap3A = arith.constant 0 : index
    %swap3A_26 = arith.constant 0 : index
    %swap3A_27 = vector.load %arg5[%swap3A, %swap3A_26] : memref<64x1xf32, #tpu.memory_space<vmem>>, vector<64x1xf32>
    tpu.vector_store %arg5[%swap3A, %swap3A_26], %div3A {strides = array<i32>} : memref<64x1xf32, #tpu.memory_space<vmem>>, vector<64x1xf32>,
    return
  }
}

</mosaic_0001>

<sc_bundles>
// kernel: kernel.6.cloned.1.call-start
scs
__scs_entry_jumppad:
0x0: {  	(pc) =	sbr.rel $0x88, $3  }
0x1: {  	(tag) =	ssettag $0x0;
	lr =	simm.s32 $0x1  }
0x2: {  	[smem:$0x3F97] =	sst lr;
	_ =	strace $0xD0000000  }
0x3: {  	_ = 	snop  }
0x4: {  	_ = 	snop  }
0x5: {  	_ = 	snop  }
0x6: {  	_ = 	snop  }
0x7: {  	_ = 	snop  }
__scs_overlays_trampoline_lowered:
0x8: {  	[smem:$0x3FA6] =	sst s0  }
0x9: {  	[smem:$0x3FA7] =	sst s1  }
0xa: {  	[smem:$0x3FA8] =	sst s2  }
0xb: {  	[smem:$0x3FA9] =	sst s3  }
0xc: {  	[smem:$0x3FAA] =	sst s4  }
0xd: {  	[smem:$0x3FAB] =	sst s5  }
0xe: {  	[smem:$0x3FAC] =	sst s6  }
0xf: {  	[smem:$0x3FAD] =	sst s7  }
0x10: {  	[smem:$0x3FAE] =	sst s8  }
0x11: {  	[smem:$0x3FAF] =	sst s9;
	s0 =	simm.s32 @!p0 $0x0  }
0x12: {  	s1 =	sld [smem:$0x3F95];
	s0 =	simm.s32 @p0 $0x1  }
0x13: {  	[smem:$0x3FB0] =	sst s0;
	s0 =	simm.s32 @!p1 $0x0  }
0x14: {  	s2 =	sld [smem:$0x3F94];
	s0 =	simm.s32 @p1 $0x1  }
0x15: {  	[smem:$0x3FB1] =	sst s0;
	s0 =	simm.s32 @!p2 $0x0  }
0x16: {  	s3 =	sld [smem:$0x3FDB];
	s0 =	simm.s32 @p2 $0x1  }
0x17: {  	s4 =	simm.s32 $0x1BF5;
	[smem:$0x3FB3] =	sst s0  }
0x18: {  	s0 =	sld [smem:$0x3F96];
	_ =	swait.ge [sflag:s4], $0x0  }
0x19: {  	s7 =	sld [smem:$0x3F97]  }
0x1a: {  	s8 =	sadd.s32 $0xFFFFE003, lr  }
0x1b: {  	s9 =	sadd.s32 $0xFFFFFEF7, lr;
	s5 =	simm.s32 $0xFFFFFFFF;
	p2 =	slt.u32 s8, $0xFFFFF086  }
0x1c: {  	p1 =	slt.u32 s9, $0xF7A;
	s5 =	simm.s32 @!p2 $0x0  }
0x1d: {  	s5 =	simm.s32 @p1 $0x1;
	p0 =	seq.s32 s7, s2  }
0x1e: {  	s7 =	smul.u32 @!p0 $0xF7A, s2;
	p2 =	seq.s32 @!p0 s5, $0x0  }
0x1f: {  	s9 =	smul.u32 $0xF7A, s1;
	s8 =	simm.s32 @!p0 $0x1BF5;
	p2 =	por !p2, p0  }
0x20: {  	[sflag:s8] =	ssyncset.s32 @!p0 $0xFFFFF086;
	s6 =	sadd.s32 @!p0 s3, s7;
	s7 =	simm.s32 @!p0 $0x108  }
0x21: {  	s3 =	sadd.s32 s3, s9;
	s6 =	sadd.s32 @!p0 $0x88, s6;
	s7 =	simm.s32 @p2 $0x1082  }
0x22: {  	[simem:s7], [sflag:s8] =	dma.local @!p0 [hbm:s6], $0xF7A  }
0x23: {  	s9 =	sor.u32 $0xD0000000, s2;
	s6 =	simm.s32 $0x108;
	_ =	swait.ge @!p0 [sflag:s8], $0x0  }
0x24: {  	s3 =	sadd.s32 $0x88, s3;
	s6 =	simm.s32 @!p1 $0x1082;
	[sflag:s4] =	ssyncset.s32 $0xFFFFF086  }
0x25: {  	[simem:s6], [sflag:s4] =	dma.local [hbm:s3], $0xF7A  }
0x26: {  	[smem:$0x3F97] =	sst s1;
	(tag) =	ssettag s2;
	_ =	strace s9  }
0x27: {  	s1 =	sld [smem:$0x3FA7]  }
0x28: {  	s2 =	sld [smem:$0x3FA8]  }
0x29: {  	s4 =	sld [smem:$0x3FAA]  }
0x2a: {  	p0 =	seq.s32 s5, $0x0;
	s5 =	sld [smem:$0x3FAB]  }
0x2b: {  	s6 =	sld [smem:$0x3FAC]  }
0x2c: {  	s7 =	sld [smem:$0x3FAD]  }
0x2d: {  	s3 =	simm.s32 $0x108;
	s8 =	sld [smem:$0x3FAE]  }
0x2e: {  	s3 =	simm.s32 @!p0 $0x1082;
	s9 =	sld [smem:$0x3FAF]  }
0x2f: {  	lr =	sadd.s32 s0, s3;
	s0 =	sld [smem:$0x3FA6]  }
0x30: {  	s3 =	sld [smem:$0x3FA9]  }
0x31: {  	[smem:$0x3FB2] =	sst s10  }
0x32: {  	s10 =	sld [smem:$0x3FB0];
	_ =	sdelay $0x3  }
0x33: {  	p0 =	seq.s32 s10, $0x1;
	s10 =	sld [smem:$0x3FB2];
	_ =	sdelay $0x3  }
0x34: {  	[smem:$0x3FB2] =	sst s10  }
0x35: {  	s10 =	sld [smem:$0x3FB1];
	_ =	sdelay $0x3  }
0x36: {  	p1 =	seq.s32 s10, $0x1;
	s10 =	sld [smem:$0x3FB2];
	_ =	sdelay $0x3  }
0x37: {  	[smem:$0x3FB2] =	sst s10  }
0x38: {  	s10 =	sld [smem:$0x3FB3]  }
0x39: {  	_ = 	snop;
	(pc) =	sbr.ind lr, $3  }
0x3a: {  	_ = 	snop  }
0x3b: {  	_ = 	snop  }
0x3c: {  	p2 =	seq.s32 s10, $0x1;
	s10 =	sld [smem:$0x3FB2]  }
0x3d: {  	_ =	shalt  }
0x3e: {  	_ =	shalt  }
0x3f: {  	_ =	shalt  }
0x40: {  	_ =	shalt  }
0x41: {  	_ =	shalt  }
0x42: {  	_ =	shalt  }
0x43: {  	_ =	shalt  }
0x44: {  	_ =	shalt  }
0x45: {  	_ =	shalt  }
0x46: {  	_ =	shalt  }
0x47: {  	_ =	shalt  }
0x48: {  	_ =	shalt  }
0x49: {  	_ =	shalt  }
0x4a: {  	_ =	shalt  }
0x4b: {  	_ =	shalt  }
0x4c: {  	_ =	shalt  }
0x4d: {  	_ =	shalt  }
0x4e: {  	_ =	shalt  }
0x4f: {  	_ =	shalt  }
0x50: {  	_ =	shalt  }
0x51: {  	_ =	shalt  }
0x52: {  	_ =	shalt  }
0x53: {  	_ =	shalt  }
0x54: {  	_ =	shalt  }
0x55: {  	_ =	shalt  }
0x56: {  	_ =	shalt  }
0x57: {  	_ =	shalt  }
0x58: {  	_ =	shalt  }
0x59: {  	_ =	shalt  }
0x5a: {  	_ =	shalt  }
0x5b: {  	_ =	shalt  }
0x5c: {  	_ =	shalt  }
0x5d: {  	_ =	shalt  }
0x5e: {  	_ =	shalt  }
0x5f: {  	_ =	shalt  }
0x60: {  	_ =	shalt  }
0x61: {  	_ =	shalt  }
0x62: {  	_ =	shalt  }
0x63: {  	_ =	shalt  }
0x64: {  	_ =	shalt  }
0x65: {  	_ =	shalt  }
0x66: {  	_ =	shalt  }
0x67: {  	_ =	shalt  }
0x68: {  	_ =	shalt  }
0x69: {  	_ =	shalt  }
0x6a: {  	_ =	shalt  }
0x6b: {  	_ =	shalt  }
0x6c: {  	_ =	shalt  }
0x6d: {  	_ =	shalt  }
0x6e: {  	_ =	shalt  }
0x6f: {  	_ =	shalt  }
0x70: {  	_ =	shalt  }
0x71: {  	_ =	shalt  }
0x72: {  	_ =	shalt  }
0x73: {  	_ =	shalt  }
0x74: {  	_ =	shalt  }
0x75: {  	_ =	shalt  }
0x76: {  	_ =	shalt  }
0x77: {  	_ =	shalt  }
0x78: {  	_ =	shalt  }
0x79: {  	_ =	shalt  }
0x7a: {  	_ =	shalt  }
0x7b: {  	_ =	shalt  }
0x7c: {  	_ =	shalt  }
0x7d: {  	_ =	shalt  }
0x7e: {  	_ =	shalt  }
0x7f: {  	_ =	shalt  }
0x80: {  	_ =	shalt  }
0x81: {  	_ =	shalt  }
0x82: {  	_ =	shalt  }
0x83: {  	_ =	shalt  }
0x84: {  	_ =	shalt  }
0x85: {  	_ =	shalt  }
0x86: {  	_ =	shalt  }
0x87: {  	_ =	shalt  }
.Lfunc_end0:
.L_simem_size_0:
called_computation_lowered:
.L_overlay_start_0:
0x88: {  	s2 =	sld [smem:$0x3FD9]  }
0x89: {  	s3 =	sld [smem:$0x3FFE];
	_ =	sdelay $0x1  }
0x8a: {  	s1 =	srdreg.scid  }
0x8b: {  	s0 =	sand.u32 $0x1, s1  }
0x8c: {  	s16 =	sshll.u32 s0, $0xA;
	s2 =	sadd.s32 s3, s2  }
0x8d: {  	s2 =	sadd.s32 s2, s16  }
0x8e: {  	[smem:$0x3FBE] =	sst s2  }
0x8f: {  	_ = 	snop  }
0x90: {  	(tm) =	ssettm $0x1  }
0x91: {  	s17 =	sld [smem:$0x3FFB];
	_ =	sdelay $0x3  }
0x92: {  	_ =	strace s17  }
0x93: {  	s2 =	sld [smem:$0x3FFC];
	_ =	sdelay $0x3  }
0x94: {  	_ =	strace s2  }
0x95: {  	s2 =	sld [smem:$0x3FFD];
	_ =	sdelay $0x3  }
0x96: {  	_ =	strace s2  }
0x97: {  	_ =	strace $0x8FFFFFFF  }
0x98: {  	s18 =	sld [smem:$0x3FDB];
	_ =	sdelay $0x1  }
0x99: {  	s19 =	simm.s32 $_scs_section_size  }
0x9a: {  	s4 =	simm.s32 $_size__tile_overlayer_lowered;
	s5 =	simm.s32 $_tile_overlayer_lowered  }
0x9b: {  	s22 =	simm.s32 $0x1BFF;
	s21 =	sshll.u32 s5, $0x1;
	s2 =	sadd.s32 s19, s18  }
0x9c: {  	s6 =	simm.s32 $0x0;
	s20 =	sshll.u32 s4, $0x1;
	s4 =	sadd.s32 s21, s2  }
0x9d: {  	[timem:s6], [sflag:s22] =	dma.local [hbm:s4], s20  }
0x9e: {  	_ =	swait.ge [sflag:s22], s20  }
0x9f: {  	s3 =	ssub.s32 $0x0, s20;
	[sflag:s22] =	ssyncset.done $0x0  }
0xa0: {  	[sflag:s22] =	ssyncadd.s32 s3;
	_ =	sdelay $0x1  }
0xa1: {  	s23 =	simm.s32 $0x1B8B  }
0xa2: {  	_ =	swait.ge [sflag:s23], $0x1  }
0xa3: {  	[sflag:s23] =	ssyncset.done $0x0  }
0xa4: {  	s25 =	simm.s32 $0x1B8E;
	s24 =	sld [smem:$0x3FFE];
	[sflag:s23] =	ssyncadd.s32 $0xFFFFFFFF  }
0xa5: {  	s26 =	simm.s32 $execute0_lowered;
	[smem:$0x3FD2] =	sst s25  }
0xa6: {  	s4 =	sshll.u32 s26, $0x1;
	_ =	strace $0x80000046;
	[dreg:$0x1] =	wrdreg $0xFFFFFFFF  }
0xa7: {  	s28 =	simm.s32 $_size_execute0_lowered;
	s2 =	sadd.s32 s2, s4;
	[dreg:$0x0] =	wrdreg $0x0  }
0xa8: {  	s4 =	sshll.u32 s28, $0x1;
	[dreg:$0x2] =	wrdreg s2  }
0xa9: {  	[dreg:$0x3] =	wrdreg s4  }
0xaa: {  	[dreg:$0x4] =	wrdreg $0xC0  }
0xab: {  	_ =	task [dreg:s6], $0x5FFFF  }
0xac: {  	[dreg:$0x1] =	wrdreg $0xFFFFFFFF  }
0xad: {  	[dreg:$0x0] =	wrdreg $0x60  }
0xae: {  	[dreg:$0x2] =	wrdreg s24  }
0xaf: {  	[dreg:$0x3] =	wrdreg $0x9  }
0xb0: {  	_ =	task.clear_ibuf [dreg:s6], $0x4FFFF;
	_ =	strace $0x90000046  }
0xb1: {  	s29 =	simm.s32 $0x9;
	_ =	strace $0x80000048  }
0xb2: {  	_ =	swait.ge [sflag:s29], $0x1  }
0xb3: {  	[sflag:s29] =	ssyncadd.s32 $0xFFFFFFFF  }
0xb4: {  	_ =	strace $0x90000048  }
0xb5: {  	_ =	sfence  }
0xb6: {  	s30 =	sld [smem:$0x0];
	_ =	sdelay $0x2  }
0xb7: {  	s31 =	sshll.u32 s1, $0xD;
	s1 =	sshrl.u32 s1, $0x2  }
0xb8: {  	s3 =	sand.u32 $0x4000, s31;
	s1 =	sadd.s32 s1, s30  }
0xb9: {  	s0 =	sor.u32 s3, s0;
	s1 =	sshll.u32 s1, $0x11  }
0xba: {  	s0 =	sor.u32 s1, s0  }
0xbb: {  	s0 =	sadd.s32 $0x8F2B, s0  }
0xbc: {  	[sflag:s0] =	ssyncadd.remote.s32 $0x1  }
0xbd: {  	_ =	sfence.sel $0xFFFF  }
0xbe: {  	[dreg:$0x0] =	wrdreg $0xFFFFFFFF;
	(pc) =	sbr.abs _section_cstart, $3  }
0xbf: {  	[dreg:$0x1] =	wrdreg $0xFFFFFFFF  }
0xc0: {  	_ =	task.clear_ibuf [dreg:s6], $0x2FFFF;
	_ =	strace $0x9FFFFFFF  }
0xc1: {  	(tm) =	ssettm $0x7FFFFFFF  }
tec
execute0_lowered:
.L_overlay_start_1:
0x0: {  	(tag) =	ssettag $0x1  }
0x1: {  	s0 =	rddreg [dreg:$0x0];
	s1 =	simm.s32 $0x0  }
0x2: {  	s2 =	srdreg.scid;
	s7 =	stileid.u32;
	s9 =	simm.s32 $0x6  }
0x3: {  	s10 =	simm.s32 $0x50;
	s12 =	simm.s32 $0x4500;
	s14 =	simm.s32 $0x10D00  }
0x4: {  	s16 =	simm.s32 $0x6D00;
	s18 =	simm.s32 $0x13500;
	s20 =	simm.s32 $0x9500  }
0x5: {  	s22 =	simm.s32 $0x15D00;
	s24 =	simm.s32 $0xBD00;
	s28 =	simm.s32 $0x4200  }
0x6: {  	s29 =	simm.s32 $0xE500;
	s30 =	simm.s32 $0x4480;
	s31 =	simm.s32 $0x1AD00  }
0x7: {  	s11 =	simm.s32 $0x3;
	s13 =	simm.s32 $0x4;
	s15 =	simm.s32 $0x5  }
0x8: {  	[smem:$0x7FF] =	sst s1;
	s3 =	sadd.s32 $0x21C00, s0;
	s4 =	sadd.s32 $0x48E00, s0  }
0x9: {  	s2 =	sand.u32 $0x1, s2;
	s5 =	sshll.u32 s7, $0xC;
	s7 =	smul.u32 $0x4E200, s7  }
0xa: {  	_ =	strace $0x80000047;
	s6 =	sshll.u32 s2, $0xB;
	s8 =	ssub.s32 $0x2, s2  }
0xb: {  	s2 =	smul.u32 $0x27100, s2;
	s5 =	sor.u32 s6, s5;
	s25 =	sshrl.u32 s8, $0x1  }
.Ltmp0:
0xc: {  	s5 =	sadd.s32 s5, s0;
	s6 =	ssub.s32 s8, s25;
	(pc) =	sbr.rel .LBB2_1-.Ltmp0, $4  }
0xd: {  	s0 =	sadd.s32 s7, s0;
	s5 =	sadd.s32 $0x11C00, s5;
	s26 =	smax.u32 s6, $0x1  }
0xe: {  	s0 =	sadd.s32 s2, s0;
	s2 =	simm.s32 $0x2;
	[dreg:$0x2] =	wrdreg s5  }
0xf: {  	s6 =	simm.s32 $0x0;
	[dreg:$0x3] =	wrdreg s26;
	s7 =	sadd.s32 $0x552000, s0  }
0x10: {  	s8 =	sadd.s32 $0x70000, s0;
	s26 =	simm.s32 $0x18500;
	s0 =	simm.s32 $0x1  }
.LBB2_4:
0x11: {  	s6 =	rddreg [dreg:$0x4]  }
0x12: {  	s5 =	rddreg [dreg:$0x3];
	s6 =	sadd.s32 $0x1, s6  }
0x13: {  	p0 =	sne.s32 s6, s5  }
.Ltmp1:
0x14: {  	_ = 	snop;
	(pc) =	sbr.rel @!p0 .LBB2_5-.Ltmp1, $1  }
0x15: {  	_ =	sdelay $0x3  }
.LBB2_1:
0x16: {  	[dreg:$0x4] =	wrdreg s6  }
0x17: {  	s5 =	rddreg [dreg:$0x2]  }
0x18: {  	[tilespmem:s1], [sflag:$0x6] =	stream.linear.gather [hbm4b:s5+s1], $0x3E80, $0x38;
	[tilespmem:$0x1D500] =	vst v63  }
0x19: {  	_ =	swait.ge [sflag:s9], $0x3E80  }
0x1a: {  	[sflag:s9] =	ssyncset.done $0x0  }
0x1b: {  	[sflag:s9] =	ssyncadd.s32 $0xFFFFC180  }
0x1c: {  	v0 =	vld [tilespmem:$0x0];
	_ =	sdelay $0x1  }
0x1d: {  	v1 =	vld [tilespmem:$0x10];
	_ =	sdelay $0x1  }
0x1e: {  	v2 =	vld [tilespmem:$0x20]  }
0x1f: {  	v3 =	vand.u32 $0xFFFF, v0  }
0x20: {  	v58 =	vld [tilespmem:$0x30];
	v0 =	vshrl.u32 v0, $0x10;
	[tilespmem:$0x4000] =	vst v3  }
0x21: {  	v59 =	vand.u32 $0xFFFF, v1;
	[tilespmem:$0x4280] =	vst v0  }
0x22: {  	v61 =	vld [tilespmem:$0x40];
	v60 =	vshrl.u32 v1, $0x10;
	[tilespmem:$0x4010] =	vst v59  }
0x23: {  	v62 =	vand.u32 $0xFFFF, v2;
	[tilespmem:$0x4290] =	vst v60  }
0x24: {  	v63 =	vshrl.u32 v2, $0x10;
	[tilespmem:$0x4020] =	vst v62  }
0x25: {  	v4 =	vand.u32 $0xFFFF, v58;
	[tilespmem:$0x42A0] =	vst v63  }
0x26: {  	v5 =	vshrl.u32 v58, $0x10;
	[tilespmem:$0x4030] =	vst v4  }
0x27: {  	v6 =	vand.u32 $0xFFFF, v61;
	[tilespmem:$0x42B0] =	vst v5  }
0x28: {  	v7 =	vshrl.u32 v61, $0x10;
	[tilespmem:$0x4040] =	vst v6  }
0x29: {  	s23 =	simm.s32 $0x4000;
	[tilespmem:$0x42C0] =	vst v7  }
0x2a: {  	[tilespmem:s12], [sflag:$0x1] =	stream.indirect.gather [hbm4b:s3+s10], $0x80, s23, s10, $0xb8;
	[tilespmem:$0x1D500] =	vst v63  }
0x2b: {  	s25 =	simm.s32 $0x4280  }
0x2c: {  	[tilespmem:s14], [sflag:$0x1] =	stream.indirect.gather [hbm4b:s4+s10], $0x80, s25, s10, $0xb8;
	[tilespmem:$0x1D500] =	vst v63  }
0x2d: {  	v8 =	vld [tilespmem:$0x80];
	_ =	sdelay $0x1  }
0x2e: {  	v9 =	vld [tilespmem:$0x90];
	_ =	sdelay $0x1  }
0x2f: {  	v10 =	vld [tilespmem:$0xA0]  }
0x30: {  	v11 =	vand.u32 $0xFFFF, v8  }
0x31: {  	v12 =	vld [tilespmem:$0xB0];
	v0 =	vshrl.u32 v8, $0x10;
	[tilespmem:$0x4080] =	vst v11  }
0x32: {  	v13 =	vand.u32 $0xFFFF, v9;
	[tilespmem:$0x4300] =	vst v0  }
0x33: {  	v15 =	vld [tilespmem:$0xC0];
	v14 =	vshrl.u32 v9, $0x10;
	[tilespmem:$0x4090] =	vst v13  }
0x34: {  	v16 =	vand.u32 $0xFFFF, v10;
	[tilespmem:$0x4310] =	vst v14  }
0x35: {  	v17 =	vshrl.u32 v10, $0x10;
	[tilespmem:$0x40A0] =	vst v16  }
0x36: {  	v18 =	vand.u32 $0xFFFF, v12;
	[tilespmem:$0x4320] =	vst v17  }
0x37: {  	v19 =	vshrl.u32 v12, $0x10;
	[tilespmem:$0x40B0] =	vst v18  }
0x38: {  	v20 =	vand.u32 $0xFFFF, v15;
	[tilespmem:$0x4330] =	vst v19  }
0x39: {  	v21 =	vshrl.u32 v15, $0x10;
	[tilespmem:$0x40C0] =	vst v20  }
0x3a: {  	s6 =	simm.s32 $0x4080;
	[tilespmem:$0x4340] =	vst v21  }
0x3b: {  	[tilespmem:s16], [sflag:$0x2] =	stream.indirect.gather [hbm4b:s3+s10], $0x80, s6, s10, $0xb8;
	[tilespmem:$0x1D500] =	vst v63  }
0x3c: {  	s17 =	simm.s32 $0x4300  }
0x3d: {  	[tilespmem:s18], [sflag:$0x2] =	stream.indirect.gather [hbm4b:s4+s10], $0x80, s17, s10, $0xb8;
	[tilespmem:$0x1D500] =	vst v63  }
0x3e: {  	v22 =	vld [tilespmem:$0x100];
	_ =	sdelay $0x1  }
0x3f: {  	v23 =	vld [tilespmem:$0x110];
	_ =	sdelay $0x1  }
0x40: {  	v24 =	vld [tilespmem:$0x120]  }
0x41: {  	v25 =	vand.u32 $0xFFFF, v22  }
0x42: {  	v26 =	vld [tilespmem:$0x130];
	v0 =	vshrl.u32 v22, $0x10;
	[tilespmem:$0x4100] =	vst v25  }
0x43: {  	v27 =	vand.u32 $0xFFFF, v23;
	[tilespmem:$0x4380] =	vst v0  }
0x44: {  	v29 =	vld [tilespmem:$0x140];
	v28 =	vshrl.u32 v23, $0x10;
	[tilespmem:$0x4110] =	vst v27  }
0x45: {  	v30 =	vand.u32 $0xFFFF, v24;
	[tilespmem:$0x4390] =	vst v28  }
0x46: {  	v31 =	vshrl.u32 v24, $0x10;
	[tilespmem:$0x4120] =	vst v30  }
0x47: {  	v32 =	vand.u32 $0xFFFF, v26;
	[tilespmem:$0x43A0] =	vst v31  }
0x48: {  	v33 =	vshrl.u32 v26, $0x10;
	[tilespmem:$0x4130] =	vst v32  }
0x49: {  	v34 =	vand.u32 $0xFFFF, v29;
	[tilespmem:$0x43B0] =	vst v33  }
0x4a: {  	v35 =	vshrl.u32 v29, $0x10;
	[tilespmem:$0x4140] =	vst v34  }
0x4b: {  	s19 =	simm.s32 $0x4100;
	[tilespmem:$0x43C0] =	vst v35  }
0x4c: {  	[tilespmem:s20], [sflag:$0x3] =	stream.indirect.gather [hbm4b:s3+s10], $0x80, s19, s10, $0xb8;
	[tilespmem:$0x1D500] =	vst v63  }
0x4d: {  	s21 =	simm.s32 $0x4380  }
0x4e: {  	[tilespmem:s22], [sflag:$0x3] =	stream.indirect.gather [hbm4b:s4+s10], $0x80, s21, s10, $0xb8;
	[tilespmem:$0x1D500] =	vst v63  }
0x4f: {  	v36 =	vld [tilespmem:$0x180];
	_ =	sdelay $0x1  }
0x50: {  	v37 =	vld [tilespmem:$0x190];
	_ =	sdelay $0x1  }
0x51: {  	v38 =	vld [tilespmem:$0x1A0]  }
0x52: {  	v39 =	vand.u32 $0xFFFF, v36  }
0x53: {  	v40 =	vld [tilespmem:$0x1B0];
	v0 =	vshrl.u32 v36, $0x10;
	[tilespmem:$0x4180] =	vst v39  }
0x54: {  	v41 =	vand.u32 $0xFFFF, v37;
	[tilespmem:$0x4400] =	vst v0  }
0x55: {  	v43 =	vld [tilespmem:$0x1C0];
	v42 =	vshrl.u32 v37, $0x10;
	[tilespmem:$0x4190] =	vst v41  }
0x56: {  	v44 =	vand.u32 $0xFFFF, v38;
	[tilespmem:$0x4410] =	vst v42  }
0x57: {  	v45 =	vshrl.u32 v38, $0x10;
	[tilespmem:$0x41A0] =	vst v44  }
0x58: {  	v46 =	vand.u32 $0xFFFF, v40;
	[tilespmem:$0x4420] =	vst v45  }
0x59: {  	v47 =	vshrl.u32 v40, $0x10;
	[tilespmem:$0x41B0] =	vst v46  }
0x5a: {  	v48 =	vand.u32 $0xFFFF, v43;
	[tilespmem:$0x4430] =	vst v47  }
0x5b: {  	v49 =	vshrl.u32 v43, $0x10;
	[tilespmem:$0x41C0] =	vst v48  }
0x5c: {  	s23 =	simm.s32 $0x4180;
	[tilespmem:$0x4440] =	vst v49  }
0x5d: {  	[tilespmem:s24], [sflag:$0x4] =	stream.indirect.gather [hbm4b:s3+s10], $0x80, s23, s10, $0xb8;
	[tilespmem:$0x1D500] =	vst v63  }
0x5e: {  	s25 =	simm.s32 $0x4400  }
0x5f: {  	[tilespmem:s26], [sflag:$0x4] =	stream.indirect.gather [hbm4b:s4+s10], $0x80, s25, s10, $0xb8;
	[tilespmem:$0x1D500] =	vst v63  }
0x60: {  	v50 =	vld [tilespmem:$0x200];
	_ =	sdelay $0x1  }
0x61: {  	v51 =	vld [tilespmem:$0x210];
	_ =	sdelay $0x1  }
0x62: {  	v52 =	vld [tilespmem:$0x220]  }
0x63: {  	v53 =	vand.u32 $0xFFFF, v50  }
0x64: {  	v54 =	vld [tilespmem:$0x230];
	v0 =	vshrl.u32 v50, $0x10;
	[tilespmem:$0x4200] =	vst v53  }
0x65: {  	v55 =	vand.u32 $0xFFFF, v51;
	[tilespmem:$0x4480] =	vst v0  }
0x66: {  	v57 =	vld [tilespmem:$0x240];
	v56 =	vshrl.u32 v51, $0x10;
	[tilespmem:$0x4210] =	vst v55  }
0x67: {  	v58 =	vand.u32 $0xFFFF, v52;
	[tilespmem:$0x4490] =	vst v56  }
0x68: {  	v59 =	vshrl.u32 v52, $0x10;
	[tilespmem:$0x4220] =	vst v58  }
0x69: {  	v60 =	vand.u32 $0xFFFF, v54;
	[tilespmem:$0x44A0] =	vst v59  }
0x6a: {  	v61 =	vshrl.u32 v54, $0x10;
	[tilespmem:$0x4230] =	vst v60  }
0x6b: {  	v62 =	vand.u32 $0xFFFF, v57;
	[tilespmem:$0x44B0] =	vst v61  }
0x6c: {  	v63 =	vshrl.u32 v57, $0x10;
	[tilespmem:$0x4240] =	vst v62  }
0x6d: {  	[tilespmem:$0x44C0] =	vst v63  }
0x6e: {  	[tilespmem:s29], [sflag:$0x5] =	stream.indirect.gather [hbm4b:s3+s10], $0x80, s28, s10, $0xb8;
	[tilespmem:$0x1D500] =	vst v63  }
0x6f: {  	s19 =	simm.s32 $0x4C0;
	s21 =	simm.s32 $0x0  }
0x70: {  	[tilespmem:s31], [sflag:$0x5] =	stream.indirect.gather [hbm4b:s4+s10], $0x80, s30, s10, $0xb8;
	[tilespmem:$0x1D500] =	vst v63  }
.LBB2_2:
0x71: {  	_ =	swait.ge [sflag:s0], $0x2800  }
0x72: {  	[sflag:s0] =	ssyncset.done $0x0  }
0x73: {  	[sflag:s0] =	ssyncadd.s32 $0xFFFFD800  }
0x74: {  	_ =	swait.ge [sflag:s0], $0x2800  }
0x75: {  	[sflag:s0] =	ssyncset.done $0x0  }
0x76: {  	s23 =	sadd.s32 s21, s8;
	[sflag:s0] =	ssyncadd.s32 $0xFFFFD800  }
0x77: {  	[hbm4b:s23+s1] =	stream.linear.scatter [tilespmem:s12], [sflag:$0x6], $0x2800, $0x38;
	[tilespmem:$0x1D500] =	vst v63  }
0x78: {  	_ =	swait.ge [sflag:s9], $0x2800  }
0x79: {  	[sflag:s9] =	ssyncset.done $0x0  }
0x7a: {  	s25 =	sadd.s32 s21, s7;
	[sflag:s9] =	ssyncadd.s32 $0xFFFFD800  }
0x7b: {  	[hbm4b:s25+s1] =	stream.linear.scatter [tilespmem:s14], [sflag:$0x6], $0x2800, $0x38;
	[tilespmem:$0x1D500] =	vst v63  }
0x7c: {  	_ =	swait.ge [sflag:s9], $0x2800  }
0x7d: {  	[sflag:s9] =	ssyncset.done $0x0  }
0x7e: {  	p0 =	seq.s32 s21, $0x25800;
	[sflag:s9] =	ssyncadd.s32 $0xFFFFD800  }
0x7f: {  	v0 =	vld @!p0 [tilespmem:s19+$0xFFFFFDC0];
	_ =	sdelay $0x4  }
0x80: {  	v1 =	vand.u32 @!p0 $0xFFFF, v0  }
0x81: {  	v0 =	vshrl.u32 @!p0 v0, $0x10;
	[tilespmem:$0x4000] =	vst @!p0 v1  }
0x82: {  	[tilespmem:$0x4280] =	vst @!p0 v0  }
0x83: {  	v0 =	vld @!p0 [tilespmem:s19+$0xFFFFFDD0];
	_ =	sdelay $0x4  }
0x84: {  	v1 =	vand.u32 @!p0 $0xFFFF, v0  }
0x85: {  	v0 =	vshrl.u32 @!p0 v0, $0x10;
	[tilespmem:$0x4010] =	vst @!p0 v1  }
0x86: {  	[tilespmem:$0x4290] =	vst @!p0 v0  }
0x87: {  	v0 =	vld @!p0 [tilespmem:s19+$0xFFFFFDE0];
	_ =	sdelay $0x4  }
0x88: {  	v1 =	vand.u32 @!p0 $0xFFFF, v0  }
0x89: {  	v0 =	vshrl.u32 @!p0 v0, $0x10;
	[tilespmem:$0x4020] =	vst @!p0 v1  }
0x8a: {  	[tilespmem:$0x42A0] =	vst @!p0 v0  }
0x8b: {  	v0 =	vld @!p0 [tilespmem:s19+$0xFFFFFDF0];
	_ =	sdelay $0x4  }
0x8c: {  	v1 =	vand.u32 @!p0 $0xFFFF, v0  }
0x8d: {  	v0 =	vshrl.u32 @!p0 v0, $0x10;
	[tilespmem:$0x4030] =	vst @!p0 v1  }
0x8e: {  	[tilespmem:$0x42B0] =	vst @!p0 v0  }
0x8f: {  	v0 =	vld @!p0 [tilespmem:s19+$0xFFFFFE00];
	_ =	sdelay $0x4  }
0x90: {  	v1 =	vand.u32 @!p0 $0xFFFF, v0  }
0x91: {  	v0 =	vshrl.u32 @!p0 v0, $0x10;
	[tilespmem:$0x4040] =	vst @!p0 v1  }
0x92: {  	s5 =	simm.s32 @!p0 $0x50;
	s6 =	simm.s32 @!p0 $0x4000;
	s17 =	simm.s32 @!p0 $0x4500;
	[tilespmem:$0x42C0] =	vst @!p0 v0  }
0x93: {  	[tilespmem:s17], [sflag:$0x1] =	stream.indirect.gather @!p0 [hbm4b:s3+s5], $0x80, s6, s5, $0xb8;
	[tilespmem:$0x1D500] =	vst v63  }
0x94: {  	s6 =	simm.s32 @!p0 $0x4280;
	s17 =	simm.s32 @!p0 $0x10D00  }
0x95: {  	[tilespmem:s17], [sflag:$0x1] =	stream.indirect.gather @!p0 [hbm4b:s4+s5], $0x80, s6, s5, $0xb8;
	[tilespmem:$0x1D500] =	vst v63  }
0x96: {  	_ =	swait.ge [sflag:s2], $0x2800  }
0x97: {  	[sflag:s2] =	ssyncset.done $0x0  }
0x98: {  	[sflag:s2] =	ssyncadd.s32 $0xFFFFD800  }
0x99: {  	_ =	swait.ge [sflag:s2], $0x2800  }
0x9a: {  	[sflag:s2] =	ssyncset.done $0x0  }
0x9b: {  	s17 =	sadd.s32 $0x500, s23;
	[sflag:s2] =	ssyncadd.s32 $0xFFFFD800  }
0x9c: {  	[hbm4b:s17+s1] =	stream.linear.scatter [tilespmem:s16], [sflag:$0x6], $0x2800, $0x38;
	[tilespmem:$0x1D500] =	vst v63  }
0x9d: {  	_ =	swait.ge [sflag:s9], $0x2800  }
0x9e: {  	[sflag:s9] =	ssyncset.done $0x0  }
0x9f: {  	s17 =	sadd.s32 $0x500, s25;
	[sflag:s9] =	ssyncadd.s32 $0xFFFFD800  }
0xa0: {  	[hbm4b:s17+s1] =	stream.linear.scatter [tilespmem:s18], [sflag:$0x6], $0x2800, $0x38;
	[tilespmem:$0x1D500] =	vst v63  }
0xa1: {  	_ =	swait.ge [sflag:s9], $0x2800  }
0xa2: {  	[sflag:s9] =	ssyncset.done $0x0  }
0xa3: {  	[sflag:s9] =	ssyncadd.s32 $0xFFFFD800  }
0xa4: {  	v0 =	vld @!p0 [tilespmem:s19+$0xFFFFFE40];
	_ =	sdelay $0x4  }
0xa5: {  	v1 =	vand.u32 @!p0 $0xFFFF, v0  }
0xa6: {  	v0 =	vshrl.u32 @!p0 v0, $0x10;
	[tilespmem:$0x4080] =	vst @!p0 v1  }
0xa7: {  	[tilespmem:$0x4300] =	vst @!p0 v0  }
0xa8: {  	v0 =	vld @!p0 [tilespmem:s19+$0xFFFFFE50];
	_ =	sdelay $0x4  }
0xa9: {  	v1 =	vand.u32 @!p0 $0xFFFF, v0  }
0xaa: {  	v0 =	vshrl.u32 @!p0 v0, $0x10;
	[tilespmem:$0x4090] =	vst @!p0 v1  }
0xab: {  	[tilespmem:$0x4310] =	vst @!p0 v0  }
0xac: {  	v0 =	vld @!p0 [tilespmem:s19+$0xFFFFFE60];
	_ =	sdelay $0x4  }
0xad: {  	v1 =	vand.u32 @!p0 $0xFFFF, v0  }
0xae: {  	v0 =	vshrl.u32 @!p0 v0, $0x10;
	[tilespmem:$0x40A0] =	vst @!p0 v1  }
0xaf: {  	[tilespmem:$0x4320] =	vst @!p0 v0  }
0xb0: {  	v0 =	vld @!p0 [tilespmem:s19+$0xFFFFFE70];
	_ =	sdelay $0x4  }
0xb1: {  	v1 =	vand.u32 @!p0 $0xFFFF, v0  }
0xb2: {  	v0 =	vshrl.u32 @!p0 v0, $0x10;
	[tilespmem:$0x40B0] =	vst @!p0 v1  }
0xb3: {  	[tilespmem:$0x4330] =	vst @!p0 v0  }
0xb4: {  	v0 =	vld @!p0 [tilespmem:s19+$0xFFFFFE80];
	_ =	sdelay $0x4  }
0xb5: {  	v1 =	vand.u32 @!p0 $0xFFFF, v0  }
0xb6: {  	v0 =	vshrl.u32 @!p0 v0, $0x10;
	[tilespmem:$0x40C0] =	vst @!p0 v1  }
0xb7: {  	s6 =	simm.s32 @!p0 $0x4080;
	s17 =	simm.s32 @!p0 $0x6D00;
	[tilespmem:$0x4340] =	vst @!p0 v0  }
0xb8: {  	[tilespmem:s17], [sflag:$0x2] =	stream.indirect.gather @!p0 [hbm4b:s3+s5], $0x80, s6, s5, $0xb8;
	[tilespmem:$0x1D500] =	vst v63  }
0xb9: {  	s6 =	simm.s32 @!p0 $0x4300;
	s17 =	simm.s32 @!p0 $0x13500  }
0xba: {  	[tilespmem:s17], [sflag:$0x2] =	stream.indirect.gather @!p0 [hbm4b:s4+s5], $0x80, s6, s5, $0xb8;
	[tilespmem:$0x1D500] =	vst v63  }
0xbb: {  	_ =	swait.ge [sflag:s11], $0x2800  }
0xbc: {  	[sflag:s11] =	ssyncset.done $0x0  }
0xbd: {  	[sflag:s11] =	ssyncadd.s32 $0xFFFFD800  }
0xbe: {  	_ =	swait.ge [sflag:s11], $0x2800  }
0xbf: {  	[sflag:s11] =	ssyncset.done $0x0  }
0xc0: {  	s17 =	sadd.s32 $0xA00, s23;
	[sflag:s11] =	ssyncadd.s32 $0xFFFFD800  }
0xc1: {  	[hbm4b:s17+s1] =	stream.linear.scatter [tilespmem:s20], [sflag:$0x6], $0x2800, $0x38;
	[tilespmem:$0x1D500] =	vst v63  }
0xc2: {  	_ =	swait.ge [sflag:s9], $0x2800  }
0xc3: {  	[sflag:s9] =	ssyncset.done $0x0  }
0xc4: {  	s17 =	sadd.s32 $0xA00, s25;
	[sflag:s9] =	ssyncadd.s32 $0xFFFFD800  }
0xc5: {  	[hbm4b:s17+s1] =	stream.linear.scatter [tilespmem:s22], [sflag:$0x6], $0x2800, $0x38;
	[tilespmem:$0x1D500] =	vst v63  }
0xc6: {  	_ =	swait.ge [sflag:s9], $0x2800  }
0xc7: {  	[sflag:s9] =	ssyncset.done $0x0  }
0xc8: {  	[sflag:s9] =	ssyncadd.s32 $0xFFFFD800  }
0xc9: {  	v0 =	vld @!p0 [tilespmem:s19+$0xFFFFFEC0];
	_ =	sdelay $0x4  }
0xca: {  	v1 =	vand.u32 @!p0 $0xFFFF, v0  }
0xcb: {  	v0 =	vshrl.u32 @!p0 v0, $0x10;
	[tilespmem:$0x4100] =	vst @!p0 v1  }
0xcc: {  	[tilespmem:$0x4380] =	vst @!p0 v0  }
0xcd: {  	v0 =	vld @!p0 [tilespmem:s19+$0xFFFFFED0];
	_ =	sdelay $0x4  }
0xce: {  	v1 =	vand.u32 @!p0 $0xFFFF, v0  }
0xcf: {  	v0 =	vshrl.u32 @!p0 v0, $0x10;
	[tilespmem:$0x4110] =	vst @!p0 v1  }
0xd0: {  	[tilespmem:$0x4390] =	vst @!p0 v0  }
0xd1: {  	v0 =	vld @!p0 [tilespmem:s19+$0xFFFFFEE0];
	_ =	sdelay $0x4  }
0xd2: {  	v1 =	vand.u32 @!p0 $0xFFFF, v0  }
0xd3: {  	v0 =	vshrl.u32 @!p0 v0, $0x10;
	[tilespmem:$0x4120] =	vst @!p0 v1  }
0xd4: {  	[tilespmem:$0x43A0] =	vst @!p0 v0  }
0xd5: {  	v0 =	vld @!p0 [tilespmem:s19+$0xFFFFFEF0];
	_ =	sdelay $0x4  }
0xd6: {  	v1 =	vand.u32 @!p0 $0xFFFF, v0  }
0xd7: {  	v0 =	vshrl.u32 @!p0 v0, $0x10;
	[tilespmem:$0x4130] =	vst @!p0 v1  }
0xd8: {  	[tilespmem:$0x43B0] =	vst @!p0 v0  }
0xd9: {  	v0 =	vld @!p0 [tilespmem:s19+$0xFFFFFF00];
	_ =	sdelay $0x4  }
0xda: {  	v1 =	vand.u32 @!p0 $0xFFFF, v0  }
0xdb: {  	v0 =	vshrl.u32 @!p0 v0, $0x10;
	[tilespmem:$0x4140] =	vst @!p0 v1  }
0xdc: {  	s6 =	simm.s32 @!p0 $0x4100;
	s17 =	simm.s32 @!p0 $0x9500;
	[tilespmem:$0x43C0] =	vst @!p0 v0  }
0xdd: {  	[tilespmem:s17], [sflag:$0x3] =	stream.indirect.gather @!p0 [hbm4b:s3+s5], $0x80, s6, s5, $0xb8;
	[tilespmem:$0x1D500] =	vst v63  }
0xde: {  	s6 =	simm.s32 @!p0 $0x4380;
	s17 =	simm.s32 @!p0 $0x15D00  }
0xdf: {  	[tilespmem:s17], [sflag:$0x3] =	stream.indirect.gather @!p0 [hbm4b:s4+s5], $0x80, s6, s5, $0xb8;
	[tilespmem:$0x1D500] =	vst v63  }
0xe0: {  	_ =	swait.ge [sflag:s13], $0x2800  }
0xe1: {  	[sflag:s13] =	ssyncset.done $0x0  }
0xe2: {  	[sflag:s13] =	ssyncadd.s32 $0xFFFFD800  }
0xe3: {  	_ =	swait.ge [sflag:s13], $0x2800  }
0xe4: {  	[sflag:s13] =	ssyncset.done $0x0  }
0xe5: {  	s17 =	sadd.s32 $0xF00, s23;
	[sflag:s13] =	ssyncadd.s32 $0xFFFFD800  }
0xe6: {  	[hbm4b:s17+s1] =	stream.linear.scatter [tilespmem:s24], [sflag:$0x6], $0x2800, $0x38;
	[tilespmem:$0x1D500] =	vst v63  }
0xe7: {  	_ =	swait.ge [sflag:s9], $0x2800  }
0xe8: {  	[sflag:s9] =	ssyncset.done $0x0  }
0xe9: {  	s17 =	sadd.s32 $0xF00, s25;
	[sflag:s9] =	ssyncadd.s32 $0xFFFFD800  }
0xea: {  	[hbm4b:s17+s1] =	stream.linear.scatter [tilespmem:s26], [sflag:$0x6], $0x2800, $0x38;
	[tilespmem:$0x1D500] =	vst v63  }
0xeb: {  	_ =	swait.ge [sflag:s9], $0x2800  }
0xec: {  	[sflag:s9] =	ssyncset.done $0x0  }
0xed: {  	[sflag:s9] =	ssyncadd.s32 $0xFFFFD800  }
0xee: {  	v0 =	vld @!p0 [tilespmem:s19+$0xFFFFFF40];
	_ =	sdelay $0x4  }
0xef: {  	v1 =	vand.u32 @!p0 $0xFFFF, v0  }
0xf0: {  	v0 =	vshrl.u32 @!p0 v0, $0x10;
	[tilespmem:$0x4180] =	vst @!p0 v1  }
0xf1: {  	[tilespmem:$0x4400] =	vst @!p0 v0  }
0xf2: {  	v0 =	vld @!p0 [tilespmem:s19+$0xFFFFFF50];
	_ =	sdelay $0x4  }
0xf3: {  	v1 =	vand.u32 @!p0 $0xFFFF, v0  }
0xf4: {  	v0 =	vshrl.u32 @!p0 v0, $0x10;
	[tilespmem:$0x4190] =	vst @!p0 v1  }
0xf5: {  	[tilespmem:$0x4410] =	vst @!p0 v0  }
0xf6: {  	v0 =	vld @!p0 [tilespmem:s19+$0xFFFFFF60];
	_ =	sdelay $0x4  }
0xf7: {  	v1 =	vand.u32 @!p0 $0xFFFF, v0  }
0xf8: {  	v0 =	vshrl.u32 @!p0 v0, $0x10;
	[tilespmem:$0x41A0] =	vst @!p0 v1  }
0xf9: {  	[tilespmem:$0x4420] =	vst @!p0 v0  }
0xfa: {  	v0 =	vld @!p0 [tilespmem:s19+$0xFFFFFF70];
	_ =	sdelay $0x4  }
0xfb: {  	v1 =	vand.u32 @!p0 $0xFFFF, v0  }
0xfc: {  	v0 =	vshrl.u32 @!p0 v0, $0x10;
	[tilespmem:$0x41B0] =	vst @!p0 v1  }
0xfd: {  	[tilespmem:$0x4430] =	vst @!p0 v0  }
0xfe: {  	v0 =	vld @!p0 [tilespmem:s19+$0xFFFFFF80];
	_ =	sdelay $0x4  }
0xff: {  	v1 =	vand.u32 @!p0 $0xFFFF, v0  }
0x100: {  	v0 =	vshrl.u32 @!p0 v0, $0x10;
	[tilespmem:$0x41C0] =	vst @!p0 v1  }
0x101: {  	s6 =	simm.s32 @!p0 $0x4180;
	s17 =	simm.s32 @!p0 $0xBD00;
	[tilespmem:$0x4440] =	vst @!p0 v0  }
0x102: {  	[tilespmem:s17], [sflag:$0x4] =	stream.indirect.gather @!p0 [hbm4b:s3+s5], $0x80, s6, s5, $0xb8;
	[tilespmem:$0x1D500] =	vst v63  }
0x103: {  	s6 =	simm.s32 @!p0 $0x4400;
	s17 =	simm.s32 @!p0 $0x18500  }
0x104: {  	[tilespmem:s17], [sflag:$0x4] =	stream.indirect.gather @!p0 [hbm4b:s4+s5], $0x80, s6, s5, $0xb8;
	[tilespmem:$0x1D500] =	vst v63  }
0x105: {  	_ =	swait.ge [sflag:s15], $0x2800  }
0x106: {  	[sflag:s15] =	ssyncset.done $0x0  }
0x107: {  	[sflag:s15] =	ssyncadd.s32 $0xFFFFD800  }
0x108: {  	_ =	swait.ge [sflag:s15], $0x2800  }
0x109: {  	[sflag:s15] =	ssyncset.done $0x0  }
0x10a: {  	s23 =	sadd.s32 $0x1400, s23;
	[sflag:s15] =	ssyncadd.s32 $0xFFFFD800  }
0x10b: {  	[hbm4b:s23+s1] =	stream.linear.scatter [tilespmem:s29], [sflag:$0x6], $0x2800, $0x38;
	[tilespmem:$0x1D500] =	vst v63  }
0x10c: {  	_ =	swait.ge [sflag:s9], $0x2800  }
0x10d: {  	[sflag:s9] =	ssyncset.done $0x0  }
.Ltmp2:
0x10e: {  	s25 =	sadd.s32 $0x1400, s25;
	[sflag:s9] =	ssyncadd.s32 $0xFFFFD800;
	(pc) =	sbr.rel @p0 .LBB2_4-.Ltmp2, $4  }
0x10f: {  	[hbm4b:s25+s1] =	stream.linear.scatter [tilespmem:s31], [sflag:$0x6], $0x2800, $0x38;
	[tilespmem:$0x1D500] =	vst v63  }
0x110: {  	_ =	swait.ge [sflag:s9], $0x2800  }
0x111: {  	[sflag:s9] =	ssyncset.done $0x0  }
0x112: {  	[sflag:s9] =	ssyncadd.s32 $0xFFFFD800  }
0x113: {  	v0 =	vld [tilespmem:s19+$0xFFFFFFC0];
	_ =	sdelay $0x4  }
0x114: {  	v1 =	vand.u32 $0xFFFF, v0  }
0x115: {  	v0 =	vshrl.u32 v0, $0x10;
	[tilespmem:$0x4200] =	vst v1  }
0x116: {  	[tilespmem:$0x4480] =	vst v0  }
0x117: {  	v0 =	vld [tilespmem:s19+$0xFFFFFFD0];
	_ =	sdelay $0x4  }
0x118: {  	v60 =	vand.u32 $0xFFFF, v0  }
0x119: {  	v0 =	vshrl.u32 v0, $0x10;
	[tilespmem:$0x4210] =	vst v60  }
0x11a: {  	[tilespmem:$0x4490] =	vst v0  }
0x11b: {  	v0 =	vld [tilespmem:s19+$0xFFFFFFE0];
	_ =	sdelay $0x4  }
0x11c: {  	v61 =	vand.u32 $0xFFFF, v0  }
0x11d: {  	v0 =	vshrl.u32 v0, $0x10;
	[tilespmem:$0x4220] =	vst v61  }
0x11e: {  	[tilespmem:$0x44A0] =	vst v0  }
0x11f: {  	v0 =	vld [tilespmem:s19+$0xFFFFFFF0];
	_ =	sdelay $0x4  }
0x120: {  	v62 =	vand.u32 $0xFFFF, v0  }
0x121: {  	v0 =	vshrl.u32 v0, $0x10;
	[tilespmem:$0x4230] =	vst v62  }
0x122: {  	[tilespmem:$0x44B0] =	vst v0  }
0x123: {  	v0 =	vld [tilespmem:s19+$0x0];
	_ =	sdelay $0x4  }
0x124: {  	v63 =	vand.u32 $0xFFFF, v0  }
.Ltmp3:
0x125: {  	v0 =	vshrl.u32 v0, $0x10;
	[tilespmem:$0x4240] =	vst v63;
	(pc) =	sbr.rel .LBB2_2-.Ltmp3, $4  }
0x126: {  	[tilespmem:$0x44C0] =	vst v0  }
0x127: {  	[tilespmem:s29], [sflag:$0x5] =	stream.indirect.gather [hbm4b:s3+s10], $0x80, s28, s10, $0xb8;
	[tilespmem:$0x1D500] =	vst v63  }
0x128: {  	s21 =	sadd.s32 $0x1900, s21;
	s19 =	sadd.s32 $0x280, s19  }
0x129: {  	[tilespmem:s31], [sflag:$0x5] =	stream.indirect.gather [hbm4b:s4+s10], $0x80, s30, s10, $0xb8;
	[tilespmem:$0x1D500] =	vst v63  }
.LBB2_5:
0x12a: {  	_ =	sfence.sel $0x180000  }
0x12b: {  	[bflag:$0x0] =	sbarrier.arrive $0xFFFF  }
0x12c: {  	_ =	strace $0x90000047  }
0x12d: {  	s0 =	stileid.u32;
	[bflag:$0x2] =	sbarrier.arrive $0xFFFF  }
0x12e: {  	p0 =	sne.s32 s0, $0x0;
	s0 =	rddreg [dreg:$0x1]  }
0x12f: {  	s0 =	sadd.s32 @!p0 $0x100000, s0  }
0x130: {  	[sflag:s0] =	ssyncadd.tile.s32 @!p0 $0x1;
	_ =	shalt  }
.Lfunc_end2:
_tile_overlayer_lowered:
.L_overlay_start_2:
0x131: {  	(tag) =	ssettag $0x2  }
0x132: {  	s0 =	rddreg [dreg:$0x0];
	s2 =	stileid.u32  }
0x133: {  	s1 =	rddreg [dreg:$0x1];
	p0 =	sne.s32 s2, $0x0  }
0x134: {  	s3 =	rddreg [dreg:$0x2];
	[bflag:$0x3] =	sbarrier.arrive $0xFFFF;
	s2 =	simm.s32 @!p0 $0x1C06  }
0x135: {  	[timem:s3], [sflag:s2] =	dma.local @!p0 [hbm:s0], s1  }
0x136: {  	s0 =	simm.s32 @!p0 $0x6  }
0x137: {  	_ =	swait.ge @!p0 [sflag:s0], s1  }
0x138: {  	s1 =	ssub.s32 @!p0 $0x0, s1;
	[sflag:s0] =	ssyncset.done @!p0 $0x0  }
0x139: {  	[sflag:s0] =	ssyncadd.s32 @!p0 s1  }
0x13a: {  	[bflag:$0x3] =	sbarrier.arrive $0xFFFF  }
0x13b: {  	_ =	shalt  }

// kernel: kernel.9.cloned.1.call-start
scs
__scs_entry_jumppad:
0x0: {  	(pc) =	sbr.rel $0x88, $3  }
0x1: {  	(tag) =	ssettag $0x0;
	lr =	simm.s32 $0x1  }
0x2: {  	[smem:$0x3F97] =	sst lr;
	_ =	strace $0xD0000000  }
0x3: {  	_ = 	snop  }
0x4: {  	_ = 	snop  }
0x5: {  	_ = 	snop  }
0x6: {  	_ = 	snop  }
0x7: {  	_ = 	snop  }
__scs_overlays_trampoline_lowered:
0x8: {  	[smem:$0x3FA6] =	sst s0  }
0x9: {  	[smem:$0x3FA7] =	sst s1  }
0xa: {  	[smem:$0x3FA8] =	sst s2  }
0xb: {  	[smem:$0x3FA9] =	sst s3  }
0xc: {  	[smem:$0x3FAA] =	sst s4  }
0xd: {  	[smem:$0x3FAB] =	sst s5  }
0xe: {  	[smem:$0x3FAC] =	sst s6  }
0xf: {  	[smem:$0x3FAD] =	sst s7  }
0x10: {  	[smem:$0x3FAE] =	sst s8  }
0x11: {  	[smem:$0x3FAF] =	sst s9;
	s0 =	simm.s32 @!p0 $0x0  }
0x12: {  	s1 =	sld [smem:$0x3F95];
	s0 =	simm.s32 @p0 $0x1  }
0x13: {  	[smem:$0x3FB0] =	sst s0;
	s0 =	simm.s32 @!p1 $0x0  }
0x14: {  	s2 =	sld [smem:$0x3F94];
	s0 =	simm.s32 @p1 $0x1  }
0x15: {  	[smem:$0x3FB1] =	sst s0;
	s0 =	simm.s32 @!p2 $0x0  }
0x16: {  	s3 =	sld [smem:$0x3FDB];
	s0 =	simm.s32 @p2 $0x1  }
0x17: {  	s4 =	simm.s32 $0x1BF5;
	[smem:$0x3FB3] =	sst s0  }
0x18: {  	s0 =	sld [smem:$0x3F96];
	_ =	swait.ge [sflag:s4], $0x0  }
0x19: {  	s7 =	sld [smem:$0x3F97]  }
0x1a: {  	s8 =	sadd.s32 $0xFFFFE003, lr  }
0x1b: {  	s9 =	sadd.s32 $0xFFFFFEF7, lr;
	s5 =	simm.s32 $0xFFFFFFFF;
	p2 =	slt.u32 s8, $0xFFFFF086  }
0x1c: {  	p1 =	slt.u32 s9, $0xF7A;
	s5 =	simm.s32 @!p2 $0x0  }
0x1d: {  	s5 =	simm.s32 @p1 $0x1;
	p0 =	seq.s32 s7, s2  }
0x1e: {  	s7 =	smul.u32 @!p0 $0xF7A, s2;
	p2 =	seq.s32 @!p0 s5, $0x0  }
0x1f: {  	s9 =	smul.u32 $0xF7A, s1;
	s8 =	simm.s32 @!p0 $0x1BF5;
	p2 =	por !p2, p0  }
0x20: {  	[sflag:s8] =	ssyncset.s32 @!p0 $0xFFFFF086;
	s6 =	sadd.s32 @!p0 s3, s7;
	s7 =	simm.s32 @!p0 $0x108  }
0x21: {  	s3 =	sadd.s32 s3, s9;
	s6 =	sadd.s32 @!p0 $0x88, s6;
	s7 =	simm.s32 @p2 $0x1082  }
0x22: {  	[simem:s7], [sflag:s8] =	dma.local @!p0 [hbm:s6], $0xF7A  }
0x23: {  	s9 =	sor.u32 $0xD0000000, s2;
	s6 =	simm.s32 $0x108;
	_ =	swait.ge @!p0 [sflag:s8], $0x0  }
0x24: {  	s3 =	sadd.s32 $0x88, s3;
	s6 =	simm.s32 @!p1 $0x1082;
	[sflag:s4] =	ssyncset.s32 $0xFFFFF086  }
0x25: {  	[simem:s6], [sflag:s4] =	dma.local [hbm:s3], $0xF7A  }
0x26: {  	[smem:$0x3F97] =	sst s1;
	(tag) =	ssettag s2;
	_ =	strace s9  }
0x27: {  	s1 =	sld [smem:$0x3FA7]  }
0x28: {  	s2 =	sld [smem:$0x3FA8]  }
0x29: {  	s4 =	sld [smem:$0x3FAA]  }
0x2a: {  	p0 =	seq.s32 s5, $0x0;
	s5 =	sld [smem:$0x3FAB]  }
0x2b: {  	s6 =	sld [smem:$0x3FAC]  }
0x2c: {  	s7 =	sld [smem:$0x3FAD]  }
0x2d: {  	s3 =	simm.s32 $0x108;
	s8 =	sld [smem:$0x3FAE]  }
0x2e: {  	s3 =	simm.s32 @!p0 $0x1082;
	s9 =	sld [smem:$0x3FAF]  }
0x2f: {  	lr =	sadd.s32 s0, s3;
	s0 =	sld [smem:$0x3FA6]  }
0x30: {  	s3 =	sld [smem:$0x3FA9]  }
0x31: {  	[smem:$0x3FB2] =	sst s10  }
0x32: {  	s10 =	sld [smem:$0x3FB0];
	_ =	sdelay $0x3  }
0x33: {  	p0 =	seq.s32 s10, $0x1;
	s10 =	sld [smem:$0x3FB2];
	_ =	sdelay $0x3  }
0x34: {  	[smem:$0x3FB2] =	sst s10  }
0x35: {  	s10 =	sld [smem:$0x3FB1];
	_ =	sdelay $0x3  }
0x36: {  	p1 =	seq.s32 s10, $0x1;
	s10 =	sld [smem:$0x3FB2];
	_ =	sdelay $0x3  }
0x37: {  	[smem:$0x3FB2] =	sst s10  }
0x38: {  	s10 =	sld [smem:$0x3FB3]  }
0x39: {  	_ = 	snop;
	(pc) =	sbr.ind lr, $3  }
0x3a: {  	_ = 	snop  }
0x3b: {  	_ = 	snop  }
0x3c: {  	p2 =	seq.s32 s10, $0x1;
	s10 =	sld [smem:$0x3FB2]  }
0x3d: {  	_ =	shalt  }
0x3e: {  	_ =	shalt  }
0x3f: {  	_ =	shalt  }
0x40: {  	_ =	shalt  }
0x41: {  	_ =	shalt  }
0x42: {  	_ =	shalt  }
0x43: {  	_ =	shalt  }
0x44: {  	_ =	shalt  }
0x45: {  	_ =	shalt  }
0x46: {  	_ =	shalt  }
0x47: {  	_ =	shalt  }
0x48: {  	_ =	shalt  }
0x49: {  	_ =	shalt  }
0x4a: {  	_ =	shalt  }
0x4b: {  	_ =	shalt  }
0x4c: {  	_ =	shalt  }
0x4d: {  	_ =	shalt  }
0x4e: {  	_ =	shalt  }
0x4f: {  	_ =	shalt  }
0x50: {  	_ =	shalt  }
0x51: {  	_ =	shalt  }
0x52: {  	_ =	shalt  }
0x53: {  	_ =	shalt  }
0x54: {  	_ =	shalt  }
0x55: {  	_ =	shalt  }
0x56: {  	_ =	shalt  }
0x57: {  	_ =	shalt  }
0x58: {  	_ =	shalt  }
0x59: {  	_ =	shalt  }
0x5a: {  	_ =	shalt  }
0x5b: {  	_ =	shalt  }
0x5c: {  	_ =	shalt  }
0x5d: {  	_ =	shalt  }
0x5e: {  	_ =	shalt  }
0x5f: {  	_ =	shalt  }
0x60: {  	_ =	shalt  }
0x61: {  	_ =	shalt  }
0x62: {  	_ =	shalt  }
0x63: {  	_ =	shalt  }
0x64: {  	_ =	shalt  }
0x65: {  	_ =	shalt  }
0x66: {  	_ =	shalt  }
0x67: {  	_ =	shalt  }
0x68: {  	_ =	shalt  }
0x69: {  	_ =	shalt  }
0x6a: {  	_ =	shalt  }
0x6b: {  	_ =	shalt  }
0x6c: {  	_ =	shalt  }
0x6d: {  	_ =	shalt  }
0x6e: {  	_ =	shalt  }
0x6f: {  	_ =	shalt  }
0x70: {  	_ =	shalt  }
0x71: {  	_ =	shalt  }
0x72: {  	_ =	shalt  }
0x73: {  	_ =	shalt  }
0x74: {  	_ =	shalt  }
0x75: {  	_ =	shalt  }
0x76: {  	_ =	shalt  }
0x77: {  	_ =	shalt  }
0x78: {  	_ =	shalt  }
0x79: {  	_ =	shalt  }
0x7a: {  	_ =	shalt  }
0x7b: {  	_ =	shalt  }
0x7c: {  	_ =	shalt  }
0x7d: {  	_ =	shalt  }
0x7e: {  	_ =	shalt  }
0x7f: {  	_ =	shalt  }
0x80: {  	_ =	shalt  }
0x81: {  	_ =	shalt  }
0x82: {  	_ =	shalt  }
0x83: {  	_ =	shalt  }
0x84: {  	_ =	shalt  }
0x85: {  	_ =	shalt  }
0x86: {  	_ =	shalt  }
0x87: {  	_ =	shalt  }
.Lfunc_end0:
.L_simem_size_0:
called_computation.1_lowered:
.L_overlay_start_0:
0x88: {  	s2 =	sld [smem:$0x3FD9]  }
0x89: {  	s3 =	sld [smem:$0x3FFE];
	_ =	sdelay $0x1  }
0x8a: {  	s1 =	srdreg.scid  }
0x8b: {  	s0 =	sand.u32 $0x1, s1  }
0x8c: {  	s16 =	sshll.u32 s0, $0xA;
	s2 =	sadd.s32 s3, s2  }
0x8d: {  	s2 =	sadd.s32 s2, s16  }
0x8e: {  	[smem:$0x3FBE] =	sst s2  }
0x8f: {  	_ = 	snop  }
0x90: {  	(tm) =	ssettm $0x1  }
0x91: {  	s17 =	sld [smem:$0x3FFB];
	_ =	sdelay $0x3  }
0x92: {  	_ =	strace s17  }
0x93: {  	s2 =	sld [smem:$0x3FFC];
	_ =	sdelay $0x3  }
0x94: {  	_ =	strace s2  }
0x95: {  	s2 =	sld [smem:$0x3FFD];
	_ =	sdelay $0x3  }
0x96: {  	_ =	strace s2  }
0x97: {  	_ =	strace $0x8FFFFFFF  }
0x98: {  	s18 =	sld [smem:$0x3FDB];
	_ =	sdelay $0x1  }
0x99: {  	s19 =	simm.s32 $_scs_section_size  }
0x9a: {  	s4 =	simm.s32 $_size__tile_overlayer_lowered;
	s5 =	simm.s32 $_tile_overlayer_lowered  }
0x9b: {  	s22 =	simm.s32 $0x1BFF;
	s21 =	sshll.u32 s5, $0x1;
	s2 =	sadd.s32 s19, s18  }
0x9c: {  	s6 =	simm.s32 $0x0;
	s20 =	sshll.u32 s4, $0x1;
	s4 =	sadd.s32 s21, s2  }
0x9d: {  	[timem:s6], [sflag:s22] =	dma.local [hbm:s4], s20  }
0x9e: {  	_ =	swait.ge [sflag:s22], s20  }
0x9f: {  	s3 =	ssub.s32 $0x0, s20;
	[sflag:s22] =	ssyncset.done $0x0  }
0xa0: {  	[sflag:s22] =	ssyncadd.s32 s3;
	_ =	sdelay $0x1  }
0xa1: {  	s23 =	simm.s32 $0x1B8B  }
0xa2: {  	_ =	swait.ge [sflag:s23], $0x1  }
0xa3: {  	[sflag:s23] =	ssyncset.done $0x0  }
0xa4: {  	s25 =	simm.s32 $0x1B8E;
	s24 =	sld [smem:$0x3FFE];
	[sflag:s23] =	ssyncadd.s32 $0xFFFFFFFF  }
0xa5: {  	s26 =	simm.s32 $execute0_lowered;
	[smem:$0x3FD2] =	sst s25  }
0xa6: {  	s4 =	sshll.u32 s26, $0x1;
	_ =	strace $0x80000049;
	[dreg:$0x1] =	wrdreg $0xFFFFFFFF  }
0xa7: {  	s28 =	simm.s32 $_size_execute0_lowered;
	s2 =	sadd.s32 s2, s4;
	[dreg:$0x0] =	wrdreg $0x0  }
0xa8: {  	s4 =	sshll.u32 s28, $0x1;
	[dreg:$0x2] =	wrdreg s2  }
0xa9: {  	[dreg:$0x3] =	wrdreg s4  }
0xaa: {  	[dreg:$0x4] =	wrdreg $0xC0  }
0xab: {  	_ =	task [dreg:s6], $0x5FFFF  }
0xac: {  	[dreg:$0x1] =	wrdreg $0xFFFFFFFF  }
0xad: {  	[dreg:$0x0] =	wrdreg $0x60  }
0xae: {  	[dreg:$0x2] =	wrdreg s24  }
0xaf: {  	[dreg:$0x3] =	wrdreg $0x0  }
0xb0: {  	[dreg:$0x4] =	wrdreg $0x9  }
0xb1: {  	_ =	task.clear_ibuf [dreg:s6], $0x5FFFF;
	_ =	strace $0x90000049  }
0xb2: {  	s29 =	simm.s32 $0x9;
	_ =	strace $0x8000004B  }
0xb3: {  	_ =	swait.ge [sflag:s29], $0x1  }
0xb4: {  	[sflag:s29] =	ssyncadd.s32 $0xFFFFFFFF  }
0xb5: {  	_ =	strace $0x9000004B  }
0xb6: {  	_ =	sfence  }
0xb7: {  	s30 =	sld [smem:$0x0];
	_ =	sdelay $0x2  }
0xb8: {  	s31 =	sshll.u32 s1, $0xD;
	s1 =	sshrl.u32 s1, $0x2  }
0xb9: {  	s3 =	sand.u32 $0x4000, s31;
	s1 =	sadd.s32 s1, s30  }
0xba: {  	s0 =	sor.u32 s3, s0;
	s1 =	sshll.u32 s1, $0x11  }
0xbb: {  	s0 =	sor.u32 s1, s0  }
0xbc: {  	s0 =	sadd.s32 $0x8F2B, s0  }
0xbd: {  	[sflag:s0] =	ssyncadd.remote.s32 $0x1  }
0xbe: {  	_ =	sfence.sel $0xFFFF  }
0xbf: {  	[dreg:$0x0] =	wrdreg $0xFFFFFFFF;
	(pc) =	sbr.abs _section_cstart, $3  }
0xc0: {  	[dreg:$0x1] =	wrdreg $0xFFFFFFFF  }
0xc1: {  	_ =	task.clear_ibuf [dreg:s6], $0x2FFFF;
	_ =	strace $0x9FFFFFFF  }
0xc2: {  	(tm) =	ssettm $0x7FFFFFFF  }
0xc3: {  	_ =	shalt  }
tec
execute0_lowered:
.L_overlay_start_1:
0x0: {  	(tag) =	ssettag $0x1  }
0x1: {  	s4 =	rddreg [dreg:$0x0]  }
0x2: {  	s2 =	rddreg [dreg:$0x1]  }
0x3: {  	s0 =	rddreg [dreg:$0x2]  }
0x4: {  	s5 =	srdreg.scid;
	s1 =	stileid.u32;
	s3 =	simm.s32 $0x0  }
0x5: {  	s10 =	simm.s32 $0x2;
	s11 =	simm.s32 $0x280;
	s12 =	simm.s32 $0x4280  }
0x6: {  	s13 =	simm.s32 $0x50;
	s14 =	simm.s32 $0x1;
	s17 =	simm.s32 $0x0  }
0x7: {  	s5 =	sand.u32 $0x1, s5;
	s6 =	smul.u32 $0x280, s1;
	[smem:$0x7FF] =	sst s3  }
0x8: {  	s8 =	sshll.u32 s1, $0xC;
	s15 =	sshll.u32 s1, $0x6;
	s7 =	smul.u32 $0x2800, s5  }
0x9: {  	_ =	strace $0x8000004A;
	s9 =	sshll.u32 s5, $0xB;
	s5 =	ssub.s32 $0x2, s5  }
0xa: {  	s15 =	sor.u32 $0x1C02, s15;
	s8 =	sor.u32 s9, s8;
	s7 =	sadd.s32 s6, s7  }
0xb: {  	s31 =	sshrl.u32 s5, $0x1;
	s8 =	sadd.s32 s8, s4;
	s7 =	sshrl.u32 s7, $0x3  }
0xc: {  	s9 =	ssub.s32 s5, s31;
	s5 =	sadd.s32 $0x11C00, s8;
	s7 =	sadd.s32 s7, s4  }
0xd: {  	s4 =	sadd.s32 s6, s2;
	s6 =	sadd.s32 $0x1C00, s8;
	s8 =	smax.u32 s9, $0x1  }
0xe: {  	v0 =	vimm.f32 $0.0e+00;
	s9 =	simm.s32 $0x8280;
	s7 =	sadd.s32 $0x21C00, s7;
	s16 =	sshrl.u32 s4, $0x3  }
.LBB2_1:
0xf: {  	[tilespmem:$0x8280] =	vst v0  }
0x10: {  	[tilespmem:$0x8290] =	vst v0  }
0x11: {  	[tilespmem:$0x82A0] =	vst v0  }
0x12: {  	[tilespmem:$0x82B0] =	vst v0  }
0x13: {  	[tilespmem:$0x82C0] =	vst v0  }
0x14: {  	[tilespmem:$0x82D0] =	vst v0  }
0x15: {  	[tilespmem:$0x82E0] =	vst v0  }
0x16: {  	[tilespmem:$0x82F0] =	vst v0  }
0x17: {  	[tilespmem:$0x8300] =	vst v0  }
0x18: {  	[tilespmem:$0x8310] =	vst v0  }
0x19: {  	[tilespmem:$0x8320] =	vst v0  }
0x1a: {  	[tilespmem:$0x8330] =	vst v0  }
0x1b: {  	[tilespmem:$0x8340] =	vst v0  }
0x1c: {  	[tilespmem:$0x8350] =	vst v0  }
0x1d: {  	[tilespmem:$0x8360] =	vst v0  }
0x1e: {  	[tilespmem:$0x8370] =	vst v0  }
0x1f: {  	[tilespmem:$0x8380] =	vst v0  }
0x20: {  	[tilespmem:$0x8390] =	vst v0  }
0x21: {  	[tilespmem:$0x83A0] =	vst v0  }
0x22: {  	[tilespmem:$0x83B0] =	vst v0  }
0x23: {  	[tilespmem:$0x83C0] =	vst v0  }
0x24: {  	[tilespmem:$0x83D0] =	vst v0  }
0x25: {  	[tilespmem:$0x83E0] =	vst v0  }
0x26: {  	[tilespmem:$0x83F0] =	vst v0  }
0x27: {  	[tilespmem:$0x8400] =	vst v0  }
0x28: {  	[tilespmem:$0x8410] =	vst v0  }
0x29: {  	[tilespmem:$0x8420] =	vst v0  }
0x2a: {  	[tilespmem:$0x8430] =	vst v0  }
0x2b: {  	[tilespmem:$0x8440] =	vst v0  }
0x2c: {  	[tilespmem:$0x8450] =	vst v0  }
0x2d: {  	[tilespmem:$0x8460] =	vst v0  }
0x2e: {  	[tilespmem:$0x8470] =	vst v0  }
0x2f: {  	[tilespmem:$0x8480] =	vst v0  }
0x30: {  	[tilespmem:$0x8490] =	vst v0  }
0x31: {  	[tilespmem:$0x84A0] =	vst v0  }
0x32: {  	[tilespmem:$0x84B0] =	vst v0  }
0x33: {  	[tilespmem:$0x84C0] =	vst v0  }
0x34: {  	[tilespmem:$0x84D0] =	vst v0  }
0x35: {  	[tilespmem:$0x84E0] =	vst v0  }
0x36: {  	[tilespmem:$0x84F0] =	vst v0  }
0x37: {  	[spmem:s4] =	stream.linear.scatter [tilespmem:s9], [sflag:$0x2], $0x280, $0x38;
	[tilespmem:$0x8500] =	vst v63  }
0x38: {  	_ =	swait.ge [sflag:s10], $0x280  }
0x39: {  	[sflag:s10] =	ssyncset.done $0x0  }
0x3a: {  	[sflag:s10] =	ssyncadd.s32 $0xFFFFFD80  }
0x3b: {  	[tilespmem:s11], [sflag:$0x2] =	stream.linear.gather [hbm4b:s5+s3], $0x3E80, $0x38;
	[tilespmem:$0x8500] =	vst v63  }
0x3c: {  	_ =	swait.ge [sflag:s10], $0x3E80  }
0x3d: {  	[sflag:s10] =	ssyncset.done $0x0  }
0x3e: {  	[sflag:s10] =	ssyncadd.s32 $0xFFFFC180  }
0x3f: {  	[tilespmem:s12], [sflag:$0x2] =	stream.linear.gather [hbm4b:s6+s3], $0x3E80, $0x38;
	[tilespmem:$0x8500] =	vst v63  }
0x40: {  	_ =	swait.ge [sflag:s10], $0x3E80  }
0x41: {  	[sflag:s10] =	ssyncset.done $0x0  }
0x42: {  	[sflag:s10] =	ssyncadd.s32 $0xFFFFC180  }
0x43: {  	s18 =	simm.s32 $0x280;
	s19 =	simm.s32 $0x4280;
	[bflag:$0x0] =	sbarrier.arrive $0xFFFF  }
0x44: {  	[spmem:s2] =	stream.indirect.scatter.add.f32 [tilespmem:s18], [sflag:$0x1], $0x1, s19, s13, $0xb8;
	[tilespmem:$0x8500] =	vst v63  }
0x45: {  	s23 =	simm.s32 $0x300;
	s24 =	simm.s32 $0x4300  }
0x46: {  	[spmem:s2] =	stream.indirect.scatter.add.f32 [tilespmem:s23], [sflag:$0x1], $0x1, s24, s13, $0xb8;
	[tilespmem:$0x8500] =	vst v63  }
0x47: {  	s25 =	simm.s32 $0x380;
	s26 =	simm.s32 $0x4380  }
0x48: {  	[spmem:s2] =	stream.indirect.scatter.add.f32 [tilespmem:s25], [sflag:$0x1], $0x1, s26, s13, $0xb8;
	[tilespmem:$0x8500] =	vst v63  }
0x49: {  	s28 =	simm.s32 $0x400;
	s29 =	simm.s32 $0x4400  }
0x4a: {  	[spmem:s2] =	stream.indirect.scatter.add.f32 [tilespmem:s28], [sflag:$0x1], $0x1, s29, s13, $0xb8;
	[tilespmem:$0x8500] =	vst v63  }
0x4b: {  	s30 =	simm.s32 $0x480;
	s31 =	simm.s32 $0x4480  }
0x4c: {  	[spmem:s2] =	stream.indirect.scatter.add.f32 [tilespmem:s30], [sflag:$0x1], $0x1, s31, s13, $0xb8;
	[tilespmem:$0x8500] =	vst v63  }
0x4d: {  	_ =	swait.ge [sflag:s14], $0x50  }
0x4e: {  	[sflag:s14] =	ssyncset.done $0x0  }
0x4f: {  	[sflag:s14] =	ssyncadd.s32 $0xFFFFFFB0  }
0x50: {  	_ =	swait.ge [sflag:s14], $0x50  }
0x51: {  	[sflag:s14] =	ssyncset.done $0x0  }
0x52: {  	[sflag:s14] =	ssyncadd.s32 $0xFFFFFFB0  }
0x53: {  	_ =	swait.ge [sflag:s14], $0x50  }
0x54: {  	[sflag:s14] =	ssyncset.done $0x0  }
0x55: {  	[sflag:s14] =	ssyncadd.s32 $0xFFFFFFB0  }
0x56: {  	_ =	swait.ge [sflag:s14], $0x50  }
0x57: {  	[sflag:s14] =	ssyncset.done $0x0  }
0x58: {  	[sflag:s14] =	ssyncadd.s32 $0xFFFFFFB0  }
0x59: {  	_ =	swait.ge [sflag:s14], $0x50  }
0x5a: {  	s19 =	simm.s32 $0x1400;
	s18 =	simm.s32 $0x280;
	[sflag:s14] =	ssyncset.done $0x0  }
.LBB2_2:
0x5b: {  	s20 =	sadd.s32 $0x280, s18  }
0x5c: {  	s21 =	sadd.s32 $0x4280, s18;
	[sflag:s14] =	ssyncadd.s32 $0xFFFFFFB0;
	s22 =	smov.u32 s19  }
0x5d: {  	[spmem:s2] =	stream.indirect.scatter.add.f32 [tilespmem:s20], [sflag:$0x1], $0x1, s21, s13, $0xb8;
	[tilespmem:$0x8500] =	vst v63  }
0x5e: {  	s23 =	sadd.s32 $0x4300, s18;
	s20 =	sadd.s32 $0xA00, s19;
	s21 =	sadd.s32 $0x300, s18  }
0x5f: {  	[spmem:s2] =	stream.indirect.scatter.add.f32 [tilespmem:s21], [sflag:$0x1], $0x1, s23, s13, $0xb8;
	[tilespmem:$0x8500] =	vst v63  }
0x60: {  	p0 =	sne.s32 s19, $0xF000;
	s19 =	sadd.s32 $0x380, s18;
	s21 =	sadd.s32 $0x4380, s18  }
0x61: {  	[spmem:s2] =	stream.indirect.scatter.add.f32 [tilespmem:s19], [sflag:$0x1], $0x1, s21, s13, $0xb8;
	[tilespmem:$0x8500] =	vst v63  }
0x62: {  	s19 =	sadd.s32 $0x400, s18;
	s21 =	sadd.s32 $0x4400, s18  }
0x63: {  	[spmem:s2] =	stream.indirect.scatter.add.f32 [tilespmem:s19], [sflag:$0x1], $0x1, s21, s13, $0xb8;
	[tilespmem:$0x8500] =	vst v63  }
0x64: {  	s19 =	sadd.s32 $0x480, s18;
	s18 =	sadd.s32 $0x4480, s18  }
0x65: {  	[spmem:s2] =	stream.indirect.scatter.add.f32 [tilespmem:s19], [sflag:$0x1], $0x1, s18, s13, $0xb8;
	[tilespmem:$0x8500] =	vst v63  }
0x66: {  	_ =	swait.ge [sflag:s14], $0x50  }
0x67: {  	[sflag:s14] =	ssyncset.done $0x0  }
0x68: {  	[sflag:s14] =	ssyncadd.s32 $0xFFFFFFB0  }
0x69: {  	_ =	swait.ge [sflag:s14], $0x50  }
0x6a: {  	[sflag:s14] =	ssyncset.done $0x0  }
0x6b: {  	[sflag:s14] =	ssyncadd.s32 $0xFFFFFFB0  }
0x6c: {  	_ =	swait.ge [sflag:s14], $0x50  }
0x6d: {  	[sflag:s14] =	ssyncset.done $0x0  }
0x6e: {  	[sflag:s14] =	ssyncadd.s32 $0xFFFFFFB0  }
.Ltmp0:
0x6f: {  	_ =	swait.ge [sflag:s14], $0x50;
	(pc) =	sbr.rel @p0 .LBB2_2-.Ltmp0, $4  }
0x70: {  	[sflag:s14] =	ssyncset.done $0x0  }
0x71: {  	[sflag:s14] =	ssyncadd.s32 $0xFFFFFFB0  }
0x72: {  	_ =	swait.ge [sflag:s14], $0x50  }
0x73: {  	s18 =	sshra.s32 s22, $0x2;
	s19 =	smov.u32 s20;
	[sflag:s14] =	ssyncset.done $0x0  }
0x74: {  	s19 =	sadd.s32 $0x280, s18;
	s20 =	sadd.s32 $0x4280, s18;
	[sflag:s14] =	ssyncadd.s32 $0xFFFFFFB0  }
0x75: {  	[spmem:s2] =	stream.indirect.scatter.add.f32 [tilespmem:s19], [sflag:$0x1], $0x1, s20, s13, $0xb8;
	[tilespmem:$0x8500] =	vst v63  }
0x76: {  	s23 =	sadd.s32 $0x300, s18;
	s24 =	sadd.s32 $0x4300, s18  }
0x77: {  	[spmem:s2] =	stream.indirect.scatter.add.f32 [tilespmem:s23], [sflag:$0x1], $0x1, s24, s13, $0xb8;
	[tilespmem:$0x8500] =	vst v63  }
0x78: {  	s25 =	sadd.s32 $0x380, s18;
	s26 =	sadd.s32 $0x4380, s18  }
0x79: {  	[spmem:s2] =	stream.indirect.scatter.add.f32 [tilespmem:s25], [sflag:$0x1], $0x1, s26, s13, $0xb8;
	[tilespmem:$0x8500] =	vst v63  }
0x7a: {  	s28 =	sadd.s32 $0x400, s18;
	s29 =	sadd.s32 $0x4400, s18  }
0x7b: {  	[spmem:s2] =	stream.indirect.scatter.add.f32 [tilespmem:s28], [sflag:$0x1], $0x1, s29, s13, $0xb8;
	[tilespmem:$0x8500] =	vst v63  }
0x7c: {  	s30 =	sadd.s32 $0x480, s18;
	s31 =	sadd.s32 $0x4480, s18  }
0x7d: {  	[spmem:s2] =	stream.indirect.scatter.add.f32 [tilespmem:s30], [sflag:$0x1], $0x1, s31, s13, $0xb8;
	[tilespmem:$0x8500] =	vst v63  }
0x7e: {  	_ =	swait.ge [sflag:s14], $0x50  }
0x7f: {  	[sflag:s14] =	ssyncset.done $0x0  }
0x80: {  	[sflag:s14] =	ssyncadd.s32 $0xFFFFFFB0  }
0x81: {  	_ =	swait.ge [sflag:s14], $0x50  }
0x82: {  	[sflag:s14] =	ssyncset.done $0x0  }
0x83: {  	[sflag:s14] =	ssyncadd.s32 $0xFFFFFFB0  }
0x84: {  	_ =	swait.ge [sflag:s14], $0x50  }
0x85: {  	[sflag:s14] =	ssyncset.done $0x0  }
0x86: {  	[sflag:s14] =	ssyncadd.s32 $0xFFFFFFB0  }
0x87: {  	_ =	swait.ge [sflag:s14], $0x50  }
0x88: {  	[sflag:s14] =	ssyncset.done $0x0  }
0x89: {  	[sflag:s14] =	ssyncadd.s32 $0xFFFFFFB0  }
0x8a: {  	_ =	swait.ge [sflag:s14], $0x50  }
0x8b: {  	s17 =	sadd.s32 $0x1, s17;
	[sflag:s14] =	ssyncset.done $0x0  }
0x8c: {  	p0 =	sne.s32 s17, s8;
	[sflag:s14] =	ssyncadd.s32 $0xFFFFFFB0  }
.Ltmp1:
0x8d: {  	[bflag:$0x0] =	sbarrier.arrive $0xFFFF;
	(pc) =	sbr.rel @p0 .LBB2_1-.Ltmp1, $4  }
0x8e: {  	[hbm:s7], [sflag:s15] =	dma.local [spmem:s16], $0x50  }
0x8f: {  	_ =	swait.ge [sflag:s10], $0x50  }
0x90: {  	[sflag:s10] =	ssyncset.done $0x0  }
0x91: {  	[sflag:s10] =	ssyncadd.s32 $0xFFFFFFB0  }
0x92: {  	_ =	sfence.sel $0x180000  }
0x93: {  	[bflag:$0x0] =	sbarrier.arrive $0xFFFF  }
0x94: {  	p0 =	sne.s32 s1, $0x0;
	_ =	strace $0x9000004A  }
0x95: {  	s0 =	sadd.s32 @!p0 $0x100000, s0;
	[bflag:$0x2] =	sbarrier.arrive $0xFFFF  }
0x96: {  	[sflag:s0] =	ssyncadd.tile.s32 @!p0 $0x1;
	_ =	shalt  }
.Lfunc_end2:
_tile_overlayer_lowered:
.L_overlay_start_2:
0x97: {  	(tag) =	ssettag $0x2  }
0x98: {  	s0 =	rddreg [dreg:$0x0];
	s2 =	stileid.u32  }
0x99: {  	s1 =	rddreg [dreg:$0x1];
	p0 =	sne.s32 s2, $0x0  }
0x9a: {  	s3 =	rddreg [dreg:$0x2];
	[bflag:$0x3] =	sbarrier.arrive $0xFFFF;
	s2 =	simm.s32 @!p0 $0x1C02  }
0x9b: {  	[timem:s3], [sflag:s2] =	dma.local @!p0 [hbm:s0], s1  }
0x9c: {  	s0 =	simm.s32 @!p0 $0x2  }
0x9d: {  	_ =	swait.ge @!p0 [sflag:s0], s1  }
0x9e: {  	s1 =	ssub.s32 @!p0 $0x0, s1;
	[sflag:s0] =	ssyncset.done @!p0 $0x0  }
0x9f: {  	[sflag:s0] =	ssyncadd.s32 @!p0 s1  }
0xa0: {  	[bflag:$0x3] =	sbarrier.arrive $0xFFFF  }
0xa1: {  	_ =	shalt  }

</sc_bundles>
